<compile_context>
chip_gen: v7x
topology: tpu7x:2x2x1
jax: 0.10.2.dev20260603
libtpu: 0.0.44.dev20260713+nightly
codegen_flags: <defaults>
</compile_context>

<pallas_src>
import functools

import jax
import jax.numpy as jnp
from jax.experimental import pallas as pl

jax.config.update('jax_default_matmul_precision', 'float32')
from jax.experimental.pallas import tpu as pltpu

_DOWN_RATES = [1, 4, 2]
_KNNS = [16, 12, 8]



def _fps_body(x_ref, y_ref, z_ref, out_ref, *, npoint):
    x = x_ref[...]
    y = y_ref[...]
    z = z_ref[...]
    bc, n = x.shape
    iota = jax.lax.broadcasted_iota(jnp.int32, (bc, n), 1)
    iota_out = jax.lax.broadcasted_iota(jnp.int32, (bc, npoint), 1)

    def step(i, carry):
        dists, far, acc = carry
        acc = jnp.where(iota_out == i, far, acc)
        oh = (iota == far).astype(jnp.float32)
        cx = jnp.sum(x * oh, axis=1, keepdims=True)
        cy = jnp.sum(y * oh, axis=1, keepdims=True)
        cz = jnp.sum(z * oh, axis=1, keepdims=True)
        dx = x - cx
        dy = y - cy
        dz = z - cz
        d = dx * dx + dy * dy + dz * dz
        dists = jnp.minimum(dists, d)
        m = jnp.max(dists, axis=1, keepdims=True)
        far_new = jnp.min(jnp.where(dists == m, iota, n), axis=1,
                          keepdims=True).astype(jnp.int32)
        return dists, far_new, acc

    dists0 = jnp.full((bc, n), 1e10, jnp.float32)
    far0 = jnp.zeros((bc, 1), jnp.int32)
    acc0 = out_ref[...]
    _, _, acc = jax.lax.fori_loop(0, npoint, step, (dists0, far0, acc0))
    out_ref[...] = acc


def _fps_batched(xyz_all, npoint):
    bc, n, _ = xyz_all.shape
    x = xyz_all[:, :, 0]
    y = xyz_all[:, :, 1]
    z = xyz_all[:, :, 2]
    return pl.pallas_call(
        functools.partial(_fps_body, npoint=npoint),
        out_shape=jax.ShapeDtypeStruct((bc, npoint), jnp.int32),
    )(x, y, z)



def _topk_body(st_ref, q_ref, idx_ref, val_ref, *, k, ns):
    st = st_ref[0]
    q3 = q_ref[0]
    sx, sy, sz = st[:, 0:1], st[:, 1:2], st[:, 2:3]
    qx, qy, qz = q3[0:1, :], q3[1:2, :], q3[2:3, :]
    sn = (sx * sx + sy * sy) + sz * sz
    qn = (qx * qx + qy * qy) + qz * qz
    cross = (sx * qx + sy * qy) + sz * qz
    d = qn + sn - 2.0 * cross
    iota0 = jax.lax.broadcasted_iota(jnp.int32, d.shape, 0)
    idxs = []
    vals = []
    for _ in range(k):
        m = jnp.min(d, axis=0, keepdims=True)
        c = jnp.min(jnp.where(d == m, iota0, ns), axis=0, keepdims=True)
        idxs.append(c)
        vals.append(m)
        d = jnp.where(iota0 == c, jnp.inf, d)
    idx_ref[0] = jnp.concatenate(idxs, axis=0)
    val_ref[0] = jnp.concatenate(vals, axis=0)


def _knn_topk(support_t, query, k, tile=256):
    b, ns, _ = support_t.shape
    _, _, nq = query.shape
    tile = min(tile, nq)
    grid = (b, nq // tile)
    kern = pl.pallas_call(
        functools.partial(_topk_body, k=k, ns=ns),
        grid=grid,
        in_specs=[
            pl.BlockSpec((1, ns, 3), lambda bb, t: (bb, 0, 0)),
            pl.BlockSpec((1, 3, tile), lambda bb, t: (bb, 0, t)),
        ],
        out_specs=[
            pl.BlockSpec((1, k, tile), lambda bb, t: (bb, 0, t)),
            pl.BlockSpec((1, k, tile), lambda bb, t: (bb, 0, t)),
        ],
        out_shape=[
            jax.ShapeDtypeStruct((b, k, nq), jnp.int32),
            jax.ShapeDtypeStruct((b, k, nq), jnp.float32),
        ],
    )
    return kern(support_t, query)



def _conv1d(x, w, b):
    return jnp.einsum('oc,bcn->bon', w, x) + b[None, :, None]


def _conv2d(x, w, b):
    return jnp.einsum('oc,bcnk->bonk', w, x) + b[None, :, None, None]


def _bn2d(x, gamma, beta, eps=1e-5):
    mean = jnp.mean(x, axis=(0, 2, 3), keepdims=True)
    var = jnp.var(x, axis=(0, 2, 3), keepdims=True)
    xhat = (x - mean) / jnp.sqrt(var + eps)
    return gamma[None, :, None, None] * xhat + beta[None, :, None, None]


def _square_distance(a, b):
    return (jnp.sum(a * a, -1)[:, :, None] + jnp.sum(b * b, -1)[:, None, :]
            - 2.0 * jnp.einsum('bnd,bmd->bnm', a, b))


def _gather(feat, idx):
    return jax.vmap(lambda f, i: f[:, i])(feat, idx)


def _gather_nbr(feat, idx):
    b, c, ns = feat.shape
    _, nq, k = idx.shape
    ft = jnp.transpose(feat, (0, 2, 1)).reshape(b * ns, c)
    gidx = (idx + (jnp.arange(b, dtype=idx.dtype) * ns)[:, None, None]).reshape(-1)
    rows = jnp.take(ft, gidx, axis=0)
    return jnp.transpose(rows.reshape(b, nq, k, c), (0, 3, 1, 2))


def _three_inter(f, p1, p2):
    idx, val = _knn_topk(jnp.transpose(p1, (0, 2, 1)), p2, 3)
    dis = jnp.transpose(val, (0, 2, 1))
    dist_recip = 1.0 / (dis + 1e-8)
    weight = dist_recip / jnp.sum(dist_recip, axis=2, keepdims=True)
    nb = _gather_nbr(f, jnp.transpose(idx, (0, 2, 1)))
    return jnp.sum(nb * weight[:, None, :, :], axis=-1)


def _mlp_res(x, p):
    shortcut = _conv1d(x, p['ws'], p['bs'])
    h = jax.nn.relu(_conv1d(x, p['w1'], p['b1']))
    return _conv1d(h, p['w2'], p['b2']) + shortcut


def _vector_attention(p, pq, fq, ps, fs, n_knn):
    identity = fq
    q = _conv1d(fq, p['wq'], p['bq'])
    k = _conv1d(fs, p['wk'], p['bk'])
    v = _conv1d(fs, p['wv'], p['bv'])
    idx_t, _ = _knn_topk(jnp.transpose(ps, (0, 2, 1)), pq, n_knn)
    idx = jnp.transpose(idx_t, (0, 2, 1))
    g = _gather_nbr(jnp.concatenate([k, v, ps], axis=1), idx)
    key = g[:, :64]
    vg = g[:, 64:128]
    qk_rel = q[:, :, :, None] - key
    pos_rel = pq[:, :, :, None] - g[:, 128:131]
    pe = _conv2d(pos_rel, p['pw1'], p['pb1'])
    pe = jax.nn.relu(_bn2d(pe, p['pg1'], p['pbt1']))
    pe = _conv2d(pe, p['pw2'], p['pb2'])
    a = _conv2d(qk_rel + pe, p['aw1'], p['ab1'])
    a = jax.nn.relu(_bn2d(a, p['ag1'], p['abt1']))
    a = _conv2d(a, p['aw2'], p['ab2'])
    a = jax.nn.softmax(a, axis=-1)
    val = vg + pe
    agg = jnp.sum(a * val, axis=-1)
    return _conv1d(agg, p['we'], p['be']) + identity


def kernel(pq, fq, ps, fs, params):
    b, _, n = pq.shape
    xyz_all = jnp.concatenate(
        [jnp.transpose(pq, (0, 2, 1)), jnp.transpose(ps, (0, 2, 1))], axis=0)
    idx512 = _fps_batched(xyz_all, n // 4)
    fq512, fs512 = idx512[:b], idx512[b:]
    fq256, fs256 = fq512[:, :n // 8], fs512[:, :n // 8]
    fps_q = [None, fq512, fq256]
    fps_s = [None, fs512, fs256]

    num_scale = len(_DOWN_RATES)
    pre_f = None
    pre_pos = None
    for i in range(num_scale - 1, -1, -1):
        pos1 = pq if fps_q[i] is None else _gather(pq, fps_q[i])
        pos2 = ps if fps_s[i] is None else _gather(ps, fps_s[i])
        f1 = fq if fps_q[i] is None else _gather(fq, fps_q[i])
        f2 = fs if fps_s[i] is None else _gather(fs, fps_s[i])
        if i != num_scale - 1:
            proj1 = _three_inter(pre_f, pre_pos, pos1)
            proj2 = _three_inter(pre_f, pre_pos, pos2)
            f1 = _mlp_res(jnp.concatenate([f1, proj1], axis=1), params['qmlp'][i])
            f2 = _mlp_res(jnp.concatenate([f2, proj2], axis=1), params['smlp'][i])
        pre_f = _vector_attention(params['attn'][i], pos1, f1, pos2, f2, _KNNS[i])
        pre_pos = pos1
    return (pre_f, fps_q[1], fps_q[2], fps_s[1], fps_s[2])

# --- scband reference (transcript-rebuilt; emitter-appended) ---
"""Pipeline reference for scband-crt-15298673508395 (READ-ONLY COPY).

The authoritative reference and input builder live on the scoring server;
editing this copy changes nothing except your own understanding.
"""

import jax, jax.numpy as jnp
import numpy as np

DOWN_RATES = [1, 4, 2]
KNNS = [16, 12, 8]


def conv1d(x, w, b):
    return jnp.einsum('oc,bcn->bon', w, x) + b[None, :, None]


def conv2d(x, w, b):
    return jnp.einsum('oc,bcnk->bonk', w, x) + b[None, :, None, None]


def bn2d(x, gamma, beta, eps=1e-5):
    mean = jnp.mean(x, axis=(0, 2, 3), keepdims=True)
    var = jnp.var(x, axis=(0, 2, 3), keepdims=True)
    xhat = (x - mean) / jnp.sqrt(var + eps)
    return gamma[None, :, None, None] * xhat + beta[None, :, None, None]


def square_distance(a, b):
    return jnp.sum(a * a, -1)[:, :, None] + jnp.sum(b * b, -1)[:, None, :] - 2.0 * jnp.einsum('bnd,bmd->bnm', a, b)


def furthest_point_sample(xyz, npoint):
    B, N, _ = xyz.shape
    def body(i, state):
        idxs, dists, farthest = state
        idxs = idxs.at[:, i].set(farthest)
        centroid = jnp.take_along_axis(xyz, farthest[:, None, None], axis=1)
        d = jnp.sum((xyz - centroid) ** 2, axis=-1)
        dists = jnp.minimum(dists, d)
        farthest = jnp.argmax(dists, axis=-1).astype(jnp.int32)
        return idxs, dists, farthest
    idxs0 = jnp.zeros((B, npoint), dtype=jnp.int32)
    dists0 = jnp.full((B, N), 1e10, dtype=xyz.dtype)
    far0 = jnp.zeros((B,), dtype=jnp.int32)
    idxs, _, _ = jax.lax.fori_loop(0, npoint, body, (idxs0, dists0, far0))
    return idxs


def hierarchical_fps(pts):
    xyz = jnp.transpose(pts, (0, 2, 1))
    N = xyz.shape[1]
    now = N
    out = []
    for r in DOWN_RATES:
        now = now // r
        out.append(None if now == N else furthest_point_sample(xyz, now))
    return out


def gather_operation(feat, idx):
    return jax.vmap(lambda f, i: f[:, i])(feat, idx)


def grouping_operation(feat, idx):
    return jax.vmap(lambda f, i: f[:, i])(feat, idx)


def query_knn(k, support_xyz, query_xyz):
    d = square_distance(query_xyz, support_xyz)
    _, idx = jax.lax.top_k(-d, k)
    return idx


def three_inter(f, p1, p2):
    d = square_distance(jnp.transpose(p2, (0, 2, 1)), jnp.transpose(p1, (0, 2, 1)))
    negv, idx = jax.lax.top_k(-d, 3)
    dis = -negv
    dist_recip = 1.0 / (dis + 1e-8)
    weight = dist_recip / jnp.sum(dist_recip, axis=2, keepdims=True)
    nb = grouping_operation(f, idx)
    return jnp.sum(nb * weight[:, None, :, :], axis=-1)


def mlp_res(x, p):
    shortcut = conv1d(x, p['ws'], p['bs'])
    h = jax.nn.relu(conv1d(x, p['w1'], p['b1']))
    return conv1d(h, p['w2'], p['b2']) + shortcut


def vector_attention(p, pq, fq, ps, fs, n_knn):
    identity = fq
    q = conv1d(fq, p['wq'], p['bq'])
    k = conv1d(fs, p['wk'], p['bk'])
    v = conv1d(fs, p['wv'], p['bv'])
    idx = query_knn(n_knn, jnp.transpose(ps, (0, 2, 1)), jnp.transpose(pq, (0, 2, 1)))
    key = grouping_operation(k, idx)
    qk_rel = q[:, :, :, None] - key
    pos_rel = pq[:, :, :, None] - grouping_operation(ps, idx)
    pe = conv2d(pos_rel, p['pw1'], p['pb1'])
    pe = jax.nn.relu(bn2d(pe, p['pg1'], p['pbt1']))
    pe = conv2d(pe, p['pw2'], p['pb2'])
    a = conv2d(qk_rel + pe, p['aw1'], p['ab1'])
    a = jax.nn.relu(bn2d(a, p['ag1'], p['abt1']))
    a = conv2d(a, p['aw2'], p['ab2'])
    a = jax.nn.softmax(a, axis=-1)
    val = grouping_operation(v, idx) + pe
    agg = jnp.sum(a * val, axis=-1)
    return conv1d(agg, p['we'], p['be']) + identity


def crt_forward(pq, fq, ps, fs, params, fps_q, fps_s):
    num_scale = len(DOWN_RATES)
    pre_f = None
    pre_pos = None
    for i in range(num_scale - 1, -1, -1):
        pos1 = pq if fps_q[i] is None else gather_operation(pq, fps_q[i])
        pos2 = ps if fps_s[i] is None else gather_operation(ps, fps_s[i])
        f1 = fq if fps_q[i] is None else gather_operation(fq, fps_q[i])
        f2 = fs if fps_s[i] is None else gather_operation(fs, fps_s[i])
        if i != num_scale - 1:
            proj1 = three_inter(pre_f, pre_pos, pos1)
            proj2 = three_inter(pre_f, pre_pos, pos2)
            f1 = mlp_res(jnp.concatenate([f1, proj1], axis=1), params['qmlp'][i])
            f2 = mlp_res(jnp.concatenate([f2, proj2], axis=1), params['smlp'][i])
        pre_f = vector_attention(params['attn'][i], pos1, f1, pos2, f2, KNNS[i])
        pre_pos = pos1
    return pre_f


def _p(key, shape, scale=0.05):
    return (jax.random.normal(key, shape) * scale).astype(jnp.float32)


def make_attn_params(key, in_ch=128, dim=64, mult=4):
    ks = jax.random.split(key, 8)
    h = dim * mult
    return {
        'wq': _p(ks[0], (dim, in_ch)), 'bq': jnp.zeros((dim,), jnp.float32),
        'wk': _p(ks[1], (dim, in_ch)), 'bk': jnp.zeros((dim,), jnp.float32),
        'wv': _p(ks[2], (dim, in_ch)), 'bv': jnp.zeros((dim,), jnp.float32),
        'pw1': _p(ks[3], (dim, 3)), 'pb1': jnp.zeros((dim,), jnp.float32),
        'pg1': jnp.ones((dim,), jnp.float32), 'pbt1': jnp.zeros((dim,), jnp.float32),
        'pw2': _p(ks[4], (dim, dim)), 'pb2': jnp.zeros((dim,), jnp.float32),
        'aw1': _p(ks[5], (h, dim)), 'ab1': jnp.zeros((h,), jnp.float32),
        'ag1': jnp.ones((h,), jnp.float32), 'abt1': jnp.zeros((h,), jnp.float32),
        'aw2': _p(ks[6], (dim, h)), 'ab2': jnp.zeros((dim,), jnp.float32),
        'we': _p(ks[7], (in_ch, dim)), 'be': jnp.zeros((in_ch,), jnp.float32),
    }


def make_mlp_params(key, in_dim=256, hidden=128, out=128):
    ks = jax.random.split(key, 3)
    return {'w1': _p(ks[0], (hidden, in_dim)), 'b1': jnp.zeros((hidden,), jnp.float32),
            'w2': _p(ks[1], (out, hidden)), 'b2': jnp.zeros((out,), jnp.float32),
            'ws': _p(ks[2], (out, in_dim)), 'bs': jnp.zeros((out,), jnp.float32)}


def setup_inputs(seed: int = 0):
    key = jax.random.key(seed)
    ks = jax.random.split(key, 12)
    B, N, C = 4, 2048, 128
    pq = jax.random.uniform(ks[0], (B, 3, N), dtype=jnp.float32)
    fq = jax.random.normal(ks[1], (B, C, N), dtype=jnp.float32)
    ps = jax.random.uniform(ks[2], (B, 3, N), dtype=jnp.float32)
    fs = jax.random.normal(ks[3], (B, C, N), dtype=jnp.float32)
    params = {
        'attn': [make_attn_params(ks[4]), make_attn_params(ks[5]), make_attn_params(ks[6])],
        'qmlp': [make_mlp_params(ks[7]), make_mlp_params(ks[8])],
        'smlp': [make_mlp_params(ks[9]), make_mlp_params(ks[10])],
    }
    return {'pq': pq, 'fq': fq, 'ps': ps, 'fs': fs, 'params': params}


def reference(pq, fq, ps, fs, params):
    fps_q = hierarchical_fps(pq)
    fps_s = hierarchical_fps(ps)
    agg = crt_forward(pq, fq, ps, fs, params, fps_q, fps_s)
    return (agg, fps_q[1], fps_q[2], fps_s[1], fps_s[2])

if __name__ == "__main__":
    import jax
    _d = setup_inputs()
    print(jax.jit(kernel)(*tuple(_d.values())))

</pallas_src>

<mosaic_0001>
module attributes {stable_mosaic.version = 14 : i64} {
  func.func @_fps_body(%arg0: memref<8x2048xf32, #tpu.memory_space<vmem>>, %arg1: memref<8x2048xf32, #tpu.memory_space<vmem>>, %arg2: memref<8x2048xf32, #tpu.memory_space<vmem>>, %arg3: memref<8x512xi32, #tpu.memory_space<vmem>>) attributes {dimension_semantics = [], scalar_prefetch = 0 : i64, scratch_operands = 0 : i64, tpu.core_type = #tpu.core_type<tc>} {
    %get3A = arith.constant 0 : index
    %get3A_0 = arith.constant 0 : index
    %get3A_1 = vector.load %arg0[%get3A, %get3A_0] : memref<8x2048xf32, #tpu.memory_space<vmem>>, vector<8x2048xf32>
    %get3A_2 = arith.constant 0 : index
    %get3A_3 = arith.constant 0 : index
    %get3A_4 = vector.load %arg1[%get3A_2, %get3A_3] : memref<8x2048xf32, #tpu.memory_space<vmem>>, vector<8x2048xf32>
    %get3A_5 = arith.constant 0 : index
    %get3A_6 = arith.constant 0 : index
    %get3A_7 = vector.load %arg2[%get3A_5, %get3A_6] : memref<8x2048xf32, #tpu.memory_space<vmem>>, vector<8x2048xf32>
    %iota3A = tpu.iota {dimensions = array<i32: 1>} : vector<8x2048xi32>
    %iota3A_8 = tpu.iota {dimensions = array<i32: 1>} : vector<8x512xi32>
    %broadcast_in_dim3A = arith.constant 1.000000e+10 : f32
    %broadcast_in_dim3A_9 = vector.broadcast %broadcast_in_dim3A : f32 to vector<8x2048xf32>
    %broadcast_in_dim3A_10 = arith.constant 0 : i32
    %broadcast_in_dim3A_11 = vector.broadcast %broadcast_in_dim3A_10 : i32 to vector<8x1xi32>
    %get3A_12 = arith.constant 0 : index
    %get3A_13 = arith.constant 0 : index
    %get3A_14 = vector.load %arg3[%get3A_12, %get3A_13] : memref<8x512xi32, #tpu.memory_space<vmem>>, vector<8x512xi32>
    %scan3A = arith.constant 0 : i32
    %scan3A_15 = arith.constant 512 : i32
    %scan3A_16 = arith.addi %scan3A, %scan3A_15 : i32
    %scan3A_17 = arith.constant 1 : i32
    %scan3A_18:3 = scf.for %scan3A_22 = %scan3A to %scan3A_16 step %scan3A_17 iter_args(%scan3A_23 = %broadcast_in_dim3A_9, %scan3A_24 = %broadcast_in_dim3A_11, %scan3A_25 = %get3A_14) -> (vector<8x2048xf32>, vector<8x1xi32>, vector<8x512xi32>)  : i32 {
      %eq3A = vector.broadcast %scan3A_22 : i32 to vector<8x512xi32>
      %eq3A_26 = arith.cmpi eq, %iota3A_8, %eq3A : vector<8x512xi32>
      %broadcast_in_dim3A_27 = vector.shape_cast %scan3A_24 : vector<8x1xi32> to vector<8x1xi32>
      %broadcast_in_dim3A_28 = vector.broadcast %broadcast_in_dim3A_27 : vector<8x1xi32> to vector<8x512xi32>
      %select_n3A = arith.select %eq3A_26, %broadcast_in_dim3A_28, %scan3A_25 : vector<8x512xi1>, vector<8x512xi32>
      %eq3A_29 = vector.broadcast %scan3A_24 : vector<8x1xi32> to vector<8x2048xi32>
      %eq3A_30 = arith.cmpi eq, %iota3A, %eq3A_29 : vector<8x2048xi32>
      %convert_element_type3A = arith.extui %eq3A_30 : vector<8x2048xi1> to vector<8x2048xi32>
      %convert_element_type3A_31 = arith.sitofp %convert_element_type3A : vector<8x2048xi32> to vector<8x2048xf32>
      %mul3A = arith.mulf %get3A_1, %convert_element_type3A_31 : vector<8x2048xf32>
      %reduce_sum3A = arith.constant dense<0.000000e+00> : vector<8xf32>
      %reduce_sum3A_32 = vector.multi_reduction <add>, %mul3A, %reduce_sum3A [1] : vector<8x2048xf32> to vector<8xf32>
      %broadcast_in_dim3A_33 = vector.shape_cast %reduce_sum3A_32 : vector<8xf32> to vector<8x1xf32>
      %mul3A_34 = arith.mulf %get3A_4, %convert_element_type3A_31 : vector<8x2048xf32>
      %reduce_sum3A_35 = arith.constant dense<0.000000e+00> : vector<8xf32>
      %reduce_sum3A_36 = vector.multi_reduction <add>, %mul3A_34, %reduce_sum3A_35 [1] : vector<8x2048xf32> to vector<8xf32>
      %broadcast_in_dim3A_37 = vector.shape_cast %reduce_sum3A_36 : vector<8xf32> to vector<8x1xf32>
      %mul3A_38 = arith.mulf %get3A_7, %convert_element_type3A_31 : vector<8x2048xf32>
      %reduce_sum3A_39 = arith.constant dense<0.000000e+00> : vector<8xf32>
      %reduce_sum3A_40 = vector.multi_reduction <add>, %mul3A_38, %reduce_sum3A_39 [1] : vector<8x2048xf32> to vector<8xf32>
      %broadcast_in_dim3A_41 = vector.shape_cast %reduce_sum3A_40 : vector<8xf32> to vector<8x1xf32>
      %sub3A = vector.broadcast %broadcast_in_dim3A_33 : vector<8x1xf32> to vector<8x2048xf32>
      %sub3A_42 = arith.subf %get3A_1, %sub3A : vector<8x2048xf32>
      %sub3A_43 = vector.broadcast %broadcast_in_dim3A_37 : vector<8x1xf32> to vector<8x2048xf32>
      %sub3A_44 = arith.subf %get3A_4, %sub3A_43 : vector<8x2048xf32>
      %sub3A_45 = vector.broadcast %broadcast_in_dim3A_41 : vector<8x1xf32> to vector<8x2048xf32>
      %sub3A_46 = arith.subf %get3A_7, %sub3A_45 : vector<8x2048xf32>
      %mul3A_47 = arith.mulf %sub3A_42, %sub3A_42 : vector<8x2048xf32>
      %mul3A_48 = arith.mulf %sub3A_44, %sub3A_44 : vector<8x2048xf32>
      %add3A = arith.addf %mul3A_47, %mul3A_48 : vector<8x2048xf32>
      %mul3A_49 = arith.mulf %sub3A_46, %sub3A_46 : vector<8x2048xf32>
      %add3A_50 = arith.addf %add3A, %mul3A_49 : vector<8x2048xf32>
      %min3A = arith.minimumf %scan3A_23, %add3A_50 : vector<8x2048xf32>
      %reduce_max3A = arith.constant dense<0xFF800000> : vector<8xf32>
      %reduce_max3A_51 = vector.multi_reduction <maximumf>, %min3A, %reduce_max3A [1] : vector<8x2048xf32> to vector<8xf32>
      %broadcast_in_dim3A_52 = vector.shape_cast %reduce_max3A_51 : vector<8xf32> to vector<8x1xf32>
      %eq3A_53 = vector.broadcast %broadcast_in_dim3A_52 : vector<8x1xf32> to vector<8x2048xf32>
      %eq3A_54 = arith.cmpf oeq, %min3A, %eq3A_53 : vector<8x2048xf32>
      %jit3A = arith.constant 2048 : i32
      %broadcast_in_dim3A_55 = vector.broadcast %jit3A : i32 to vector<8x2048xi32>
      %select_n3A_56 = arith.select %eq3A_54, %iota3A, %broadcast_in_dim3A_55 : vector<8x2048xi1>, vector<8x2048xi32>
      %reduce_min3A = arith.constant dense<2147483647> : vector<8xi32>
      %reduce_min3A_57 = vector.multi_reduction <minsi>, %select_n3A_56, %reduce_min3A [1] : vector<8x2048xi32> to vector<8xi32>
      %broadcast_in_dim3A_58 = vector.shape_cast %reduce_min3A_57 : vector<8xi32> to vector<8x1xi32>
      scf.yield %min3A, %broadcast_in_dim3A_58, %select_n3A : vector<8x2048xf32>, vector<8x1xi32>, vector<8x512xi32>
    }
    %scan3A_19 = arith.constant 512 : i32
    %swap3A = arith.constant 0 : index
    %swap3A_20 = arith.constant 0 : index
    %swap3A_21 = vector.load %arg3[%swap3A, %swap3A_20] : memref<8x512xi32, #tpu.memory_space<vmem>>, vector<8x512xi32>
    tpu.vector_store %arg3[%swap3A, %swap3A_20], %scan3A_18#2 {strides = array<i32>} : memref<8x512xi32, #tpu.memory_space<vmem>>, vector<8x512xi32>,
    return
  }
}

module attributes {stable_mosaic.version = 14 : i64} {
  func.func @_topk_body(%arg0: i32, %arg1: i32, %arg2: memref<1x2048x3xf32, #tpu.memory_space<vmem>>, %arg3: memref<1x3x256xf32, #tpu.memory_space<vmem>>, %arg4: memref<1x16x256xi32, #tpu.memory_space<vmem>>, %arg5: memref<1x16x256xf32, #tpu.memory_space<vmem>>) attributes {dimension_semantics = [#tpu.dimension_semantics<arbitrary>, #tpu.dimension_semantics<arbitrary>], iteration_bounds = array<i64: 4, 8>, scalar_prefetch = 0 : i64, scratch_operands = 0 : i64, tpu.core_type = #tpu.core_type<tc>, window_params = [{transform_indices = @transform_0, window_bounds = array<i64: 1, 2048, 3>}, {transform_indices = @transform_1, window_bounds = array<i64: 1, 3, 256>}, {transform_indices = @transform_2, window_bounds = array<i64: 1, 16, 256>}, {transform_indices = @transform_3, window_bounds = array<i64: 1, 16, 256>}]} {
    %get3A = arith.constant 0 : index
    %get3A_0 = arith.constant 0 : index
    %get3A_1 = arith.constant 0 : index
    %get3A_2 = vector.load %arg2[%get3A, %get3A_0, %get3A_1] : memref<1x2048x3xf32, #tpu.memory_space<vmem>>, vector<1x2048x3xf32>
    %get3A_3 = vector.shape_cast %get3A_2 : vector<1x2048x3xf32> to vector<2048x3xf32>
    %get3A_4 = arith.constant 0 : index
    %get3A_5 = arith.constant 0 : index
    %get3A_6 = arith.constant 0 : index
    %get3A_7 = vector.load %arg3[%get3A_4, %get3A_5, %get3A_6] : memref<1x3x256xf32, #tpu.memory_space<vmem>>, vector<1x3x256xf32>
    %get3A_8 = vector.shape_cast %get3A_7 : vector<1x3x256xf32> to vector<3x256xf32>
    %slice3A = vector.extract_strided_slice %get3A_3 {offsets = [0, 0], sizes = [2048, 1], strides = [1, 1]} : vector<2048x3xf32> to vector<2048x1xf32>
    %slice3A_9 = vector.extract_strided_slice %get3A_3 {offsets = [0, 1], sizes = [2048, 1], strides = [1, 1]} : vector<2048x3xf32> to vector<2048x1xf32>
    %slice3A_10 = vector.extract_strided_slice %get3A_3 {offsets = [0, 2], sizes = [2048, 1], strides = [1, 1]} : vector<2048x3xf32> to vector<2048x1xf32>
    %slice3A_11 = vector.extract_strided_slice %get3A_8 {offsets = [0, 0], sizes = [1, 256], strides = [1, 1]} : vector<3x256xf32> to vector<1x256xf32>
    %slice3A_12 = vector.extract_strided_slice %get3A_8 {offsets = [1, 0], sizes = [1, 256], strides = [1, 1]} : vector<3x256xf32> to vector<1x256xf32>
    %slice3A_13 = vector.extract_strided_slice %get3A_8 {offsets = [2, 0], sizes = [1, 256], strides = [1, 1]} : vector<3x256xf32> to vector<1x256xf32>
    %mul3A = arith.mulf %slice3A, %slice3A : vector<2048x1xf32>
    %mul3A_14 = arith.mulf %slice3A_9, %slice3A_9 : vector<2048x1xf32>
    %add3A = arith.addf %mul3A, %mul3A_14 : vector<2048x1xf32>
    %mul3A_15 = arith.mulf %slice3A_10, %slice3A_10 : vector<2048x1xf32>
    %add3A_16 = arith.addf %add3A, %mul3A_15 : vector<2048x1xf32>
    %mul3A_17 = arith.mulf %slice3A_11, %slice3A_11 : vector<1x256xf32>
    %mul3A_18 = arith.mulf %slice3A_12, %slice3A_12 : vector<1x256xf32>
    %add3A_19 = arith.addf %mul3A_17, %mul3A_18 : vector<1x256xf32>
    %mul3A_20 = arith.mulf %slice3A_13, %slice3A_13 : vector<1x256xf32>
    %add3A_21 = arith.addf %add3A_19, %mul3A_20 : vector<1x256xf32>
    %mul3A_22 = vector.broadcast %slice3A : vector<2048x1xf32> to vector<2048x256xf32>
    %mul3A_23 = vector.broadcast %slice3A_11 : vector<1x256xf32> to vector<2048x256xf32>
    %mul3A_24 = arith.mulf %mul3A_22, %mul3A_23 : vector<2048x256xf32>
    %mul3A_25 = vector.broadcast %slice3A_9 : vector<2048x1xf32> to vector<2048x256xf32>
    %mul3A_26 = vector.broadcast %slice3A_12 : vector<1x256xf32> to vector<2048x256xf32>
    %mul3A_27 = arith.mulf %mul3A_25, %mul3A_26 : vector<2048x256xf32>
    %add3A_28 = arith.addf %mul3A_24, %mul3A_27 : vector<2048x256xf32>
    %mul3A_29 = vector.broadcast %slice3A_10 : vector<2048x1xf32> to vector<2048x256xf32>
    %mul3A_30 = vector.broadcast %slice3A_13 : vector<1x256xf32> to vector<2048x256xf32>
    %mul3A_31 = arith.mulf %mul3A_29, %mul3A_30 : vector<2048x256xf32>
    %add3A_32 = arith.addf %add3A_28, %mul3A_31 : vector<2048x256xf32>
    %add3A_33 = vector.broadcast %add3A_21 : vector<1x256xf32> to vector<2048x256xf32>
    %add3A_34 = vector.broadcast %add3A_16 : vector<2048x1xf32> to vector<2048x256xf32>
    %add3A_35 = arith.addf %add3A_33, %add3A_34 : vector<2048x256xf32>
    %mul3A_36 = arith.constant 2.000000e+00 : f32
    %mul3A_37 = vector.broadcast %mul3A_36 : f32 to vector<2048x256xf32>
    %mul3A_38 = arith.mulf %mul3A_37, %add3A_32 : vector<2048x256xf32>
    %sub3A = arith.subf %add3A_35, %mul3A_38 : vector<2048x256xf32>
    %iota3A = tpu.iota {dimensions = array<i32: 0>} : vector<2048x256xi32>
    %reduce_min3A = arith.constant dense<0x7F800000> : vector<256xf32>
    %reduce_min3A_39 = vector.multi_reduction <minimumf>, %sub3A, %reduce_min3A [0] : vector<2048x256xf32> to vector<256xf32>
    %broadcast_in_dim3A = vector.shape_cast %reduce_min3A_39 : vector<256xf32> to vector<1x256xf32>
    %eq3A = vector.broadcast %broadcast_in_dim3A : vector<1x256xf32> to vector<2048x256xf32>
    %eq3A_40 = arith.cmpf oeq, %sub3A, %eq3A : vector<2048x256xf32>
    %jit3A = arith.constant 2048 : i32
    %broadcast_in_dim3A_41 = vector.broadcast %jit3A : i32 to vector<2048x256xi32>
    %select_n3A = arith.select %eq3A_40, %iota3A, %broadcast_in_dim3A_41 : vector<2048x256xi1>, vector<2048x256xi32>
    %reduce_min3A_42 = arith.constant dense<2147483647> : vector<256xi32>
    %reduce_min3A_43 = vector.multi_reduction <minsi>, %select_n3A, %reduce_min3A_42 [0] : vector<2048x256xi32> to vector<256xi32>
    %broadcast_in_dim3A_44 = vector.shape_cast %reduce_min3A_43 : vector<256xi32> to vector<1x256xi32>
    %eq3A_45 = vector.broadcast %broadcast_in_dim3A_44 : vector<1x256xi32> to vector<2048x256xi32>
    %eq3A_46 = arith.cmpi eq, %iota3A, %eq3A_45 : vector<2048x256xi32>
    %jit3A_47 = arith.constant 0x7F800000 : f32
    %broadcast_in_dim3A_48 = vector.broadcast %jit3A_47 : f32 to vector<2048x256xf32>
    %select_n3A_49 = arith.select %eq3A_46, %broadcast_in_dim3A_48, %sub3A : vector<2048x256xi1>, vector<2048x256xf32>
    %reduce_min3A_50 = arith.constant dense<0x7F800000> : vector<256xf32>
    %reduce_min3A_51 = vector.multi_reduction <minimumf>, %select_n3A_49, %reduce_min3A_50 [0] : vector<2048x256xf32> to vector<256xf32>
    %broadcast_in_dim3A_52 = vector.shape_cast %reduce_min3A_51 : vector<256xf32> to vector<1x256xf32>
    %eq3A_53 = vector.broadcast %broadcast_in_dim3A_52 : vector<1x256xf32> to vector<2048x256xf32>
    %eq3A_54 = arith.cmpf oeq, %select_n3A_49, %eq3A_53 : vector<2048x256xf32>
    %jit3A_55 = arith.constant 2048 : i32
    %broadcast_in_dim3A_56 = vector.broadcast %jit3A_55 : i32 to vector<2048x256xi32>
    %select_n3A_57 = arith.select %eq3A_54, %iota3A, %broadcast_in_dim3A_56 : vector<2048x256xi1>, vector<2048x256xi32>
    %reduce_min3A_58 = arith.constant dense<2147483647> : vector<256xi32>
    %reduce_min3A_59 = vector.multi_reduction <minsi>, %select_n3A_57, %reduce_min3A_58 [0] : vector<2048x256xi32> to vector<256xi32>
    %broadcast_in_dim3A_60 = vector.shape_cast %reduce_min3A_59 : vector<256xi32> to vector<1x256xi32>
    %eq3A_61 = vector.broadcast %broadcast_in_dim3A_60 : vector<1x256xi32> to vector<2048x256xi32>
    %eq3A_62 = arith.cmpi eq, %iota3A, %eq3A_61 : vector<2048x256xi32>
    %jit3A_63 = arith.constant 0x7F800000 : f32
    %broadcast_in_dim3A_64 = vector.broadcast %jit3A_63 : f32 to vector<2048x256xf32>
    %select_n3A_65 = arith.select %eq3A_62, %broadcast_in_dim3A_64, %select_n3A_49 : vector<2048x256xi1>, vector<2048x256xf32>
    %reduce_min3A_66 = arith.constant dense<0x7F800000> : vector<256xf32>
    %reduce_min3A_67 = vector.multi_reduction <minimumf>, %select_n3A_65, %reduce_min3A_66 [0] : vector<2048x256xf32> to vector<256xf32>
    %broadcast_in_dim3A_68 = vector.shape_cast %reduce_min3A_67 : vector<256xf32> to vector<1x256xf32>
    %eq3A_69 = vector.broadcast %broadcast_in_dim3A_68 : vector<1x256xf32> to vector<2048x256xf32>
    %eq3A_70 = arith.cmpf oeq, %select_n3A_65, %eq3A_69 : vector<2048x256xf32>
    %jit3A_71 = arith.constant 2048 : i32
    %broadcast_in_dim3A_72 = vector.broadcast %jit3A_71 : i32 to vector<2048x256xi32>
    %select_n3A_73 = arith.select %eq3A_70, %iota3A, %broadcast_in_dim3A_72 : vector<2048x256xi1>, vector<2048x256xi32>
    %reduce_min3A_74 = arith.constant dense<2147483647> : vector<256xi32>
    %reduce_min3A_75 = vector.multi_reduction <minsi>, %select_n3A_73, %reduce_min3A_74 [0] : vector<2048x256xi32> to vector<256xi32>
    %broadcast_in_dim3A_76 = vector.shape_cast %reduce_min3A_75 : vector<256xi32> to vector<1x256xi32>
    %eq3A_77 = vector.broadcast %broadcast_in_dim3A_76 : vector<1x256xi32> to vector<2048x256xi32>
    %eq3A_78 = arith.cmpi eq, %iota3A, %eq3A_77 : vector<2048x256xi32>
    %jit3A_79 = arith.constant 0x7F800000 : f32
    %broadcast_in_dim3A_80 = vector.broadcast %jit3A_79 : f32 to vector<2048x256xf32>
    %select_n3A_81 = arith.select %eq3A_78, %broadcast_in_dim3A_80, %select_n3A_65 : vector<2048x256xi1>, vector<2048x256xf32>
    %reduce_min3A_82 = arith.constant dense<0x7F800000> : vector<256xf32>
    %reduce_min3A_83 = vector.multi_reduction <minimumf>, %select_n3A_81, %reduce_min3A_82 [0] : vector<2048x256xf32> to vector<256xf32>
    %broadcast_in_dim3A_84 = vector.shape_cast %reduce_min3A_83 : vector<256xf32> to vector<1x256xf32>
    %eq3A_85 = vector.broadcast %broadcast_in_dim3A_84 : vector<1x256xf32> to vector<2048x256xf32>
    %eq3A_86 = arith.cmpf oeq, %select_n3A_81, %eq3A_85 : vector<2048x256xf32>
    %jit3A_87 = arith.constant 2048 : i32
    %broadcast_in_dim3A_88 = vector.broadcast %jit3A_87 : i32 to vector<2048x256xi32>
    %select_n3A_89 = arith.select %eq3A_86, %iota3A, %broadcast_in_dim3A_88 : vector<2048x256xi1>, vector<2048x256xi32>
    %reduce_min3A_90 = arith.constant dense<2147483647> : vector<256xi32>
    %reduce_min3A_91 = vector.multi_reduction <minsi>, %select_n3A_89, %reduce_min3A_90 [0] : vector<2048x256xi32> to vector<256xi32>
    %broadcast_in_dim3A_92 = vector.shape_cast %reduce_min3A_91 : vector<256xi32> to vector<1x256xi32>
    %eq3A_93 = vector.broadcast %broadcast_in_dim3A_92 : vector<1x256xi32> to vector<2048x256xi32>
    %eq3A_94 = arith.cmpi eq, %iota3A, %eq3A_93 : vector<2048x256xi32>
    %jit3A_95 = arith.constant 0x7F800000 : f32
    %broadcast_in_dim3A_96 = vector.broadcast %jit3A_95 : f32 to vector<2048x256xf32>
    %select_n3A_97 = arith.select %eq3A_94, %broadcast_in_dim3A_96, %select_n3A_81 : vector<2048x256xi1>, vector<2048x256xf32>
    %reduce_min3A_98 = arith.constant dense<0x7F800000> : vector<256xf32>
    %reduce_min3A_99 = vector.multi_reduction <minimumf>, %select_n3A_97, %reduce_min3A_98 [0] : vector<2048x256xf32> to vector<256xf32>
    %broadcast_in_dim3A_100 = vector.shape_cast %reduce_min3A_99 : vector<256xf32> to vector<1x256xf32>
    %eq3A_101 = vector.broadcast %broadcast_in_dim3A_100 : vector<1x256xf32> to vector<2048x256xf32>
    %eq3A_102 = arith.cmpf oeq, %select_n3A_97, %eq3A_101 : vector<2048x256xf32>
    %jit3A_103 = arith.constant 2048 : i32
    %broadcast_in_dim3A_104 = vector.broadcast %jit3A_103 : i32 to vector<2048x256xi32>
    %select_n3A_105 = arith.select %eq3A_102, %iota3A, %broadcast_in_dim3A_104 : vector<2048x256xi1>, vector<2048x256xi32>
    %reduce_min3A_106 = arith.constant dense<2147483647> : vector<256xi32>
    %reduce_min3A_107 = vector.multi_reduction <minsi>, %select_n3A_105, %reduce_min3A_106 [0] : vector<2048x256xi32> to vector<256xi32>
    %broadcast_in_dim3A_108 = vector.shape_cast %reduce_min3A_107 : vector<256xi32> to vector<1x256xi32>
    %eq3A_109 = vector.broadcast %broadcast_in_dim3A_108 : vector<1x256xi32> to vector<2048x256xi32>
    %eq3A_110 = arith.cmpi eq, %iota3A, %eq3A_109 : vector<2048x256xi32>
    %jit3A_111 = arith.constant 0x7F800000 : f32
    %broadcast_in_dim3A_112 = vector.broadcast %jit3A_111 : f32 to vector<2048x256xf32>
    %select_n3A_113 = arith.select %eq3A_110, %broadcast_in_dim3A_112, %select_n3A_97 : vector<2048x256xi1>, vector<2048x256xf32>
    %reduce_min3A_114 = arith.constant dense<0x7F800000> : vector<256xf32>
    %reduce_min3A_115 = vector.multi_reduction <minimumf>, %select_n3A_113, %reduce_min3A_114 [0] : vector<2048x256xf32> to vector<256xf32>
    %broadcast_in_dim3A_116 = vector.shape_cast %reduce_min3A_115 : vector<256xf32> to vector<1x256xf32>
    %eq3A_117 = vector.broadcast %broadcast_in_dim3A_116 : vector<1x256xf32> to vector<2048x256xf32>
    %eq3A_118 = arith.cmpf oeq, %select_n3A_113, %eq3A_117 : vector<2048x256xf32>
    %jit3A_119 = arith.constant 2048 : i32
    %broadcast_in_dim3A_120 = vector.broadcast %jit3A_119 : i32 to vector<2048x256xi32>
    %select_n3A_121 = arith.select %eq3A_118, %iota3A, %broadcast_in_dim3A_120 : vector<2048x256xi1>, vector<2048x256xi32>
    %reduce_min3A_122 = arith.constant dense<2147483647> : vector<256xi32>
    %reduce_min3A_123 = vector.multi_reduction <minsi>, %select_n3A_121, %reduce_min3A_122 [0] : vector<2048x256xi32> to vector<256xi32>
    %broadcast_in_dim3A_124 = vector.shape_cast %reduce_min3A_123 : vector<256xi32> to vector<1x256xi32>
    %eq3A_125 = vector.broadcast %broadcast_in_dim3A_124 : vector<1x256xi32> to vector<2048x256xi32>
    %eq3A_126 = arith.cmpi eq, %iota3A, %eq3A_125 : vector<2048x256xi32>
    %jit3A_127 = arith.constant 0x7F800000 : f32
    %broadcast_in_dim3A_128 = vector.broadcast %jit3A_127 : f32 to vector<2048x256xf32>
    %select_n3A_129 = arith.select %eq3A_126, %broadcast_in_dim3A_128, %select_n3A_113 : vector<2048x256xi1>, vector<2048x256xf32>
    %reduce_min3A_130 = arith.constant dense<0x7F800000> : vector<256xf32>
    %reduce_min3A_131 = vector.multi_reduction <minimumf>, %select_n3A_129, %reduce_min3A_130 [0] : vector<2048x256xf32> to vector<256xf32>
    %broadcast_in_dim3A_132 = vector.shape_cast %reduce_min3A_131 : vector<256xf32> to vector<1x256xf32>
    %eq3A_133 = vector.broadcast %broadcast_in_dim3A_132 : vector<1x256xf32> to vector<2048x256xf32>
    %eq3A_134 = arith.cmpf oeq, %select_n3A_129, %eq3A_133 : vector<2048x256xf32>
    %jit3A_135 = arith.constant 2048 : i32
    %broadcast_in_dim3A_136 = vector.broadcast %jit3A_135 : i32 to vector<2048x256xi32>
    %select_n3A_137 = arith.select %eq3A_134, %iota3A, %broadcast_in_dim3A_136 : vector<2048x256xi1>, vector<2048x256xi32>
    %reduce_min3A_138 = arith.constant dense<2147483647> : vector<256xi32>
    %reduce_min3A_139 = vector.multi_reduction <minsi>, %select_n3A_137, %reduce_min3A_138 [0] : vector<2048x256xi32> to vector<256xi32>
    %broadcast_in_dim3A_140 = vector.shape_cast %reduce_min3A_139 : vector<256xi32> to vector<1x256xi32>
    %eq3A_141 = vector.broadcast %broadcast_in_dim3A_140 : vector<1x256xi32> to vector<2048x256xi32>
    %eq3A_142 = arith.cmpi eq, %iota3A, %eq3A_141 : vector<2048x256xi32>
    %jit3A_143 = arith.constant 0x7F800000 : f32
    %broadcast_in_dim3A_144 = vector.broadcast %jit3A_143 : f32 to vector<2048x256xf32>
    %select_n3A_145 = arith.select %eq3A_142, %broadcast_in_dim3A_144, %select_n3A_129 : vector<2048x256xi1>, vector<2048x256xf32>
    %reduce_min3A_146 = arith.constant dense<0x7F800000> : vector<256xf32>
    %reduce_min3A_147 = vector.multi_reduction <minimumf>, %select_n3A_145, %reduce_min3A_146 [0] : vector<2048x256xf32> to vector<256xf32>
    %broadcast_in_dim3A_148 = vector.shape_cast %reduce_min3A_147 : vector<256xf32> to vector<1x256xf32>
    %eq3A_149 = vector.broadcast %broadcast_in_dim3A_148 : vector<1x256xf32> to vector<2048x256xf32>
    %eq3A_150 = arith.cmpf oeq, %select_n3A_145, %eq3A_149 : vector<2048x256xf32>
    %jit3A_151 = arith.constant 2048 : i32
    %broadcast_in_dim3A_152 = vector.broadcast %jit3A_151 : i32 to vector<2048x256xi32>
    %select_n3A_153 = arith.select %eq3A_150, %iota3A, %broadcast_in_dim3A_152 : vector<2048x256xi1>, vector<2048x256xi32>
    %reduce_min3A_154 = arith.constant dense<2147483647> : vector<256xi32>
    %reduce_min3A_155 = vector.multi_reduction <minsi>, %select_n3A_153, %reduce_min3A_154 [0] : vector<2048x256xi32> to vector<256xi32>
    %broadcast_in_dim3A_156 = vector.shape_cast %reduce_min3A_155 : vector<256xi32> to vector<1x256xi32>
    %eq3A_157 = vector.broadcast %broadcast_in_dim3A_156 : vector<1x256xi32> to vector<2048x256xi32>
    %eq3A_158 = arith.cmpi eq, %iota3A, %eq3A_157 : vector<2048x256xi32>
    %jit3A_159 = arith.constant 0x7F800000 : f32
    %broadcast_in_dim3A_160 = vector.broadcast %jit3A_159 : f32 to vector<2048x256xf32>
    %select_n3A_161 = arith.select %eq3A_158, %broadcast_in_dim3A_160, %select_n3A_145 : vector<2048x256xi1>, vector<2048x256xf32>
    %reduce_min3A_162 = arith.constant dense<0x7F800000> : vector<256xf32>
    %reduce_min3A_163 = vector.multi_reduction <minimumf>, %select_n3A_161, %reduce_min3A_162 [0] : vector<2048x256xf32> to vector<256xf32>
    %broadcast_in_dim3A_164 = vector.shape_cast %reduce_min3A_163 : vector<256xf32> to vector<1x256xf32>
    %eq3A_165 = vector.broadcast %broadcast_in_dim3A_164 : vector<1x256xf32> to vector<2048x256xf32>
    %eq3A_166 = arith.cmpf oeq, %select_n3A_161, %eq3A_165 : vector<2048x256xf32>
    %jit3A_167 = arith.constant 2048 : i32
    %broadcast_in_dim3A_168 = vector.broadcast %jit3A_167 : i32 to vector<2048x256xi32>
    %select_n3A_169 = arith.select %eq3A_166, %iota3A, %broadcast_in_dim3A_168 : vector<2048x256xi1>, vector<2048x256xi32>
    %reduce_min3A_170 = arith.constant dense<2147483647> : vector<256xi32>
    %reduce_min3A_171 = vector.multi_reduction <minsi>, %select_n3A_169, %reduce_min3A_170 [0] : vector<2048x256xi32> to vector<256xi32>
    %broadcast_in_dim3A_172 = vector.shape_cast %reduce_min3A_171 : vector<256xi32> to vector<1x256xi32>
    %eq3A_173 = vector.broadcast %broadcast_in_dim3A_172 : vector<1x256xi32> to vector<2048x256xi32>
    %eq3A_174 = arith.cmpi eq, %iota3A, %eq3A_173 : vector<2048x256xi32>
    %jit3A_175 = arith.constant 0x7F800000 : f32
    %broadcast_in_dim3A_176 = vector.broadcast %jit3A_175 : f32 to vector<2048x256xf32>
    %select_n3A_177 = arith.select %eq3A_174, %broadcast_in_dim3A_176, %select_n3A_161 : vector<2048x256xi1>, vector<2048x256xf32>
    %reduce_min3A_178 = arith.constant dense<0x7F800000> : vector<256xf32>
    %reduce_min3A_179 = vector.multi_reduction <minimumf>, %select_n3A_177, %reduce_min3A_178 [0] : vector<2048x256xf32> to vector<256xf32>
    %broadcast_in_dim3A_180 = vector.shape_cast %reduce_min3A_179 : vector<256xf32> to vector<1x256xf32>
    %eq3A_181 = vector.broadcast %broadcast_in_dim3A_180 : vector<1x256xf32> to vector<2048x256xf32>
    %eq3A_182 = arith.cmpf oeq, %select_n3A_177, %eq3A_181 : vector<2048x256xf32>
    %jit3A_183 = arith.constant 2048 : i32
    %broadcast_in_dim3A_184 = vector.broadcast %jit3A_183 : i32 to vector<2048x256xi32>
    %select_n3A_185 = arith.select %eq3A_182, %iota3A, %broadcast_in_dim3A_184 : vector<2048x256xi1>, vector<2048x256xi32>
    %reduce_min3A_186 = arith.constant dense<2147483647> : vector<256xi32>
    %reduce_min3A_187 = vector.multi_reduction <minsi>, %select_n3A_185, %reduce_min3A_186 [0] : vector<2048x256xi32> to vector<256xi32>
    %broadcast_in_dim3A_188 = vector.shape_cast %reduce_min3A_187 : vector<256xi32> to vector<1x256xi32>
    %eq3A_189 = vector.broadcast %broadcast_in_dim3A_188 : vector<1x256xi32> to vector<2048x256xi32>
    %eq3A_190 = arith.cmpi eq, %iota3A, %eq3A_189 : vector<2048x256xi32>
    %jit3A_191 = arith.constant 0x7F800000 : f32
    %broadcast_in_dim3A_192 = vector.broadcast %jit3A_191 : f32 to vector<2048x256xf32>
    %select_n3A_193 = arith.select %eq3A_190, %broadcast_in_dim3A_192, %select_n3A_177 : vector<2048x256xi1>, vector<2048x256xf32>
    %reduce_min3A_194 = arith.constant dense<0x7F800000> : vector<256xf32>
    %reduce_min3A_195 = vector.multi_reduction <minimumf>, %select_n3A_193, %reduce_min3A_194 [0] : vector<2048x256xf32> to vector<256xf32>
    %broadcast_in_dim3A_196 = vector.shape_cast %reduce_min3A_195 : vector<256xf32> to vector<1x256xf32>
    %eq3A_197 = vector.broadcast %broadcast_in_dim3A_196 : vector<1x256xf32> to vector<2048x256xf32>
    %eq3A_198 = arith.cmpf oeq, %select_n3A_193, %eq3A_197 : vector<2048x256xf32>
    %jit3A_199 = arith.constant 2048 : i32
    %broadcast_in_dim3A_200 = vector.broadcast %jit3A_199 : i32 to vector<2048x256xi32>
    %select_n3A_201 = arith.select %eq3A_198, %iota3A, %broadcast_in_dim3A_200 : vector<2048x256xi1>, vector<2048x256xi32>
    %reduce_min3A_202 = arith.constant dense<2147483647> : vector<256xi32>
    %reduce_min3A_203 = vector.multi_reduction <minsi>, %select_n3A_201, %reduce_min3A_202 [0] : vector<2048x256xi32> to vector<256xi32>
    %broadcast_in_dim3A_204 = vector.shape_cast %reduce_min3A_203 : vector<256xi32> to vector<1x256xi32>
    %eq3A_205 = vector.broadcast %broadcast_in_dim3A_204 : vector<1x256xi32> to vector<2048x256xi32>
    %eq3A_206 = arith.cmpi eq, %iota3A, %eq3A_205 : vector<2048x256xi32>
    %jit3A_207 = arith.constant 0x7F800000 : f32
    %broadcast_in_dim3A_208 = vector.broadcast %jit3A_207 : f32 to vector<2048x256xf32>
    %select_n3A_209 = arith.select %eq3A_206, %broadcast_in_dim3A_208, %select_n3A_193 : vector<2048x256xi1>, vector<2048x256xf32>
    %reduce_min3A_210 = arith.constant dense<0x7F800000> : vector<256xf32>
    %reduce_min3A_211 = vector.multi_reduction <minimumf>, %select_n3A_209, %reduce_min3A_210 [0] : vector<2048x256xf32> to vector<256xf32>
    %broadcast_in_dim3A_212 = vector.shape_cast %reduce_min3A_211 : vector<256xf32> to vector<1x256xf32>
    %eq3A_213 = vector.broadcast %broadcast_in_dim3A_212 : vector<1x256xf32> to vector<2048x256xf32>
    %eq3A_214 = arith.cmpf oeq, %select_n3A_209, %eq3A_213 : vector<2048x256xf32>
    %jit3A_215 = arith.constant 2048 : i32
    %broadcast_in_dim3A_216 = vector.broadcast %jit3A_215 : i32 to vector<2048x256xi32>
    %select_n3A_217 = arith.select %eq3A_214, %iota3A, %broadcast_in_dim3A_216 : vector<2048x256xi1>, vector<2048x256xi32>
    %reduce_min3A_218 = arith.constant dense<2147483647> : vector<256xi32>
    %reduce_min3A_219 = vector.multi_reduction <minsi>, %select_n3A_217, %reduce_min3A_218 [0] : vector<2048x256xi32> to vector<256xi32>
    %broadcast_in_dim3A_220 = vector.shape_cast %reduce_min3A_219 : vector<256xi32> to vector<1x256xi32>
    %eq3A_221 = vector.broadcast %broadcast_in_dim3A_220 : vector<1x256xi32> to vector<2048x256xi32>
    %eq3A_222 = arith.cmpi eq, %iota3A, %eq3A_221 : vector<2048x256xi32>
    %jit3A_223 = arith.constant 0x7F800000 : f32
    %broadcast_in_dim3A_224 = vector.broadcast %jit3A_223 : f32 to vector<2048x256xf32>
    %select_n3A_225 = arith.select %eq3A_222, %broadcast_in_dim3A_224, %select_n3A_209 : vector<2048x256xi1>, vector<2048x256xf32>
    %reduce_min3A_226 = arith.constant dense<0x7F800000> : vector<256xf32>
    %reduce_min3A_227 = vector.multi_reduction <minimumf>, %select_n3A_225, %reduce_min3A_226 [0] : vector<2048x256xf32> to vector<256xf32>
    %broadcast_in_dim3A_228 = vector.shape_cast %reduce_min3A_227 : vector<256xf32> to vector<1x256xf32>
    %eq3A_229 = vector.broadcast %broadcast_in_dim3A_228 : vector<1x256xf32> to vector<2048x256xf32>
    %eq3A_230 = arith.cmpf oeq, %select_n3A_225, %eq3A_229 : vector<2048x256xf32>
    %jit3A_231 = arith.constant 2048 : i32
    %broadcast_in_dim3A_232 = vector.broadcast %jit3A_231 : i32 to vector<2048x256xi32>
    %select_n3A_233 = arith.select %eq3A_230, %iota3A, %broadcast_in_dim3A_232 : vector<2048x256xi1>, vector<2048x256xi32>
    %reduce_min3A_234 = arith.constant dense<2147483647> : vector<256xi32>
    %reduce_min3A_235 = vector.multi_reduction <minsi>, %select_n3A_233, %reduce_min3A_234 [0] : vector<2048x256xi32> to vector<256xi32>
    %broadcast_in_dim3A_236 = vector.shape_cast %reduce_min3A_235 : vector<256xi32> to vector<1x256xi32>
    %eq3A_237 = vector.broadcast %broadcast_in_dim3A_236 : vector<1x256xi32> to vector<2048x256xi32>
    %eq3A_238 = arith.cmpi eq, %iota3A, %eq3A_237 : vector<2048x256xi32>
    %jit3A_239 = arith.constant 0x7F800000 : f32
    %broadcast_in_dim3A_240 = vector.broadcast %jit3A_239 : f32 to vector<2048x256xf32>
    %select_n3A_241 = arith.select %eq3A_238, %broadcast_in_dim3A_240, %select_n3A_225 : vector<2048x256xi1>, vector<2048x256xf32>
    %reduce_min3A_242 = arith.constant dense<0x7F800000> : vector<256xf32>
    %reduce_min3A_243 = vector.multi_reduction <minimumf>, %select_n3A_241, %reduce_min3A_242 [0] : vector<2048x256xf32> to vector<256xf32>
    %broadcast_in_dim3A_244 = vector.shape_cast %reduce_min3A_243 : vector<256xf32> to vector<1x256xf32>
    %eq3A_245 = vector.broadcast %broadcast_in_dim3A_244 : vector<1x256xf32> to vector<2048x256xf32>
    %eq3A_246 = arith.cmpf oeq, %select_n3A_241, %eq3A_245 : vector<2048x256xf32>
    %jit3A_247 = arith.constant 2048 : i32
    %broadcast_in_dim3A_248 = vector.broadcast %jit3A_247 : i32 to vector<2048x256xi32>
    %select_n3A_249 = arith.select %eq3A_246, %iota3A, %broadcast_in_dim3A_248 : vector<2048x256xi1>, vector<2048x256xi32>
    %reduce_min3A_250 = arith.constant dense<2147483647> : vector<256xi32>
    %reduce_min3A_251 = vector.multi_reduction <minsi>, %select_n3A_249, %reduce_min3A_250 [0] : vector<2048x256xi32> to vector<256xi32>
    %broadcast_in_dim3A_252 = vector.shape_cast %reduce_min3A_251 : vector<256xi32> to vector<1x256xi32>
    %eq3A_253 = vector.broadcast %broadcast_in_dim3A_252 : vector<1x256xi32> to vector<2048x256xi32>
    %eq3A_254 = arith.cmpi eq, %iota3A, %eq3A_253 : vector<2048x256xi32>
    %jit3A_255 = arith.constant 0x7F800000 : f32
    %broadcast_in_dim3A_256 = vector.broadcast %jit3A_255 : f32 to vector<2048x256xf32>
    %select_n3A_257 = arith.select %eq3A_254, %broadcast_in_dim3A_256, %select_n3A_241 : vector<2048x256xi1>, vector<2048x256xf32>
    %reduce_min3A_258 = arith.constant dense<0x7F800000> : vector<256xf32>
    %reduce_min3A_259 = vector.multi_reduction <minimumf>, %select_n3A_257, %reduce_min3A_258 [0] : vector<2048x256xf32> to vector<256xf32>
    %broadcast_in_dim3A_260 = vector.shape_cast %reduce_min3A_259 : vector<256xf32> to vector<1x256xf32>
    %eq3A_261 = vector.broadcast %broadcast_in_dim3A_260 : vector<1x256xf32> to vector<2048x256xf32>
    %eq3A_262 = arith.cmpf oeq, %select_n3A_257, %eq3A_261 : vector<2048x256xf32>
    %jit3A_263 = arith.constant 2048 : i32
    %broadcast_in_dim3A_264 = vector.broadcast %jit3A_263 : i32 to vector<2048x256xi32>
    %select_n3A_265 = arith.select %eq3A_262, %iota3A, %broadcast_in_dim3A_264 : vector<2048x256xi1>, vector<2048x256xi32>
    %reduce_min3A_266 = arith.constant dense<2147483647> : vector<256xi32>
    %reduce_min3A_267 = vector.multi_reduction <minsi>, %select_n3A_265, %reduce_min3A_266 [0] : vector<2048x256xi32> to vector<256xi32>
    %broadcast_in_dim3A_268 = vector.shape_cast %reduce_min3A_267 : vector<256xi32> to vector<1x256xi32>
    %eq3A_269 = vector.broadcast %broadcast_in_dim3A_268 : vector<1x256xi32> to vector<2048x256xi32>
    %eq3A_270 = arith.cmpi eq, %iota3A, %eq3A_269 : vector<2048x256xi32>
    %jit3A_271 = arith.constant 0x7F800000 : f32
    %broadcast_in_dim3A_272 = vector.broadcast %jit3A_271 : f32 to vector<2048x256xf32>
    %select_n3A_273 = arith.select %eq3A_270, %broadcast_in_dim3A_272, %select_n3A_257 : vector<2048x256xi1>, vector<2048x256xf32>
    %reduce_min3A_274 = arith.constant dense<0x7F800000> : vector<256xf32>
    %reduce_min3A_275 = vector.multi_reduction <minimumf>, %select_n3A_273, %reduce_min3A_274 [0] : vector<2048x256xf32> to vector<256xf32>
    %broadcast_in_dim3A_276 = vector.shape_cast %reduce_min3A_275 : vector<256xf32> to vector<1x256xf32>
    %eq3A_277 = vector.broadcast %broadcast_in_dim3A_276 : vector<1x256xf32> to vector<2048x256xf32>
    %eq3A_278 = arith.cmpf oeq, %select_n3A_273, %eq3A_277 : vector<2048x256xf32>
    %jit3A_279 = arith.constant 2048 : i32
    %broadcast_in_dim3A_280 = vector.broadcast %jit3A_279 : i32 to vector<2048x256xi32>
    %select_n3A_281 = arith.select %eq3A_278, %iota3A, %broadcast_in_dim3A_280 : vector<2048x256xi1>, vector<2048x256xi32>
    %reduce_min3A_282 = arith.constant dense<2147483647> : vector<256xi32>
    %reduce_min3A_283 = vector.multi_reduction <minsi>, %select_n3A_281, %reduce_min3A_282 [0] : vector<2048x256xi32> to vector<256xi32>
    %broadcast_in_dim3A_284 = vector.shape_cast %reduce_min3A_283 : vector<256xi32> to vector<1x256xi32>
    %concatenate3A = tpu.concatenate %broadcast_in_dim3A_44, %broadcast_in_dim3A_60, %broadcast_in_dim3A_76, %broadcast_in_dim3A_92, %broadcast_in_dim3A_108, %broadcast_in_dim3A_124, %broadcast_in_dim3A_140, %broadcast_in_dim3A_156, %broadcast_in_dim3A_172, %broadcast_in_dim3A_188, %broadcast_in_dim3A_204, %broadcast_in_dim3A_220, %broadcast_in_dim3A_236, %broadcast_in_dim3A_252, %broadcast_in_dim3A_268, %broadcast_in_dim3A_284 in 0 : vector<1x256xi32>, vector<1x256xi32>, vector<1x256xi32>, vector<1x256xi32>, vector<1x256xi32>, vector<1x256xi32>, vector<1x256xi32>, vector<1x256xi32>, vector<1x256xi32>, vector<1x256xi32>, vector<1x256xi32>, vector<1x256xi32>, vector<1x256xi32>, vector<1x256xi32>, vector<1x256xi32>, vector<1x256xi32> -> vector<16x256xi32>
    %swap3A = arith.constant 0 : index
    %swap3A_285 = arith.constant 0 : index
    %swap3A_286 = arith.constant 0 : index
    %swap3A_287 = vector.load %arg4[%swap3A, %swap3A_285, %swap3A_286] : memref<1x16x256xi32, #tpu.memory_space<vmem>>, vector<1x16x256xi32>
    %swap3A_288 = vector.shape_cast %swap3A_287 : vector<1x16x256xi32> to vector<16x256xi32>
    %swap3A_289 = vector.shape_cast %concatenate3A : vector<16x256xi32> to vector<1x16x256xi32>
    tpu.vector_store %arg4[%swap3A, %swap3A_285, %swap3A_286], %swap3A_289 {strides = array<i32>} : memref<1x16x256xi32, #tpu.memory_space<vmem>>, vector<1x16x256xi32>,
    %concatenate3A_290 = tpu.concatenate %broadcast_in_dim3A, %broadcast_in_dim3A_52, %broadcast_in_dim3A_68, %broadcast_in_dim3A_84, %broadcast_in_dim3A_100, %broadcast_in_dim3A_116, %broadcast_in_dim3A_132, %broadcast_in_dim3A_148, %broadcast_in_dim3A_164, %broadcast_in_dim3A_180, %broadcast_in_dim3A_196, %broadcast_in_dim3A_212, %broadcast_in_dim3A_228, %broadcast_in_dim3A_244, %broadcast_in_dim3A_260, %broadcast_in_dim3A_276 in 0 : vector<1x256xf32>, vector<1x256xf32>, vector<1x256xf32>, vector<1x256xf32>, vector<1x256xf32>, vector<1x256xf32>, vector<1x256xf32>, vector<1x256xf32>, vector<1x256xf32>, vector<1x256xf32>, vector<1x256xf32>, vector<1x256xf32>, vector<1x256xf32>, vector<1x256xf32>, vector<1x256xf32>, vector<1x256xf32> -> vector<16x256xf32>
    %swap3A_291 = arith.constant 0 : index
    %swap3A_292 = arith.constant 0 : index
    %swap3A_293 = arith.constant 0 : index
    %swap3A_294 = vector.load %arg5[%swap3A_291, %swap3A_292, %swap3A_293] : memref<1x16x256xf32, #tpu.memory_space<vmem>>, vector<1x16x256xf32>
    %swap3A_295 = vector.shape_cast %swap3A_294 : vector<1x16x256xf32> to vector<16x256xf32>
    %swap3A_296 = vector.shape_cast %concatenate3A_290 : vector<16x256xf32> to vector<1x16x256xf32>
    tpu.vector_store %arg5[%swap3A_291, %swap3A_292, %swap3A_293], %swap3A_296 {strides = array<i32>} : memref<1x16x256xf32, #tpu.memory_space<vmem>>, vector<1x16x256xf32>,
    return
  }
  func.func @transform_0(%arg0: i32, %arg1: i32) -> (i32, i32, i32) {
    %c0_i32 = arith.constant 0 : i32
    %c0_i32_0 = arith.constant 0 : i32
    %c0_i32_1 = arith.constant 0 : i32
    return %arg0, %c0_i32, %c0_i32_0 : i32, i32, i32
  }
  func.func @transform_1(%arg0: i32, %arg1: i32) -> (i32, i32, i32) {
    %c0_i32 = arith.constant 0 : i32
    %c0_i32_0 = arith.constant 0 : i32
    return %arg0, %c0_i32, %arg1 : i32, i32, i32
  }
  func.func @transform_2(%arg0: i32, %arg1: i32) -> (i32, i32, i32) {
    %c0_i32 = arith.constant 0 : i32
    %c0_i32_0 = arith.constant 0 : i32
    return %arg0, %c0_i32, %arg1 : i32, i32, i32
  }
  func.func @transform_3(%arg0: i32, %arg1: i32) -> (i32, i32, i32) {
    %c0_i32 = arith.constant 0 : i32
    %c0_i32_0 = arith.constant 0 : i32
    return %arg0, %c0_i32, %arg1 : i32, i32, i32
  }
}

module attributes {stable_mosaic.version = 14 : i64} {
  func.func @_topk_body(%arg0: i32, %arg1: i32, %arg2: memref<1x256x3xf32, #tpu.memory_space<vmem>>, %arg3: memref<1x3x256xf32, #tpu.memory_space<vmem>>, %arg4: memref<1x8x256xi32, #tpu.memory_space<vmem>>, %arg5: memref<1x8x256xf32, #tpu.memory_space<vmem>>) attributes {dimension_semantics = [#tpu.dimension_semantics<arbitrary>, #tpu.dimension_semantics<arbitrary>], iteration_bounds = array<i64: 4, 1>, scalar_prefetch = 0 : i64, scratch_operands = 0 : i64, tpu.core_type = #tpu.core_type<tc>, window_params = [{transform_indices = @transform_0, window_bounds = array<i64: 1, 256, 3>}, {transform_indices = @transform_1, window_bounds = array<i64: 1, 3, 256>}, {transform_indices = @transform_2, window_bounds = array<i64: 1, 8, 256>}, {transform_indices = @transform_3, window_bounds = array<i64: 1, 8, 256>}]} {
    %get3A = arith.constant 0 : index
    %get3A_0 = arith.constant 0 : index
    %get3A_1 = arith.constant 0 : index
    %get3A_2 = vector.load %arg2[%get3A, %get3A_0, %get3A_1] : memref<1x256x3xf32, #tpu.memory_space<vmem>>, vector<1x256x3xf32>
    %get3A_3 = vector.shape_cast %get3A_2 : vector<1x256x3xf32> to vector<256x3xf32>
    %get3A_4 = arith.constant 0 : index
    %get3A_5 = arith.constant 0 : index
    %get3A_6 = arith.constant 0 : index
    %get3A_7 = vector.load %arg3[%get3A_4, %get3A_5, %get3A_6] : memref<1x3x256xf32, #tpu.memory_space<vmem>>, vector<1x3x256xf32>
    %get3A_8 = vector.shape_cast %get3A_7 : vector<1x3x256xf32> to vector<3x256xf32>
    %slice3A = vector.extract_strided_slice %get3A_3 {offsets = [0, 0], sizes = [256, 1], strides = [1, 1]} : vector<256x3xf32> to vector<256x1xf32>
    %slice3A_9 = vector.extract_strided_slice %get3A_3 {offsets = [0, 1], sizes = [256, 1], strides = [1, 1]} : vector<256x3xf32> to vector<256x1xf32>
    %slice3A_10 = vector.extract_strided_slice %get3A_3 {offsets = [0, 2], sizes = [256, 1], strides = [1, 1]} : vector<256x3xf32> to vector<256x1xf32>
    %slice3A_11 = vector.extract_strided_slice %get3A_8 {offsets = [0, 0], sizes = [1, 256], strides = [1, 1]} : vector<3x256xf32> to vector<1x256xf32>
    %slice3A_12 = vector.extract_strided_slice %get3A_8 {offsets = [1, 0], sizes = [1, 256], strides = [1, 1]} : vector<3x256xf32> to vector<1x256xf32>
    %slice3A_13 = vector.extract_strided_slice %get3A_8 {offsets = [2, 0], sizes = [1, 256], strides = [1, 1]} : vector<3x256xf32> to vector<1x256xf32>
    %mul3A = arith.mulf %slice3A, %slice3A : vector<256x1xf32>
    %mul3A_14 = arith.mulf %slice3A_9, %slice3A_9 : vector<256x1xf32>
    %add3A = arith.addf %mul3A, %mul3A_14 : vector<256x1xf32>
    %mul3A_15 = arith.mulf %slice3A_10, %slice3A_10 : vector<256x1xf32>
    %add3A_16 = arith.addf %add3A, %mul3A_15 : vector<256x1xf32>
    %mul3A_17 = arith.mulf %slice3A_11, %slice3A_11 : vector<1x256xf32>
    %mul3A_18 = arith.mulf %slice3A_12, %slice3A_12 : vector<1x256xf32>
    %add3A_19 = arith.addf %mul3A_17, %mul3A_18 : vector<1x256xf32>
    %mul3A_20 = arith.mulf %slice3A_13, %slice3A_13 : vector<1x256xf32>
    %add3A_21 = arith.addf %add3A_19, %mul3A_20 : vector<1x256xf32>
    %mul3A_22 = vector.broadcast %slice3A : vector<256x1xf32> to vector<256x256xf32>
    %mul3A_23 = vector.broadcast %slice3A_11 : vector<1x256xf32> to vector<256x256xf32>
    %mul3A_24 = arith.mulf %mul3A_22, %mul3A_23 : vector<256x256xf32>
    %mul3A_25 = vector.broadcast %slice3A_9 : vector<256x1xf32> to vector<256x256xf32>
    %mul3A_26 = vector.broadcast %slice3A_12 : vector<1x256xf32> to vector<256x256xf32>
    %mul3A_27 = arith.mulf %mul3A_25, %mul3A_26 : vector<256x256xf32>
    %add3A_28 = arith.addf %mul3A_24, %mul3A_27 : vector<256x256xf32>
    %mul3A_29 = vector.broadcast %slice3A_10 : vector<256x1xf32> to vector<256x256xf32>
    %mul3A_30 = vector.broadcast %slice3A_13 : vector<1x256xf32> to vector<256x256xf32>
    %mul3A_31 = arith.mulf %mul3A_29, %mul3A_30 : vector<256x256xf32>
    %add3A_32 = arith.addf %add3A_28, %mul3A_31 : vector<256x256xf32>
    %add3A_33 = vector.broadcast %add3A_21 : vector<1x256xf32> to vector<256x256xf32>
    %add3A_34 = vector.broadcast %add3A_16 : vector<256x1xf32> to vector<256x256xf32>
    %add3A_35 = arith.addf %add3A_33, %add3A_34 : vector<256x256xf32>
    %mul3A_36 = arith.constant 2.000000e+00 : f32
    %mul3A_37 = vector.broadcast %mul3A_36 : f32 to vector<256x256xf32>
    %mul3A_38 = arith.mulf %mul3A_37, %add3A_32 : vector<256x256xf32>
    %sub3A = arith.subf %add3A_35, %mul3A_38 : vector<256x256xf32>
    %iota3A = tpu.iota {dimensions = array<i32: 0>} : vector<256x256xi32>
    %reduce_min3A = arith.constant dense<0x7F800000> : vector<256xf32>
    %reduce_min3A_39 = vector.multi_reduction <minimumf>, %sub3A, %reduce_min3A [0] : vector<256x256xf32> to vector<256xf32>
    %broadcast_in_dim3A = vector.shape_cast %reduce_min3A_39 : vector<256xf32> to vector<1x256xf32>
    %eq3A = vector.broadcast %broadcast_in_dim3A : vector<1x256xf32> to vector<256x256xf32>
    %eq3A_40 = arith.cmpf oeq, %sub3A, %eq3A : vector<256x256xf32>
    %jit3A = arith.constant 256 : i32
    %broadcast_in_dim3A_41 = vector.broadcast %jit3A : i32 to vector<256x256xi32>
    %select_n3A = arith.select %eq3A_40, %iota3A, %broadcast_in_dim3A_41 : vector<256x256xi1>, vector<256x256xi32>
    %reduce_min3A_42 = arith.constant dense<2147483647> : vector<256xi32>
    %reduce_min3A_43 = vector.multi_reduction <minsi>, %select_n3A, %reduce_min3A_42 [0] : vector<256x256xi32> to vector<256xi32>
    %broadcast_in_dim3A_44 = vector.shape_cast %reduce_min3A_43 : vector<256xi32> to vector<1x256xi32>
    %eq3A_45 = vector.broadcast %broadcast_in_dim3A_44 : vector<1x256xi32> to vector<256x256xi32>
    %eq3A_46 = arith.cmpi eq, %iota3A, %eq3A_45 : vector<256x256xi32>
    %jit3A_47 = arith.constant 0x7F800000 : f32
    %broadcast_in_dim3A_48 = vector.broadcast %jit3A_47 : f32 to vector<256x256xf32>
    %select_n3A_49 = arith.select %eq3A_46, %broadcast_in_dim3A_48, %sub3A : vector<256x256xi1>, vector<256x256xf32>
    %reduce_min3A_50 = arith.constant dense<0x7F800000> : vector<256xf32>
    %reduce_min3A_51 = vector.multi_reduction <minimumf>, %select_n3A_49, %reduce_min3A_50 [0] : vector<256x256xf32> to vector<256xf32>
    %broadcast_in_dim3A_52 = vector.shape_cast %reduce_min3A_51 : vector<256xf32> to vector<1x256xf32>
    %eq3A_53 = vector.broadcast %broadcast_in_dim3A_52 : vector<1x256xf32> to vector<256x256xf32>
    %eq3A_54 = arith.cmpf oeq, %select_n3A_49, %eq3A_53 : vector<256x256xf32>
    %jit3A_55 = arith.constant 256 : i32
    %broadcast_in_dim3A_56 = vector.broadcast %jit3A_55 : i32 to vector<256x256xi32>
    %select_n3A_57 = arith.select %eq3A_54, %iota3A, %broadcast_in_dim3A_56 : vector<256x256xi1>, vector<256x256xi32>
    %reduce_min3A_58 = arith.constant dense<2147483647> : vector<256xi32>
    %reduce_min3A_59 = vector.multi_reduction <minsi>, %select_n3A_57, %reduce_min3A_58 [0] : vector<256x256xi32> to vector<256xi32>
    %broadcast_in_dim3A_60 = vector.shape_cast %reduce_min3A_59 : vector<256xi32> to vector<1x256xi32>
    %eq3A_61 = vector.broadcast %broadcast_in_dim3A_60 : vector<1x256xi32> to vector<256x256xi32>
    %eq3A_62 = arith.cmpi eq, %iota3A, %eq3A_61 : vector<256x256xi32>
    %jit3A_63 = arith.constant 0x7F800000 : f32
    %broadcast_in_dim3A_64 = vector.broadcast %jit3A_63 : f32 to vector<256x256xf32>
    %select_n3A_65 = arith.select %eq3A_62, %broadcast_in_dim3A_64, %select_n3A_49 : vector<256x256xi1>, vector<256x256xf32>
    %reduce_min3A_66 = arith.constant dense<0x7F800000> : vector<256xf32>
    %reduce_min3A_67 = vector.multi_reduction <minimumf>, %select_n3A_65, %reduce_min3A_66 [0] : vector<256x256xf32> to vector<256xf32>
    %broadcast_in_dim3A_68 = vector.shape_cast %reduce_min3A_67 : vector<256xf32> to vector<1x256xf32>
    %eq3A_69 = vector.broadcast %broadcast_in_dim3A_68 : vector<1x256xf32> to vector<256x256xf32>
    %eq3A_70 = arith.cmpf oeq, %select_n3A_65, %eq3A_69 : vector<256x256xf32>
    %jit3A_71 = arith.constant 256 : i32
    %broadcast_in_dim3A_72 = vector.broadcast %jit3A_71 : i32 to vector<256x256xi32>
    %select_n3A_73 = arith.select %eq3A_70, %iota3A, %broadcast_in_dim3A_72 : vector<256x256xi1>, vector<256x256xi32>
    %reduce_min3A_74 = arith.constant dense<2147483647> : vector<256xi32>
    %reduce_min3A_75 = vector.multi_reduction <minsi>, %select_n3A_73, %reduce_min3A_74 [0] : vector<256x256xi32> to vector<256xi32>
    %broadcast_in_dim3A_76 = vector.shape_cast %reduce_min3A_75 : vector<256xi32> to vector<1x256xi32>
    %eq3A_77 = vector.broadcast %broadcast_in_dim3A_76 : vector<1x256xi32> to vector<256x256xi32>
    %eq3A_78 = arith.cmpi eq, %iota3A, %eq3A_77 : vector<256x256xi32>
    %jit3A_79 = arith.constant 0x7F800000 : f32
    %broadcast_in_dim3A_80 = vector.broadcast %jit3A_79 : f32 to vector<256x256xf32>
    %select_n3A_81 = arith.select %eq3A_78, %broadcast_in_dim3A_80, %select_n3A_65 : vector<256x256xi1>, vector<256x256xf32>
    %reduce_min3A_82 = arith.constant dense<0x7F800000> : vector<256xf32>
    %reduce_min3A_83 = vector.multi_reduction <minimumf>, %select_n3A_81, %reduce_min3A_82 [0] : vector<256x256xf32> to vector<256xf32>
    %broadcast_in_dim3A_84 = vector.shape_cast %reduce_min3A_83 : vector<256xf32> to vector<1x256xf32>
    %eq3A_85 = vector.broadcast %broadcast_in_dim3A_84 : vector<1x256xf32> to vector<256x256xf32>
    %eq3A_86 = arith.cmpf oeq, %select_n3A_81, %eq3A_85 : vector<256x256xf32>
    %jit3A_87 = arith.constant 256 : i32
    %broadcast_in_dim3A_88 = vector.broadcast %jit3A_87 : i32 to vector<256x256xi32>
    %select_n3A_89 = arith.select %eq3A_86, %iota3A, %broadcast_in_dim3A_88 : vector<256x256xi1>, vector<256x256xi32>
    %reduce_min3A_90 = arith.constant dense<2147483647> : vector<256xi32>
    %reduce_min3A_91 = vector.multi_reduction <minsi>, %select_n3A_89, %reduce_min3A_90 [0] : vector<256x256xi32> to vector<256xi32>
    %broadcast_in_dim3A_92 = vector.shape_cast %reduce_min3A_91 : vector<256xi32> to vector<1x256xi32>
    %eq3A_93 = vector.broadcast %broadcast_in_dim3A_92 : vector<1x256xi32> to vector<256x256xi32>
    %eq3A_94 = arith.cmpi eq, %iota3A, %eq3A_93 : vector<256x256xi32>
    %jit3A_95 = arith.constant 0x7F800000 : f32
    %broadcast_in_dim3A_96 = vector.broadcast %jit3A_95 : f32 to vector<256x256xf32>
    %select_n3A_97 = arith.select %eq3A_94, %broadcast_in_dim3A_96, %select_n3A_81 : vector<256x256xi1>, vector<256x256xf32>
    %reduce_min3A_98 = arith.constant dense<0x7F800000> : vector<256xf32>
    %reduce_min3A_99 = vector.multi_reduction <minimumf>, %select_n3A_97, %reduce_min3A_98 [0] : vector<256x256xf32> to vector<256xf32>
    %broadcast_in_dim3A_100 = vector.shape_cast %reduce_min3A_99 : vector<256xf32> to vector<1x256xf32>
    %eq3A_101 = vector.broadcast %broadcast_in_dim3A_100 : vector<1x256xf32> to vector<256x256xf32>
    %eq3A_102 = arith.cmpf oeq, %select_n3A_97, %eq3A_101 : vector<256x256xf32>
    %jit3A_103 = arith.constant 256 : i32
    %broadcast_in_dim3A_104 = vector.broadcast %jit3A_103 : i32 to vector<256x256xi32>
    %select_n3A_105 = arith.select %eq3A_102, %iota3A, %broadcast_in_dim3A_104 : vector<256x256xi1>, vector<256x256xi32>
    %reduce_min3A_106 = arith.constant dense<2147483647> : vector<256xi32>
    %reduce_min3A_107 = vector.multi_reduction <minsi>, %select_n3A_105, %reduce_min3A_106 [0] : vector<256x256xi32> to vector<256xi32>
    %broadcast_in_dim3A_108 = vector.shape_cast %reduce_min3A_107 : vector<256xi32> to vector<1x256xi32>
    %eq3A_109 = vector.broadcast %broadcast_in_dim3A_108 : vector<1x256xi32> to vector<256x256xi32>
    %eq3A_110 = arith.cmpi eq, %iota3A, %eq3A_109 : vector<256x256xi32>
    %jit3A_111 = arith.constant 0x7F800000 : f32
    %broadcast_in_dim3A_112 = vector.broadcast %jit3A_111 : f32 to vector<256x256xf32>
    %select_n3A_113 = arith.select %eq3A_110, %broadcast_in_dim3A_112, %select_n3A_97 : vector<256x256xi1>, vector<256x256xf32>
    %reduce_min3A_114 = arith.constant dense<0x7F800000> : vector<256xf32>
    %reduce_min3A_115 = vector.multi_reduction <minimumf>, %select_n3A_113, %reduce_min3A_114 [0] : vector<256x256xf32> to vector<256xf32>
    %broadcast_in_dim3A_116 = vector.shape_cast %reduce_min3A_115 : vector<256xf32> to vector<1x256xf32>
    %eq3A_117 = vector.broadcast %broadcast_in_dim3A_116 : vector<1x256xf32> to vector<256x256xf32>
    %eq3A_118 = arith.cmpf oeq, %select_n3A_113, %eq3A_117 : vector<256x256xf32>
    %jit3A_119 = arith.constant 256 : i32
    %broadcast_in_dim3A_120 = vector.broadcast %jit3A_119 : i32 to vector<256x256xi32>
    %select_n3A_121 = arith.select %eq3A_118, %iota3A, %broadcast_in_dim3A_120 : vector<256x256xi1>, vector<256x256xi32>
    %reduce_min3A_122 = arith.constant dense<2147483647> : vector<256xi32>
    %reduce_min3A_123 = vector.multi_reduction <minsi>, %select_n3A_121, %reduce_min3A_122 [0] : vector<256x256xi32> to vector<256xi32>
    %broadcast_in_dim3A_124 = vector.shape_cast %reduce_min3A_123 : vector<256xi32> to vector<1x256xi32>
    %eq3A_125 = vector.broadcast %broadcast_in_dim3A_124 : vector<1x256xi32> to vector<256x256xi32>
    %eq3A_126 = arith.cmpi eq, %iota3A, %eq3A_125 : vector<256x256xi32>
    %jit3A_127 = arith.constant 0x7F800000 : f32
    %broadcast_in_dim3A_128 = vector.broadcast %jit3A_127 : f32 to vector<256x256xf32>
    %select_n3A_129 = arith.select %eq3A_126, %broadcast_in_dim3A_128, %select_n3A_113 : vector<256x256xi1>, vector<256x256xf32>
    %reduce_min3A_130 = arith.constant dense<0x7F800000> : vector<256xf32>
    %reduce_min3A_131 = vector.multi_reduction <minimumf>, %select_n3A_129, %reduce_min3A_130 [0] : vector<256x256xf32> to vector<256xf32>
    %broadcast_in_dim3A_132 = vector.shape_cast %reduce_min3A_131 : vector<256xf32> to vector<1x256xf32>
    %eq3A_133 = vector.broadcast %broadcast_in_dim3A_132 : vector<1x256xf32> to vector<256x256xf32>
    %eq3A_134 = arith.cmpf oeq, %select_n3A_129, %eq3A_133 : vector<256x256xf32>
    %jit3A_135 = arith.constant 256 : i32
    %broadcast_in_dim3A_136 = vector.broadcast %jit3A_135 : i32 to vector<256x256xi32>
    %select_n3A_137 = arith.select %eq3A_134, %iota3A, %broadcast_in_dim3A_136 : vector<256x256xi1>, vector<256x256xi32>
    %reduce_min3A_138 = arith.constant dense<2147483647> : vector<256xi32>
    %reduce_min3A_139 = vector.multi_reduction <minsi>, %select_n3A_137, %reduce_min3A_138 [0] : vector<256x256xi32> to vector<256xi32>
    %broadcast_in_dim3A_140 = vector.shape_cast %reduce_min3A_139 : vector<256xi32> to vector<1x256xi32>
    %eq3A_141 = vector.broadcast %broadcast_in_dim3A_140 : vector<1x256xi32> to vector<256x256xi32>
    %eq3A_142 = arith.cmpi eq, %iota3A, %eq3A_141 : vector<256x256xi32>
    %jit3A_143 = arith.constant 0x7F800000 : f32
    %broadcast_in_dim3A_144 = vector.broadcast %jit3A_143 : f32 to vector<256x256xf32>
    %select_n3A_145 = arith.select %eq3A_142, %broadcast_in_dim3A_144, %select_n3A_129 : vector<256x256xi1>, vector<256x256xf32>
    %reduce_min3A_146 = arith.constant dense<0x7F800000> : vector<256xf32>
    %reduce_min3A_147 = vector.multi_reduction <minimumf>, %select_n3A_145, %reduce_min3A_146 [0] : vector<256x256xf32> to vector<256xf32>
    %broadcast_in_dim3A_148 = vector.shape_cast %reduce_min3A_147 : vector<256xf32> to vector<1x256xf32>
    %eq3A_149 = vector.broadcast %broadcast_in_dim3A_148 : vector<1x256xf32> to vector<256x256xf32>
    %eq3A_150 = arith.cmpf oeq, %select_n3A_145, %eq3A_149 : vector<256x256xf32>
    %jit3A_151 = arith.constant 256 : i32
    %broadcast_in_dim3A_152 = vector.broadcast %jit3A_151 : i32 to vector<256x256xi32>
    %select_n3A_153 = arith.select %eq3A_150, %iota3A, %broadcast_in_dim3A_152 : vector<256x256xi1>, vector<256x256xi32>
    %reduce_min3A_154 = arith.constant dense<2147483647> : vector<256xi32>
    %reduce_min3A_155 = vector.multi_reduction <minsi>, %select_n3A_153, %reduce_min3A_154 [0] : vector<256x256xi32> to vector<256xi32>
    %broadcast_in_dim3A_156 = vector.shape_cast %reduce_min3A_155 : vector<256xi32> to vector<1x256xi32>
    %concatenate3A = tpu.concatenate %broadcast_in_dim3A_44, %broadcast_in_dim3A_60, %broadcast_in_dim3A_76, %broadcast_in_dim3A_92, %broadcast_in_dim3A_108, %broadcast_in_dim3A_124, %broadcast_in_dim3A_140, %broadcast_in_dim3A_156 in 0 : vector<1x256xi32>, vector<1x256xi32>, vector<1x256xi32>, vector<1x256xi32>, vector<1x256xi32>, vector<1x256xi32>, vector<1x256xi32>, vector<1x256xi32> -> vector<8x256xi32>
    %swap3A = arith.constant 0 : index
    %swap3A_157 = arith.constant 0 : index
    %swap3A_158 = arith.constant 0 : index
    %swap3A_159 = vector.load %arg4[%swap3A, %swap3A_157, %swap3A_158] : memref<1x8x256xi32, #tpu.memory_space<vmem>>, vector<1x8x256xi32>
    %swap3A_160 = vector.shape_cast %swap3A_159 : vector<1x8x256xi32> to vector<8x256xi32>
    %swap3A_161 = vector.shape_cast %concatenate3A : vector<8x256xi32> to vector<1x8x256xi32>
    tpu.vector_store %arg4[%swap3A, %swap3A_157, %swap3A_158], %swap3A_161 {strides = array<i32>} : memref<1x8x256xi32, #tpu.memory_space<vmem>>, vector<1x8x256xi32>,
    %concatenate3A_162 = tpu.concatenate %broadcast_in_dim3A, %broadcast_in_dim3A_52, %broadcast_in_dim3A_68, %broadcast_in_dim3A_84, %broadcast_in_dim3A_100, %broadcast_in_dim3A_116, %broadcast_in_dim3A_132, %broadcast_in_dim3A_148 in 0 : vector<1x256xf32>, vector<1x256xf32>, vector<1x256xf32>, vector<1x256xf32>, vector<1x256xf32>, vector<1x256xf32>, vector<1x256xf32>, vector<1x256xf32> -> vector<8x256xf32>
    %swap3A_163 = arith.constant 0 : index
    %swap3A_164 = arith.constant 0 : index
    %swap3A_165 = arith.constant 0 : index
    %swap3A_166 = vector.load %arg5[%swap3A_163, %swap3A_164, %swap3A_165] : memref<1x8x256xf32, #tpu.memory_space<vmem>>, vector<1x8x256xf32>
    %swap3A_167 = vector.shape_cast %swap3A_166 : vector<1x8x256xf32> to vector<8x256xf32>
    %swap3A_168 = vector.shape_cast %concatenate3A_162 : vector<8x256xf32> to vector<1x8x256xf32>
    tpu.vector_store %arg5[%swap3A_163, %swap3A_164, %swap3A_165], %swap3A_168 {strides = array<i32>} : memref<1x8x256xf32, #tpu.memory_space<vmem>>, vector<1x8x256xf32>,
    return
  }
  func.func @transform_0(%arg0: i32, %arg1: i32) -> (i32, i32, i32) {
    %c0_i32 = arith.constant 0 : i32
    %c0_i32_0 = arith.constant 0 : i32
    %c0_i32_1 = arith.constant 0 : i32
    return %arg0, %c0_i32, %c0_i32_0 : i32, i32, i32
  }
  func.func @transform_1(%arg0: i32, %arg1: i32) -> (i32, i32, i32) {
    %c0_i32 = arith.constant 0 : i32
    %c0_i32_0 = arith.constant 0 : i32
    return %arg0, %c0_i32, %arg1 : i32, i32, i32
  }
  func.func @transform_2(%arg0: i32, %arg1: i32) -> (i32, i32, i32) {
    %c0_i32 = arith.constant 0 : i32
    %c0_i32_0 = arith.constant 0 : i32
    return %arg0, %c0_i32, %arg1 : i32, i32, i32
  }
  func.func @transform_3(%arg0: i32, %arg1: i32) -> (i32, i32, i32) {
    %c0_i32 = arith.constant 0 : i32
    %c0_i32_0 = arith.constant 0 : i32
    return %arg0, %c0_i32, %arg1 : i32, i32, i32
  }
}

module attributes {stable_mosaic.version = 14 : i64} {
  func.func @_topk_body(%arg0: i32, %arg1: i32, %arg2: memref<1x512x3xf32, #tpu.memory_space<vmem>>, %arg3: memref<1x3x256xf32, #tpu.memory_space<vmem>>, %arg4: memref<1x12x256xi32, #tpu.memory_space<vmem>>, %arg5: memref<1x12x256xf32, #tpu.memory_space<vmem>>) attributes {dimension_semantics = [#tpu.dimension_semantics<arbitrary>, #tpu.dimension_semantics<arbitrary>], iteration_bounds = array<i64: 4, 2>, scalar_prefetch = 0 : i64, scratch_operands = 0 : i64, tpu.core_type = #tpu.core_type<tc>, window_params = [{transform_indices = @transform_0, window_bounds = array<i64: 1, 512, 3>}, {transform_indices = @transform_1, window_bounds = array<i64: 1, 3, 256>}, {transform_indices = @transform_2, window_bounds = array<i64: 1, 12, 256>}, {transform_indices = @transform_3, window_bounds = array<i64: 1, 12, 256>}]} {
    %get3A = arith.constant 0 : index
    %get3A_0 = arith.constant 0 : index
    %get3A_1 = arith.constant 0 : index
    %get3A_2 = vector.load %arg2[%get3A, %get3A_0, %get3A_1] : memref<1x512x3xf32, #tpu.memory_space<vmem>>, vector<1x512x3xf32>
    %get3A_3 = vector.shape_cast %get3A_2 : vector<1x512x3xf32> to vector<512x3xf32>
    %get3A_4 = arith.constant 0 : index
    %get3A_5 = arith.constant 0 : index
    %get3A_6 = arith.constant 0 : index
    %get3A_7 = vector.load %arg3[%get3A_4, %get3A_5, %get3A_6] : memref<1x3x256xf32, #tpu.memory_space<vmem>>, vector<1x3x256xf32>
    %get3A_8 = vector.shape_cast %get3A_7 : vector<1x3x256xf32> to vector<3x256xf32>
    %slice3A = vector.extract_strided_slice %get3A_3 {offsets = [0, 0], sizes = [512, 1], strides = [1, 1]} : vector<512x3xf32> to vector<512x1xf32>
    %slice3A_9 = vector.extract_strided_slice %get3A_3 {offsets = [0, 1], sizes = [512, 1], strides = [1, 1]} : vector<512x3xf32> to vector<512x1xf32>
    %slice3A_10 = vector.extract_strided_slice %get3A_3 {offsets = [0, 2], sizes = [512, 1], strides = [1, 1]} : vector<512x3xf32> to vector<512x1xf32>
    %slice3A_11 = vector.extract_strided_slice %get3A_8 {offsets = [0, 0], sizes = [1, 256], strides = [1, 1]} : vector<3x256xf32> to vector<1x256xf32>
    %slice3A_12 = vector.extract_strided_slice %get3A_8 {offsets = [1, 0], sizes = [1, 256], strides = [1, 1]} : vector<3x256xf32> to vector<1x256xf32>
    %slice3A_13 = vector.extract_strided_slice %get3A_8 {offsets = [2, 0], sizes = [1, 256], strides = [1, 1]} : vector<3x256xf32> to vector<1x256xf32>
    %mul3A = arith.mulf %slice3A, %slice3A : vector<512x1xf32>
    %mul3A_14 = arith.mulf %slice3A_9, %slice3A_9 : vector<512x1xf32>
    %add3A = arith.addf %mul3A, %mul3A_14 : vector<512x1xf32>
    %mul3A_15 = arith.mulf %slice3A_10, %slice3A_10 : vector<512x1xf32>
    %add3A_16 = arith.addf %add3A, %mul3A_15 : vector<512x1xf32>
    %mul3A_17 = arith.mulf %slice3A_11, %slice3A_11 : vector<1x256xf32>
    %mul3A_18 = arith.mulf %slice3A_12, %slice3A_12 : vector<1x256xf32>
    %add3A_19 = arith.addf %mul3A_17, %mul3A_18 : vector<1x256xf32>
    %mul3A_20 = arith.mulf %slice3A_13, %slice3A_13 : vector<1x256xf32>
    %add3A_21 = arith.addf %add3A_19, %mul3A_20 : vector<1x256xf32>
    %mul3A_22 = vector.broadcast %slice3A : vector<512x1xf32> to vector<512x256xf32>
    %mul3A_23 = vector.broadcast %slice3A_11 : vector<1x256xf32> to vector<512x256xf32>
    %mul3A_24 = arith.mulf %mul3A_22, %mul3A_23 : vector<512x256xf32>
    %mul3A_25 = vector.broadcast %slice3A_9 : vector<512x1xf32> to vector<512x256xf32>
    %mul3A_26 = vector.broadcast %slice3A_12 : vector<1x256xf32> to vector<512x256xf32>
    %mul3A_27 = arith.mulf %mul3A_25, %mul3A_26 : vector<512x256xf32>
    %add3A_28 = arith.addf %mul3A_24, %mul3A_27 : vector<512x256xf32>
    %mul3A_29 = vector.broadcast %slice3A_10 : vector<512x1xf32> to vector<512x256xf32>
    %mul3A_30 = vector.broadcast %slice3A_13 : vector<1x256xf32> to vector<512x256xf32>
    %mul3A_31 = arith.mulf %mul3A_29, %mul3A_30 : vector<512x256xf32>
    %add3A_32 = arith.addf %add3A_28, %mul3A_31 : vector<512x256xf32>
    %add3A_33 = vector.broadcast %add3A_21 : vector<1x256xf32> to vector<512x256xf32>
    %add3A_34 = vector.broadcast %add3A_16 : vector<512x1xf32> to vector<512x256xf32>
    %add3A_35 = arith.addf %add3A_33, %add3A_34 : vector<512x256xf32>
    %mul3A_36 = arith.constant 2.000000e+00 : f32
    %mul3A_37 = vector.broadcast %mul3A_36 : f32 to vector<512x256xf32>
    %mul3A_38 = arith.mulf %mul3A_37, %add3A_32 : vector<512x256xf32>
    %sub3A = arith.subf %add3A_35, %mul3A_38 : vector<512x256xf32>
    %iota3A = tpu.iota {dimensions = array<i32: 0>} : vector<512x256xi32>
    %reduce_min3A = arith.constant dense<0x7F800000> : vector<256xf32>
    %reduce_min3A_39 = vector.multi_reduction <minimumf>, %sub3A, %reduce_min3A [0] : vector<512x256xf32> to vector<256xf32>
    %broadcast_in_dim3A = vector.shape_cast %reduce_min3A_39 : vector<256xf32> to vector<1x256xf32>
    %eq3A = vector.broadcast %broadcast_in_dim3A : vector<1x256xf32> to vector<512x256xf32>
    %eq3A_40 = arith.cmpf oeq, %sub3A, %eq3A : vector<512x256xf32>
    %jit3A = arith.constant 512 : i32
    %broadcast_in_dim3A_41 = vector.broadcast %jit3A : i32 to vector<512x256xi32>
    %select_n3A = arith.select %eq3A_40, %iota3A, %broadcast_in_dim3A_41 : vector<512x256xi1>, vector<512x256xi32>
    %reduce_min3A_42 = arith.constant dense<2147483647> : vector<256xi32>
    %reduce_min3A_43 = vector.multi_reduction <minsi>, %select_n3A, %reduce_min3A_42 [0] : vector<512x256xi32> to vector<256xi32>
    %broadcast_in_dim3A_44 = vector.shape_cast %reduce_min3A_43 : vector<256xi32> to vector<1x256xi32>
    %eq3A_45 = vector.broadcast %broadcast_in_dim3A_44 : vector<1x256xi32> to vector<512x256xi32>
    %eq3A_46 = arith.cmpi eq, %iota3A, %eq3A_45 : vector<512x256xi32>
    %jit3A_47 = arith.constant 0x7F800000 : f32
    %broadcast_in_dim3A_48 = vector.broadcast %jit3A_47 : f32 to vector<512x256xf32>
    %select_n3A_49 = arith.select %eq3A_46, %broadcast_in_dim3A_48, %sub3A : vector<512x256xi1>, vector<512x256xf32>
    %reduce_min3A_50 = arith.constant dense<0x7F800000> : vector<256xf32>
    %reduce_min3A_51 = vector.multi_reduction <minimumf>, %select_n3A_49, %reduce_min3A_50 [0] : vector<512x256xf32> to vector<256xf32>
    %broadcast_in_dim3A_52 = vector.shape_cast %reduce_min3A_51 : vector<256xf32> to vector<1x256xf32>
    %eq3A_53 = vector.broadcast %broadcast_in_dim3A_52 : vector<1x256xf32> to vector<512x256xf32>
    %eq3A_54 = arith.cmpf oeq, %select_n3A_49, %eq3A_53 : vector<512x256xf32>
    %jit3A_55 = arith.constant 512 : i32
    %broadcast_in_dim3A_56 = vector.broadcast %jit3A_55 : i32 to vector<512x256xi32>
    %select_n3A_57 = arith.select %eq3A_54, %iota3A, %broadcast_in_dim3A_56 : vector<512x256xi1>, vector<512x256xi32>
    %reduce_min3A_58 = arith.constant dense<2147483647> : vector<256xi32>
    %reduce_min3A_59 = vector.multi_reduction <minsi>, %select_n3A_57, %reduce_min3A_58 [0] : vector<512x256xi32> to vector<256xi32>
    %broadcast_in_dim3A_60 = vector.shape_cast %reduce_min3A_59 : vector<256xi32> to vector<1x256xi32>
    %eq3A_61 = vector.broadcast %broadcast_in_dim3A_60 : vector<1x256xi32> to vector<512x256xi32>
    %eq3A_62 = arith.cmpi eq, %iota3A, %eq3A_61 : vector<512x256xi32>
    %jit3A_63 = arith.constant 0x7F800000 : f32
    %broadcast_in_dim3A_64 = vector.broadcast %jit3A_63 : f32 to vector<512x256xf32>
    %select_n3A_65 = arith.select %eq3A_62, %broadcast_in_dim3A_64, %select_n3A_49 : vector<512x256xi1>, vector<512x256xf32>
    %reduce_min3A_66 = arith.constant dense<0x7F800000> : vector<256xf32>
    %reduce_min3A_67 = vector.multi_reduction <minimumf>, %select_n3A_65, %reduce_min3A_66 [0] : vector<512x256xf32> to vector<256xf32>
    %broadcast_in_dim3A_68 = vector.shape_cast %reduce_min3A_67 : vector<256xf32> to vector<1x256xf32>
    %eq3A_69 = vector.broadcast %broadcast_in_dim3A_68 : vector<1x256xf32> to vector<512x256xf32>
    %eq3A_70 = arith.cmpf oeq, %select_n3A_65, %eq3A_69 : vector<512x256xf32>
    %jit3A_71 = arith.constant 512 : i32
    %broadcast_in_dim3A_72 = vector.broadcast %jit3A_71 : i32 to vector<512x256xi32>
    %select_n3A_73 = arith.select %eq3A_70, %iota3A, %broadcast_in_dim3A_72 : vector<512x256xi1>, vector<512x256xi32>
    %reduce_min3A_74 = arith.constant dense<2147483647> : vector<256xi32>
    %reduce_min3A_75 = vector.multi_reduction <minsi>, %select_n3A_73, %reduce_min3A_74 [0] : vector<512x256xi32> to vector<256xi32>
    %broadcast_in_dim3A_76 = vector.shape_cast %reduce_min3A_75 : vector<256xi32> to vector<1x256xi32>
    %eq3A_77 = vector.broadcast %broadcast_in_dim3A_76 : vector<1x256xi32> to vector<512x256xi32>
    %eq3A_78 = arith.cmpi eq, %iota3A, %eq3A_77 : vector<512x256xi32>
    %jit3A_79 = arith.constant 0x7F800000 : f32
    %broadcast_in_dim3A_80 = vector.broadcast %jit3A_79 : f32 to vector<512x256xf32>
    %select_n3A_81 = arith.select %eq3A_78, %broadcast_in_dim3A_80, %select_n3A_65 : vector<512x256xi1>, vector<512x256xf32>
    %reduce_min3A_82 = arith.constant dense<0x7F800000> : vector<256xf32>
    %reduce_min3A_83 = vector.multi_reduction <minimumf>, %select_n3A_81, %reduce_min3A_82 [0] : vector<512x256xf32> to vector<256xf32>
    %broadcast_in_dim3A_84 = vector.shape_cast %reduce_min3A_83 : vector<256xf32> to vector<1x256xf32>
    %eq3A_85 = vector.broadcast %broadcast_in_dim3A_84 : vector<1x256xf32> to vector<512x256xf32>
    %eq3A_86 = arith.cmpf oeq, %select_n3A_81, %eq3A_85 : vector<512x256xf32>
    %jit3A_87 = arith.constant 512 : i32
    %broadcast_in_dim3A_88 = vector.broadcast %jit3A_87 : i32 to vector<512x256xi32>
    %select_n3A_89 = arith.select %eq3A_86, %iota3A, %broadcast_in_dim3A_88 : vector<512x256xi1>, vector<512x256xi32>
    %reduce_min3A_90 = arith.constant dense<2147483647> : vector<256xi32>
    %reduce_min3A_91 = vector.multi_reduction <minsi>, %select_n3A_89, %reduce_min3A_90 [0] : vector<512x256xi32> to vector<256xi32>
    %broadcast_in_dim3A_92 = vector.shape_cast %reduce_min3A_91 : vector<256xi32> to vector<1x256xi32>
    %eq3A_93 = vector.broadcast %broadcast_in_dim3A_92 : vector<1x256xi32> to vector<512x256xi32>
    %eq3A_94 = arith.cmpi eq, %iota3A, %eq3A_93 : vector<512x256xi32>
    %jit3A_95 = arith.constant 0x7F800000 : f32
    %broadcast_in_dim3A_96 = vector.broadcast %jit3A_95 : f32 to vector<512x256xf32>
    %select_n3A_97 = arith.select %eq3A_94, %broadcast_in_dim3A_96, %select_n3A_81 : vector<512x256xi1>, vector<512x256xf32>
    %reduce_min3A_98 = arith.constant dense<0x7F800000> : vector<256xf32>
    %reduce_min3A_99 = vector.multi_reduction <minimumf>, %select_n3A_97, %reduce_min3A_98 [0] : vector<512x256xf32> to vector<256xf32>
    %broadcast_in_dim3A_100 = vector.shape_cast %reduce_min3A_99 : vector<256xf32> to vector<1x256xf32>
    %eq3A_101 = vector.broadcast %broadcast_in_dim3A_100 : vector<1x256xf32> to vector<512x256xf32>
    %eq3A_102 = arith.cmpf oeq, %select_n3A_97, %eq3A_101 : vector<512x256xf32>
    %jit3A_103 = arith.constant 512 : i32
    %broadcast_in_dim3A_104 = vector.broadcast %jit3A_103 : i32 to vector<512x256xi32>
    %select_n3A_105 = arith.select %eq3A_102, %iota3A, %broadcast_in_dim3A_104 : vector<512x256xi1>, vector<512x256xi32>
    %reduce_min3A_106 = arith.constant dense<2147483647> : vector<256xi32>
    %reduce_min3A_107 = vector.multi_reduction <minsi>, %select_n3A_105, %reduce_min3A_106 [0] : vector<512x256xi32> to vector<256xi32>
    %broadcast_in_dim3A_108 = vector.shape_cast %reduce_min3A_107 : vector<256xi32> to vector<1x256xi32>
    %eq3A_109 = vector.broadcast %broadcast_in_dim3A_108 : vector<1x256xi32> to vector<512x256xi32>
    %eq3A_110 = arith.cmpi eq, %iota3A, %eq3A_109 : vector<512x256xi32>
    %jit3A_111 = arith.constant 0x7F800000 : f32
    %broadcast_in_dim3A_112 = vector.broadcast %jit3A_111 : f32 to vector<512x256xf32>
    %select_n3A_113 = arith.select %eq3A_110, %broadcast_in_dim3A_112, %select_n3A_97 : vector<512x256xi1>, vector<512x256xf32>
    %reduce_min3A_114 = arith.constant dense<0x7F800000> : vector<256xf32>
    %reduce_min3A_115 = vector.multi_reduction <minimumf>, %select_n3A_113, %reduce_min3A_114 [0] : vector<512x256xf32> to vector<256xf32>
    %broadcast_in_dim3A_116 = vector.shape_cast %reduce_min3A_115 : vector<256xf32> to vector<1x256xf32>
    %eq3A_117 = vector.broadcast %broadcast_in_dim3A_116 : vector<1x256xf32> to vector<512x256xf32>
    %eq3A_118 = arith.cmpf oeq, %select_n3A_113, %eq3A_117 : vector<512x256xf32>
    %jit3A_119 = arith.constant 512 : i32
    %broadcast_in_dim3A_120 = vector.broadcast %jit3A_119 : i32 to vector<512x256xi32>
    %select_n3A_121 = arith.select %eq3A_118, %iota3A, %broadcast_in_dim3A_120 : vector<512x256xi1>, vector<512x256xi32>
    %reduce_min3A_122 = arith.constant dense<2147483647> : vector<256xi32>
    %reduce_min3A_123 = vector.multi_reduction <minsi>, %select_n3A_121, %reduce_min3A_122 [0] : vector<512x256xi32> to vector<256xi32>
    %broadcast_in_dim3A_124 = vector.shape_cast %reduce_min3A_123 : vector<256xi32> to vector<1x256xi32>
    %eq3A_125 = vector.broadcast %broadcast_in_dim3A_124 : vector<1x256xi32> to vector<512x256xi32>
    %eq3A_126 = arith.cmpi eq, %iota3A, %eq3A_125 : vector<512x256xi32>
    %jit3A_127 = arith.constant 0x7F800000 : f32
    %broadcast_in_dim3A_128 = vector.broadcast %jit3A_127 : f32 to vector<512x256xf32>
    %select_n3A_129 = arith.select %eq3A_126, %broadcast_in_dim3A_128, %select_n3A_113 : vector<512x256xi1>, vector<512x256xf32>
    %reduce_min3A_130 = arith.constant dense<0x7F800000> : vector<256xf32>
    %reduce_min3A_131 = vector.multi_reduction <minimumf>, %select_n3A_129, %reduce_min3A_130 [0] : vector<512x256xf32> to vector<256xf32>
    %broadcast_in_dim3A_132 = vector.shape_cast %reduce_min3A_131 : vector<256xf32> to vector<1x256xf32>
    %eq3A_133 = vector.broadcast %broadcast_in_dim3A_132 : vector<1x256xf32> to vector<512x256xf32>
    %eq3A_134 = arith.cmpf oeq, %select_n3A_129, %eq3A_133 : vector<512x256xf32>
    %jit3A_135 = arith.constant 512 : i32
    %broadcast_in_dim3A_136 = vector.broadcast %jit3A_135 : i32 to vector<512x256xi32>
    %select_n3A_137 = arith.select %eq3A_134, %iota3A, %broadcast_in_dim3A_136 : vector<512x256xi1>, vector<512x256xi32>
    %reduce_min3A_138 = arith.constant dense<2147483647> : vector<256xi32>
    %reduce_min3A_139 = vector.multi_reduction <minsi>, %select_n3A_137, %reduce_min3A_138 [0] : vector<512x256xi32> to vector<256xi32>
    %broadcast_in_dim3A_140 = vector.shape_cast %reduce_min3A_139 : vector<256xi32> to vector<1x256xi32>
    %eq3A_141 = vector.broadcast %broadcast_in_dim3A_140 : vector<1x256xi32> to vector<512x256xi32>
    %eq3A_142 = arith.cmpi eq, %iota3A, %eq3A_141 : vector<512x256xi32>
    %jit3A_143 = arith.constant 0x7F800000 : f32
    %broadcast_in_dim3A_144 = vector.broadcast %jit3A_143 : f32 to vector<512x256xf32>
    %select_n3A_145 = arith.select %eq3A_142, %broadcast_in_dim3A_144, %select_n3A_129 : vector<512x256xi1>, vector<512x256xf32>
    %reduce_min3A_146 = arith.constant dense<0x7F800000> : vector<256xf32>
    %reduce_min3A_147 = vector.multi_reduction <minimumf>, %select_n3A_145, %reduce_min3A_146 [0] : vector<512x256xf32> to vector<256xf32>
    %broadcast_in_dim3A_148 = vector.shape_cast %reduce_min3A_147 : vector<256xf32> to vector<1x256xf32>
    %eq3A_149 = vector.broadcast %broadcast_in_dim3A_148 : vector<1x256xf32> to vector<512x256xf32>
    %eq3A_150 = arith.cmpf oeq, %select_n3A_145, %eq3A_149 : vector<512x256xf32>
    %jit3A_151 = arith.constant 512 : i32
    %broadcast_in_dim3A_152 = vector.broadcast %jit3A_151 : i32 to vector<512x256xi32>
    %select_n3A_153 = arith.select %eq3A_150, %iota3A, %broadcast_in_dim3A_152 : vector<512x256xi1>, vector<512x256xi32>
    %reduce_min3A_154 = arith.constant dense<2147483647> : vector<256xi32>
    %reduce_min3A_155 = vector.multi_reduction <minsi>, %select_n3A_153, %reduce_min3A_154 [0] : vector<512x256xi32> to vector<256xi32>
    %broadcast_in_dim3A_156 = vector.shape_cast %reduce_min3A_155 : vector<256xi32> to vector<1x256xi32>
    %eq3A_157 = vector.broadcast %broadcast_in_dim3A_156 : vector<1x256xi32> to vector<512x256xi32>
    %eq3A_158 = arith.cmpi eq, %iota3A, %eq3A_157 : vector<512x256xi32>
    %jit3A_159 = arith.constant 0x7F800000 : f32
    %broadcast_in_dim3A_160 = vector.broadcast %jit3A_159 : f32 to vector<512x256xf32>
    %select_n3A_161 = arith.select %eq3A_158, %broadcast_in_dim3A_160, %select_n3A_145 : vector<512x256xi1>, vector<512x256xf32>
    %reduce_min3A_162 = arith.constant dense<0x7F800000> : vector<256xf32>
    %reduce_min3A_163 = vector.multi_reduction <minimumf>, %select_n3A_161, %reduce_min3A_162 [0] : vector<512x256xf32> to vector<256xf32>
    %broadcast_in_dim3A_164 = vector.shape_cast %reduce_min3A_163 : vector<256xf32> to vector<1x256xf32>
    %eq3A_165 = vector.broadcast %broadcast_in_dim3A_164 : vector<1x256xf32> to vector<512x256xf32>
    %eq3A_166 = arith.cmpf oeq, %select_n3A_161, %eq3A_165 : vector<512x256xf32>
    %jit3A_167 = arith.constant 512 : i32
    %broadcast_in_dim3A_168 = vector.broadcast %jit3A_167 : i32 to vector<512x256xi32>
    %select_n3A_169 = arith.select %eq3A_166, %iota3A, %broadcast_in_dim3A_168 : vector<512x256xi1>, vector<512x256xi32>
    %reduce_min3A_170 = arith.constant dense<2147483647> : vector<256xi32>
    %reduce_min3A_171 = vector.multi_reduction <minsi>, %select_n3A_169, %reduce_min3A_170 [0] : vector<512x256xi32> to vector<256xi32>
    %broadcast_in_dim3A_172 = vector.shape_cast %reduce_min3A_171 : vector<256xi32> to vector<1x256xi32>
    %eq3A_173 = vector.broadcast %broadcast_in_dim3A_172 : vector<1x256xi32> to vector<512x256xi32>
    %eq3A_174 = arith.cmpi eq, %iota3A, %eq3A_173 : vector<512x256xi32>
    %jit3A_175 = arith.constant 0x7F800000 : f32
    %broadcast_in_dim3A_176 = vector.broadcast %jit3A_175 : f32 to vector<512x256xf32>
    %select_n3A_177 = arith.select %eq3A_174, %broadcast_in_dim3A_176, %select_n3A_161 : vector<512x256xi1>, vector<512x256xf32>
    %reduce_min3A_178 = arith.constant dense<0x7F800000> : vector<256xf32>
    %reduce_min3A_179 = vector.multi_reduction <minimumf>, %select_n3A_177, %reduce_min3A_178 [0] : vector<512x256xf32> to vector<256xf32>
    %broadcast_in_dim3A_180 = vector.shape_cast %reduce_min3A_179 : vector<256xf32> to vector<1x256xf32>
    %eq3A_181 = vector.broadcast %broadcast_in_dim3A_180 : vector<1x256xf32> to vector<512x256xf32>
    %eq3A_182 = arith.cmpf oeq, %select_n3A_177, %eq3A_181 : vector<512x256xf32>
    %jit3A_183 = arith.constant 512 : i32
    %broadcast_in_dim3A_184 = vector.broadcast %jit3A_183 : i32 to vector<512x256xi32>
    %select_n3A_185 = arith.select %eq3A_182, %iota3A, %broadcast_in_dim3A_184 : vector<512x256xi1>, vector<512x256xi32>
    %reduce_min3A_186 = arith.constant dense<2147483647> : vector<256xi32>
    %reduce_min3A_187 = vector.multi_reduction <minsi>, %select_n3A_185, %reduce_min3A_186 [0] : vector<512x256xi32> to vector<256xi32>
    %broadcast_in_dim3A_188 = vector.shape_cast %reduce_min3A_187 : vector<256xi32> to vector<1x256xi32>
    %eq3A_189 = vector.broadcast %broadcast_in_dim3A_188 : vector<1x256xi32> to vector<512x256xi32>
    %eq3A_190 = arith.cmpi eq, %iota3A, %eq3A_189 : vector<512x256xi32>
    %jit3A_191 = arith.constant 0x7F800000 : f32
    %broadcast_in_dim3A_192 = vector.broadcast %jit3A_191 : f32 to vector<512x256xf32>
    %select_n3A_193 = arith.select %eq3A_190, %broadcast_in_dim3A_192, %select_n3A_177 : vector<512x256xi1>, vector<512x256xf32>
    %reduce_min3A_194 = arith.constant dense<0x7F800000> : vector<256xf32>
    %reduce_min3A_195 = vector.multi_reduction <minimumf>, %select_n3A_193, %reduce_min3A_194 [0] : vector<512x256xf32> to vector<256xf32>
    %broadcast_in_dim3A_196 = vector.shape_cast %reduce_min3A_195 : vector<256xf32> to vector<1x256xf32>
    %eq3A_197 = vector.broadcast %broadcast_in_dim3A_196 : vector<1x256xf32> to vector<512x256xf32>
    %eq3A_198 = arith.cmpf oeq, %select_n3A_193, %eq3A_197 : vector<512x256xf32>
    %jit3A_199 = arith.constant 512 : i32
    %broadcast_in_dim3A_200 = vector.broadcast %jit3A_199 : i32 to vector<512x256xi32>
    %select_n3A_201 = arith.select %eq3A_198, %iota3A, %broadcast_in_dim3A_200 : vector<512x256xi1>, vector<512x256xi32>
    %reduce_min3A_202 = arith.constant dense<2147483647> : vector<256xi32>
    %reduce_min3A_203 = vector.multi_reduction <minsi>, %select_n3A_201, %reduce_min3A_202 [0] : vector<512x256xi32> to vector<256xi32>
    %broadcast_in_dim3A_204 = vector.shape_cast %reduce_min3A_203 : vector<256xi32> to vector<1x256xi32>
    %eq3A_205 = vector.broadcast %broadcast_in_dim3A_204 : vector<1x256xi32> to vector<512x256xi32>
    %eq3A_206 = arith.cmpi eq, %iota3A, %eq3A_205 : vector<512x256xi32>
    %jit3A_207 = arith.constant 0x7F800000 : f32
    %broadcast_in_dim3A_208 = vector.broadcast %jit3A_207 : f32 to vector<512x256xf32>
    %select_n3A_209 = arith.select %eq3A_206, %broadcast_in_dim3A_208, %select_n3A_193 : vector<512x256xi1>, vector<512x256xf32>
    %reduce_min3A_210 = arith.constant dense<0x7F800000> : vector<256xf32>
    %reduce_min3A_211 = vector.multi_reduction <minimumf>, %select_n3A_209, %reduce_min3A_210 [0] : vector<512x256xf32> to vector<256xf32>
    %broadcast_in_dim3A_212 = vector.shape_cast %reduce_min3A_211 : vector<256xf32> to vector<1x256xf32>
    %eq3A_213 = vector.broadcast %broadcast_in_dim3A_212 : vector<1x256xf32> to vector<512x256xf32>
    %eq3A_214 = arith.cmpf oeq, %select_n3A_209, %eq3A_213 : vector<512x256xf32>
    %jit3A_215 = arith.constant 512 : i32
    %broadcast_in_dim3A_216 = vector.broadcast %jit3A_215 : i32 to vector<512x256xi32>
    %select_n3A_217 = arith.select %eq3A_214, %iota3A, %broadcast_in_dim3A_216 : vector<512x256xi1>, vector<512x256xi32>
    %reduce_min3A_218 = arith.constant dense<2147483647> : vector<256xi32>
    %reduce_min3A_219 = vector.multi_reduction <minsi>, %select_n3A_217, %reduce_min3A_218 [0] : vector<512x256xi32> to vector<256xi32>
    %broadcast_in_dim3A_220 = vector.shape_cast %reduce_min3A_219 : vector<256xi32> to vector<1x256xi32>
    %concatenate3A = tpu.concatenate %broadcast_in_dim3A_44, %broadcast_in_dim3A_60, %broadcast_in_dim3A_76, %broadcast_in_dim3A_92, %broadcast_in_dim3A_108, %broadcast_in_dim3A_124, %broadcast_in_dim3A_140, %broadcast_in_dim3A_156, %broadcast_in_dim3A_172, %broadcast_in_dim3A_188, %broadcast_in_dim3A_204, %broadcast_in_dim3A_220 in 0 : vector<1x256xi32>, vector<1x256xi32>, vector<1x256xi32>, vector<1x256xi32>, vector<1x256xi32>, vector<1x256xi32>, vector<1x256xi32>, vector<1x256xi32>, vector<1x256xi32>, vector<1x256xi32>, vector<1x256xi32>, vector<1x256xi32> -> vector<12x256xi32>
    %swap3A = arith.constant 0 : index
    %swap3A_221 = arith.constant 0 : index
    %swap3A_222 = arith.constant 0 : index
    %swap3A_223 = vector.load %arg4[%swap3A, %swap3A_221, %swap3A_222] : memref<1x12x256xi32, #tpu.memory_space<vmem>>, vector<1x12x256xi32>
    %swap3A_224 = vector.shape_cast %swap3A_223 : vector<1x12x256xi32> to vector<12x256xi32>
    %swap3A_225 = vector.shape_cast %concatenate3A : vector<12x256xi32> to vector<1x12x256xi32>
    tpu.vector_store %arg4[%swap3A, %swap3A_221, %swap3A_222], %swap3A_225 {strides = array<i32>} : memref<1x12x256xi32, #tpu.memory_space<vmem>>, vector<1x12x256xi32>,
    %concatenate3A_226 = tpu.concatenate %broadcast_in_dim3A, %broadcast_in_dim3A_52, %broadcast_in_dim3A_68, %broadcast_in_dim3A_84, %broadcast_in_dim3A_100, %broadcast_in_dim3A_116, %broadcast_in_dim3A_132, %broadcast_in_dim3A_148, %broadcast_in_dim3A_164, %broadcast_in_dim3A_180, %broadcast_in_dim3A_196, %broadcast_in_dim3A_212 in 0 : vector<1x256xf32>, vector<1x256xf32>, vector<1x256xf32>, vector<1x256xf32>, vector<1x256xf32>, vector<1x256xf32>, vector<1x256xf32>, vector<1x256xf32>, vector<1x256xf32>, vector<1x256xf32>, vector<1x256xf32>, vector<1x256xf32> -> vector<12x256xf32>
    %swap3A_227 = arith.constant 0 : index
    %swap3A_228 = arith.constant 0 : index
    %swap3A_229 = arith.constant 0 : index
    %swap3A_230 = vector.load %arg5[%swap3A_227, %swap3A_228, %swap3A_229] : memref<1x12x256xf32, #tpu.memory_space<vmem>>, vector<1x12x256xf32>
    %swap3A_231 = vector.shape_cast %swap3A_230 : vector<1x12x256xf32> to vector<12x256xf32>
    %swap3A_232 = vector.shape_cast %concatenate3A_226 : vector<12x256xf32> to vector<1x12x256xf32>
    tpu.vector_store %arg5[%swap3A_227, %swap3A_228, %swap3A_229], %swap3A_232 {strides = array<i32>} : memref<1x12x256xf32, #tpu.memory_space<vmem>>, vector<1x12x256xf32>,
    return
  }
  func.func @transform_0(%arg0: i32, %arg1: i32) -> (i32, i32, i32) {
    %c0_i32 = arith.constant 0 : i32
    %c0_i32_0 = arith.constant 0 : i32
    %c0_i32_1 = arith.constant 0 : i32
    return %arg0, %c0_i32, %c0_i32_0 : i32, i32, i32
  }
  func.func @transform_1(%arg0: i32, %arg1: i32) -> (i32, i32, i32) {
    %c0_i32 = arith.constant 0 : i32
    %c0_i32_0 = arith.constant 0 : i32
    return %arg0, %c0_i32, %arg1 : i32, i32, i32
  }
  func.func @transform_2(%arg0: i32, %arg1: i32) -> (i32, i32, i32) {
    %c0_i32 = arith.constant 0 : i32
    %c0_i32_0 = arith.constant 0 : i32
    return %arg0, %c0_i32, %arg1 : i32, i32, i32
  }
  func.func @transform_3(%arg0: i32, %arg1: i32) -> (i32, i32, i32) {
    %c0_i32 = arith.constant 0 : i32
    %c0_i32_0 = arith.constant 0 : i32
    return %arg0, %c0_i32, %arg1 : i32, i32, i32
  }
}

module attributes {stable_mosaic.version = 14 : i64} {
  func.func @_topk_body(%arg0: i32, %arg1: i32, %arg2: memref<1x256x3xf32, #tpu.memory_space<vmem>>, %arg3: memref<1x3x256xf32, #tpu.memory_space<vmem>>, %arg4: memref<1x3x256xi32, #tpu.memory_space<vmem>>, %arg5: memref<1x3x256xf32, #tpu.memory_space<vmem>>) attributes {dimension_semantics = [#tpu.dimension_semantics<arbitrary>, #tpu.dimension_semantics<arbitrary>], iteration_bounds = array<i64: 4, 2>, scalar_prefetch = 0 : i64, scratch_operands = 0 : i64, tpu.core_type = #tpu.core_type<tc>, window_params = [{transform_indices = @transform_0, window_bounds = array<i64: 1, 256, 3>}, {transform_indices = @transform_1, window_bounds = array<i64: 1, 3, 256>}, {transform_indices = @transform_2, window_bounds = array<i64: 1, 3, 256>}, {transform_indices = @transform_3, window_bounds = array<i64: 1, 3, 256>}]} {
    %get3A = arith.constant 0 : index
    %get3A_0 = arith.constant 0 : index
    %get3A_1 = arith.constant 0 : index
    %get3A_2 = vector.load %arg2[%get3A, %get3A_0, %get3A_1] : memref<1x256x3xf32, #tpu.memory_space<vmem>>, vector<1x256x3xf32>
    %get3A_3 = vector.shape_cast %get3A_2 : vector<1x256x3xf32> to vector<256x3xf32>
    %get3A_4 = arith.constant 0 : index
    %get3A_5 = arith.constant 0 : index
    %get3A_6 = arith.constant 0 : index
    %get3A_7 = vector.load %arg3[%get3A_4, %get3A_5, %get3A_6] : memref<1x3x256xf32, #tpu.memory_space<vmem>>, vector<1x3x256xf32>
    %get3A_8 = vector.shape_cast %get3A_7 : vector<1x3x256xf32> to vector<3x256xf32>
    %slice3A = vector.extract_strided_slice %get3A_3 {offsets = [0, 0], sizes = [256, 1], strides = [1, 1]} : vector<256x3xf32> to vector<256x1xf32>
    %slice3A_9 = vector.extract_strided_slice %get3A_3 {offsets = [0, 1], sizes = [256, 1], strides = [1, 1]} : vector<256x3xf32> to vector<256x1xf32>
    %slice3A_10 = vector.extract_strided_slice %get3A_3 {offsets = [0, 2], sizes = [256, 1], strides = [1, 1]} : vector<256x3xf32> to vector<256x1xf32>
    %slice3A_11 = vector.extract_strided_slice %get3A_8 {offsets = [0, 0], sizes = [1, 256], strides = [1, 1]} : vector<3x256xf32> to vector<1x256xf32>
    %slice3A_12 = vector.extract_strided_slice %get3A_8 {offsets = [1, 0], sizes = [1, 256], strides = [1, 1]} : vector<3x256xf32> to vector<1x256xf32>
    %slice3A_13 = vector.extract_strided_slice %get3A_8 {offsets = [2, 0], sizes = [1, 256], strides = [1, 1]} : vector<3x256xf32> to vector<1x256xf32>
    %mul3A = arith.mulf %slice3A, %slice3A : vector<256x1xf32>
    %mul3A_14 = arith.mulf %slice3A_9, %slice3A_9 : vector<256x1xf32>
    %add3A = arith.addf %mul3A, %mul3A_14 : vector<256x1xf32>
    %mul3A_15 = arith.mulf %slice3A_10, %slice3A_10 : vector<256x1xf32>
    %add3A_16 = arith.addf %add3A, %mul3A_15 : vector<256x1xf32>
    %mul3A_17 = arith.mulf %slice3A_11, %slice3A_11 : vector<1x256xf32>
    %mul3A_18 = arith.mulf %slice3A_12, %slice3A_12 : vector<1x256xf32>
    %add3A_19 = arith.addf %mul3A_17, %mul3A_18 : vector<1x256xf32>
    %mul3A_20 = arith.mulf %slice3A_13, %slice3A_13 : vector<1x256xf32>
    %add3A_21 = arith.addf %add3A_19, %mul3A_20 : vector<1x256xf32>
    %mul3A_22 = vector.broadcast %slice3A : vector<256x1xf32> to vector<256x256xf32>
    %mul3A_23 = vector.broadcast %slice3A_11 : vector<1x256xf32> to vector<256x256xf32>
    %mul3A_24 = arith.mulf %mul3A_22, %mul3A_23 : vector<256x256xf32>
    %mul3A_25 = vector.broadcast %slice3A_9 : vector<256x1xf32> to vector<256x256xf32>
    %mul3A_26 = vector.broadcast %slice3A_12 : vector<1x256xf32> to vector<256x256xf32>
    %mul3A_27 = arith.mulf %mul3A_25, %mul3A_26 : vector<256x256xf32>
    %add3A_28 = arith.addf %mul3A_24, %mul3A_27 : vector<256x256xf32>
    %mul3A_29 = vector.broadcast %slice3A_10 : vector<256x1xf32> to vector<256x256xf32>
    %mul3A_30 = vector.broadcast %slice3A_13 : vector<1x256xf32> to vector<256x256xf32>
    %mul3A_31 = arith.mulf %mul3A_29, %mul3A_30 : vector<256x256xf32>
    %add3A_32 = arith.addf %add3A_28, %mul3A_31 : vector<256x256xf32>
    %add3A_33 = vector.broadcast %add3A_21 : vector<1x256xf32> to vector<256x256xf32>
    %add3A_34 = vector.broadcast %add3A_16 : vector<256x1xf32> to vector<256x256xf32>
    %add3A_35 = arith.addf %add3A_33, %add3A_34 : vector<256x256xf32>
    %mul3A_36 = arith.constant 2.000000e+00 : f32
    %mul3A_37 = vector.broadcast %mul3A_36 : f32 to vector<256x256xf32>
    %mul3A_38 = arith.mulf %mul3A_37, %add3A_32 : vector<256x256xf32>
    %sub3A = arith.subf %add3A_35, %mul3A_38 : vector<256x256xf32>
    %iota3A = tpu.iota {dimensions = array<i32: 0>} : vector<256x256xi32>
    %reduce_min3A = arith.constant dense<0x7F800000> : vector<256xf32>
    %reduce_min3A_39 = vector.multi_reduction <minimumf>, %sub3A, %reduce_min3A [0] : vector<256x256xf32> to vector<256xf32>
    %broadcast_in_dim3A = vector.shape_cast %reduce_min3A_39 : vector<256xf32> to vector<1x256xf32>
    %eq3A = vector.broadcast %broadcast_in_dim3A : vector<1x256xf32> to vector<256x256xf32>
    %eq3A_40 = arith.cmpf oeq, %sub3A, %eq3A : vector<256x256xf32>
    %jit3A = arith.constant 256 : i32
    %broadcast_in_dim3A_41 = vector.broadcast %jit3A : i32 to vector<256x256xi32>
    %select_n3A = arith.select %eq3A_40, %iota3A, %broadcast_in_dim3A_41 : vector<256x256xi1>, vector<256x256xi32>
    %reduce_min3A_42 = arith.constant dense<2147483647> : vector<256xi32>
    %reduce_min3A_43 = vector.multi_reduction <minsi>, %select_n3A, %reduce_min3A_42 [0] : vector<256x256xi32> to vector<256xi32>
    %broadcast_in_dim3A_44 = vector.shape_cast %reduce_min3A_43 : vector<256xi32> to vector<1x256xi32>
    %eq3A_45 = vector.broadcast %broadcast_in_dim3A_44 : vector<1x256xi32> to vector<256x256xi32>
    %eq3A_46 = arith.cmpi eq, %iota3A, %eq3A_45 : vector<256x256xi32>
    %jit3A_47 = arith.constant 0x7F800000 : f32
    %broadcast_in_dim3A_48 = vector.broadcast %jit3A_47 : f32 to vector<256x256xf32>
    %select_n3A_49 = arith.select %eq3A_46, %broadcast_in_dim3A_48, %sub3A : vector<256x256xi1>, vector<256x256xf32>
    %reduce_min3A_50 = arith.constant dense<0x7F800000> : vector<256xf32>
    %reduce_min3A_51 = vector.multi_reduction <minimumf>, %select_n3A_49, %reduce_min3A_50 [0] : vector<256x256xf32> to vector<256xf32>
    %broadcast_in_dim3A_52 = vector.shape_cast %reduce_min3A_51 : vector<256xf32> to vector<1x256xf32>
    %eq3A_53 = vector.broadcast %broadcast_in_dim3A_52 : vector<1x256xf32> to vector<256x256xf32>
    %eq3A_54 = arith.cmpf oeq, %select_n3A_49, %eq3A_53 : vector<256x256xf32>
    %jit3A_55 = arith.constant 256 : i32
    %broadcast_in_dim3A_56 = vector.broadcast %jit3A_55 : i32 to vector<256x256xi32>
    %select_n3A_57 = arith.select %eq3A_54, %iota3A, %broadcast_in_dim3A_56 : vector<256x256xi1>, vector<256x256xi32>
    %reduce_min3A_58 = arith.constant dense<2147483647> : vector<256xi32>
    %reduce_min3A_59 = vector.multi_reduction <minsi>, %select_n3A_57, %reduce_min3A_58 [0] : vector<256x256xi32> to vector<256xi32>
    %broadcast_in_dim3A_60 = vector.shape_cast %reduce_min3A_59 : vector<256xi32> to vector<1x256xi32>
    %eq3A_61 = vector.broadcast %broadcast_in_dim3A_60 : vector<1x256xi32> to vector<256x256xi32>
    %eq3A_62 = arith.cmpi eq, %iota3A, %eq3A_61 : vector<256x256xi32>
    %jit3A_63 = arith.constant 0x7F800000 : f32
    %broadcast_in_dim3A_64 = vector.broadcast %jit3A_63 : f32 to vector<256x256xf32>
    %select_n3A_65 = arith.select %eq3A_62, %broadcast_in_dim3A_64, %select_n3A_49 : vector<256x256xi1>, vector<256x256xf32>
    %reduce_min3A_66 = arith.constant dense<0x7F800000> : vector<256xf32>
    %reduce_min3A_67 = vector.multi_reduction <minimumf>, %select_n3A_65, %reduce_min3A_66 [0] : vector<256x256xf32> to vector<256xf32>
    %broadcast_in_dim3A_68 = vector.shape_cast %reduce_min3A_67 : vector<256xf32> to vector<1x256xf32>
    %eq3A_69 = vector.broadcast %broadcast_in_dim3A_68 : vector<1x256xf32> to vector<256x256xf32>
    %eq3A_70 = arith.cmpf oeq, %select_n3A_65, %eq3A_69 : vector<256x256xf32>
    %jit3A_71 = arith.constant 256 : i32
    %broadcast_in_dim3A_72 = vector.broadcast %jit3A_71 : i32 to vector<256x256xi32>
    %select_n3A_73 = arith.select %eq3A_70, %iota3A, %broadcast_in_dim3A_72 : vector<256x256xi1>, vector<256x256xi32>
    %reduce_min3A_74 = arith.constant dense<2147483647> : vector<256xi32>
    %reduce_min3A_75 = vector.multi_reduction <minsi>, %select_n3A_73, %reduce_min3A_74 [0] : vector<256x256xi32> to vector<256xi32>
    %broadcast_in_dim3A_76 = vector.shape_cast %reduce_min3A_75 : vector<256xi32> to vector<1x256xi32>
    %concatenate3A = tpu.concatenate %broadcast_in_dim3A_44, %broadcast_in_dim3A_60, %broadcast_in_dim3A_76 in 0 : vector<1x256xi32>, vector<1x256xi32>, vector<1x256xi32> -> vector<3x256xi32>
    %swap3A = arith.constant 0 : index
    %swap3A_77 = arith.constant 0 : index
    %swap3A_78 = arith.constant 0 : index
    %swap3A_79 = vector.load %arg4[%swap3A, %swap3A_77, %swap3A_78] : memref<1x3x256xi32, #tpu.memory_space<vmem>>, vector<1x3x256xi32>
    %swap3A_80 = vector.shape_cast %swap3A_79 : vector<1x3x256xi32> to vector<3x256xi32>
    %swap3A_81 = vector.shape_cast %concatenate3A : vector<3x256xi32> to vector<1x3x256xi32>
    tpu.vector_store %arg4[%swap3A, %swap3A_77, %swap3A_78], %swap3A_81 {strides = array<i32>} : memref<1x3x256xi32, #tpu.memory_space<vmem>>, vector<1x3x256xi32>,
    %concatenate3A_82 = tpu.concatenate %broadcast_in_dim3A, %broadcast_in_dim3A_52, %broadcast_in_dim3A_68 in 0 : vector<1x256xf32>, vector<1x256xf32>, vector<1x256xf32> -> vector<3x256xf32>
    %swap3A_83 = arith.constant 0 : index
    %swap3A_84 = arith.constant 0 : index
    %swap3A_85 = arith.constant 0 : index
    %swap3A_86 = vector.load %arg5[%swap3A_83, %swap3A_84, %swap3A_85] : memref<1x3x256xf32, #tpu.memory_space<vmem>>, vector<1x3x256xf32>
    %swap3A_87 = vector.shape_cast %swap3A_86 : vector<1x3x256xf32> to vector<3x256xf32>
    %swap3A_88 = vector.shape_cast %concatenate3A_82 : vector<3x256xf32> to vector<1x3x256xf32>
    tpu.vector_store %arg5[%swap3A_83, %swap3A_84, %swap3A_85], %swap3A_88 {strides = array<i32>} : memref<1x3x256xf32, #tpu.memory_space<vmem>>, vector<1x3x256xf32>,
    return
  }
  func.func @transform_0(%arg0: i32, %arg1: i32) -> (i32, i32, i32) {
    %c0_i32 = arith.constant 0 : i32
    %c0_i32_0 = arith.constant 0 : i32
    %c0_i32_1 = arith.constant 0 : i32
    return %arg0, %c0_i32, %c0_i32_0 : i32, i32, i32
  }
  func.func @transform_1(%arg0: i32, %arg1: i32) -> (i32, i32, i32) {
    %c0_i32 = arith.constant 0 : i32
    %c0_i32_0 = arith.constant 0 : i32
    return %arg0, %c0_i32, %arg1 : i32, i32, i32
  }
  func.func @transform_2(%arg0: i32, %arg1: i32) -> (i32, i32, i32) {
    %c0_i32 = arith.constant 0 : i32
    %c0_i32_0 = arith.constant 0 : i32
    return %arg0, %c0_i32, %arg1 : i32, i32, i32
  }
  func.func @transform_3(%arg0: i32, %arg1: i32) -> (i32, i32, i32) {
    %c0_i32 = arith.constant 0 : i32
    %c0_i32_0 = arith.constant 0 : i32
    return %arg0, %c0_i32, %arg1 : i32, i32, i32
  }
}

module attributes {stable_mosaic.version = 14 : i64} {
  func.func @_topk_body(%arg0: i32, %arg1: i32, %arg2: memref<1x512x3xf32, #tpu.memory_space<vmem>>, %arg3: memref<1x3x256xf32, #tpu.memory_space<vmem>>, %arg4: memref<1x3x256xi32, #tpu.memory_space<vmem>>, %arg5: memref<1x3x256xf32, #tpu.memory_space<vmem>>) attributes {dimension_semantics = [#tpu.dimension_semantics<arbitrary>, #tpu.dimension_semantics<arbitrary>], iteration_bounds = array<i64: 4, 8>, scalar_prefetch = 0 : i64, scratch_operands = 0 : i64, tpu.core_type = #tpu.core_type<tc>, window_params = [{transform_indices = @transform_0, window_bounds = array<i64: 1, 512, 3>}, {transform_indices = @transform_1, window_bounds = array<i64: 1, 3, 256>}, {transform_indices = @transform_2, window_bounds = array<i64: 1, 3, 256>}, {transform_indices = @transform_3, window_bounds = array<i64: 1, 3, 256>}]} {
    %get3A = arith.constant 0 : index
    %get3A_0 = arith.constant 0 : index
    %get3A_1 = arith.constant 0 : index
    %get3A_2 = vector.load %arg2[%get3A, %get3A_0, %get3A_1] : memref<1x512x3xf32, #tpu.memory_space<vmem>>, vector<1x512x3xf32>
    %get3A_3 = vector.shape_cast %get3A_2 : vector<1x512x3xf32> to vector<512x3xf32>
    %get3A_4 = arith.constant 0 : index
    %get3A_5 = arith.constant 0 : index
    %get3A_6 = arith.constant 0 : index
    %get3A_7 = vector.load %arg3[%get3A_4, %get3A_5, %get3A_6] : memref<1x3x256xf32, #tpu.memory_space<vmem>>, vector<1x3x256xf32>
    %get3A_8 = vector.shape_cast %get3A_7 : vector<1x3x256xf32> to vector<3x256xf32>
    %slice3A = vector.extract_strided_slice %get3A_3 {offsets = [0, 0], sizes = [512, 1], strides = [1, 1]} : vector<512x3xf32> to vector<512x1xf32>
    %slice3A_9 = vector.extract_strided_slice %get3A_3 {offsets = [0, 1], sizes = [512, 1], strides = [1, 1]} : vector<512x3xf32> to vector<512x1xf32>
    %slice3A_10 = vector.extract_strided_slice %get3A_3 {offsets = [0, 2], sizes = [512, 1], strides = [1, 1]} : vector<512x3xf32> to vector<512x1xf32>
    %slice3A_11 = vector.extract_strided_slice %get3A_8 {offsets = [0, 0], sizes = [1, 256], strides = [1, 1]} : vector<3x256xf32> to vector<1x256xf32>
    %slice3A_12 = vector.extract_strided_slice %get3A_8 {offsets = [1, 0], sizes = [1, 256], strides = [1, 1]} : vector<3x256xf32> to vector<1x256xf32>
    %slice3A_13 = vector.extract_strided_slice %get3A_8 {offsets = [2, 0], sizes = [1, 256], strides = [1, 1]} : vector<3x256xf32> to vector<1x256xf32>
    %mul3A = arith.mulf %slice3A, %slice3A : vector<512x1xf32>
    %mul3A_14 = arith.mulf %slice3A_9, %slice3A_9 : vector<512x1xf32>
    %add3A = arith.addf %mul3A, %mul3A_14 : vector<512x1xf32>
    %mul3A_15 = arith.mulf %slice3A_10, %slice3A_10 : vector<512x1xf32>
    %add3A_16 = arith.addf %add3A, %mul3A_15 : vector<512x1xf32>
    %mul3A_17 = arith.mulf %slice3A_11, %slice3A_11 : vector<1x256xf32>
    %mul3A_18 = arith.mulf %slice3A_12, %slice3A_12 : vector<1x256xf32>
    %add3A_19 = arith.addf %mul3A_17, %mul3A_18 : vector<1x256xf32>
    %mul3A_20 = arith.mulf %slice3A_13, %slice3A_13 : vector<1x256xf32>
    %add3A_21 = arith.addf %add3A_19, %mul3A_20 : vector<1x256xf32>
    %mul3A_22 = vector.broadcast %slice3A : vector<512x1xf32> to vector<512x256xf32>
    %mul3A_23 = vector.broadcast %slice3A_11 : vector<1x256xf32> to vector<512x256xf32>
    %mul3A_24 = arith.mulf %mul3A_22, %mul3A_23 : vector<512x256xf32>
    %mul3A_25 = vector.broadcast %slice3A_9 : vector<512x1xf32> to vector<512x256xf32>
    %mul3A_26 = vector.broadcast %slice3A_12 : vector<1x256xf32> to vector<512x256xf32>
    %mul3A_27 = arith.mulf %mul3A_25, %mul3A_26 : vector<512x256xf32>
    %add3A_28 = arith.addf %mul3A_24, %mul3A_27 : vector<512x256xf32>
    %mul3A_29 = vector.broadcast %slice3A_10 : vector<512x1xf32> to vector<512x256xf32>
    %mul3A_30 = vector.broadcast %slice3A_13 : vector<1x256xf32> to vector<512x256xf32>
    %mul3A_31 = arith.mulf %mul3A_29, %mul3A_30 : vector<512x256xf32>
    %add3A_32 = arith.addf %add3A_28, %mul3A_31 : vector<512x256xf32>
    %add3A_33 = vector.broadcast %add3A_21 : vector<1x256xf32> to vector<512x256xf32>
    %add3A_34 = vector.broadcast %add3A_16 : vector<512x1xf32> to vector<512x256xf32>
    %add3A_35 = arith.addf %add3A_33, %add3A_34 : vector<512x256xf32>
    %mul3A_36 = arith.constant 2.000000e+00 : f32
    %mul3A_37 = vector.broadcast %mul3A_36 : f32 to vector<512x256xf32>
    %mul3A_38 = arith.mulf %mul3A_37, %add3A_32 : vector<512x256xf32>
    %sub3A = arith.subf %add3A_35, %mul3A_38 : vector<512x256xf32>
    %iota3A = tpu.iota {dimensions = array<i32: 0>} : vector<512x256xi32>
    %reduce_min3A = arith.constant dense<0x7F800000> : vector<256xf32>
    %reduce_min3A_39 = vector.multi_reduction <minimumf>, %sub3A, %reduce_min3A [0] : vector<512x256xf32> to vector<256xf32>
    %broadcast_in_dim3A = vector.shape_cast %reduce_min3A_39 : vector<256xf32> to vector<1x256xf32>
    %eq3A = vector.broadcast %broadcast_in_dim3A : vector<1x256xf32> to vector<512x256xf32>
    %eq3A_40 = arith.cmpf oeq, %sub3A, %eq3A : vector<512x256xf32>
    %jit3A = arith.constant 512 : i32
    %broadcast_in_dim3A_41 = vector.broadcast %jit3A : i32 to vector<512x256xi32>
    %select_n3A = arith.select %eq3A_40, %iota3A, %broadcast_in_dim3A_41 : vector<512x256xi1>, vector<512x256xi32>
    %reduce_min3A_42 = arith.constant dense<2147483647> : vector<256xi32>
    %reduce_min3A_43 = vector.multi_reduction <minsi>, %select_n3A, %reduce_min3A_42 [0] : vector<512x256xi32> to vector<256xi32>
    %broadcast_in_dim3A_44 = vector.shape_cast %reduce_min3A_43 : vector<256xi32> to vector<1x256xi32>
    %eq3A_45 = vector.broadcast %broadcast_in_dim3A_44 : vector<1x256xi32> to vector<512x256xi32>
    %eq3A_46 = arith.cmpi eq, %iota3A, %eq3A_45 : vector<512x256xi32>
    %jit3A_47 = arith.constant 0x7F800000 : f32
    %broadcast_in_dim3A_48 = vector.broadcast %jit3A_47 : f32 to vector<512x256xf32>
    %select_n3A_49 = arith.select %eq3A_46, %broadcast_in_dim3A_48, %sub3A : vector<512x256xi1>, vector<512x256xf32>
    %reduce_min3A_50 = arith.constant dense<0x7F800000> : vector<256xf32>
    %reduce_min3A_51 = vector.multi_reduction <minimumf>, %select_n3A_49, %reduce_min3A_50 [0] : vector<512x256xf32> to vector<256xf32>
    %broadcast_in_dim3A_52 = vector.shape_cast %reduce_min3A_51 : vector<256xf32> to vector<1x256xf32>
    %eq3A_53 = vector.broadcast %broadcast_in_dim3A_52 : vector<1x256xf32> to vector<512x256xf32>
    %eq3A_54 = arith.cmpf oeq, %select_n3A_49, %eq3A_53 : vector<512x256xf32>
    %jit3A_55 = arith.constant 512 : i32
    %broadcast_in_dim3A_56 = vector.broadcast %jit3A_55 : i32 to vector<512x256xi32>
    %select_n3A_57 = arith.select %eq3A_54, %iota3A, %broadcast_in_dim3A_56 : vector<512x256xi1>, vector<512x256xi32>
    %reduce_min3A_58 = arith.constant dense<2147483647> : vector<256xi32>
    %reduce_min3A_59 = vector.multi_reduction <minsi>, %select_n3A_57, %reduce_min3A_58 [0] : vector<512x256xi32> to vector<256xi32>
    %broadcast_in_dim3A_60 = vector.shape_cast %reduce_min3A_59 : vector<256xi32> to vector<1x256xi32>
    %eq3A_61 = vector.broadcast %broadcast_in_dim3A_60 : vector<1x256xi32> to vector<512x256xi32>
    %eq3A_62 = arith.cmpi eq, %iota3A, %eq3A_61 : vector<512x256xi32>
    %jit3A_63 = arith.constant 0x7F800000 : f32
    %broadcast_in_dim3A_64 = vector.broadcast %jit3A_63 : f32 to vector<512x256xf32>
    %select_n3A_65 = arith.select %eq3A_62, %broadcast_in_dim3A_64, %select_n3A_49 : vector<512x256xi1>, vector<512x256xf32>
    %reduce_min3A_66 = arith.constant dense<0x7F800000> : vector<256xf32>
    %reduce_min3A_67 = vector.multi_reduction <minimumf>, %select_n3A_65, %reduce_min3A_66 [0] : vector<512x256xf32> to vector<256xf32>
    %broadcast_in_dim3A_68 = vector.shape_cast %reduce_min3A_67 : vector<256xf32> to vector<1x256xf32>
    %eq3A_69 = vector.broadcast %broadcast_in_dim3A_68 : vector<1x256xf32> to vector<512x256xf32>
    %eq3A_70 = arith.cmpf oeq, %select_n3A_65, %eq3A_69 : vector<512x256xf32>
    %jit3A_71 = arith.constant 512 : i32
    %broadcast_in_dim3A_72 = vector.broadcast %jit3A_71 : i32 to vector<512x256xi32>
    %select_n3A_73 = arith.select %eq3A_70, %iota3A, %broadcast_in_dim3A_72 : vector<512x256xi1>, vector<512x256xi32>
    %reduce_min3A_74 = arith.constant dense<2147483647> : vector<256xi32>
    %reduce_min3A_75 = vector.multi_reduction <minsi>, %select_n3A_73, %reduce_min3A_74 [0] : vector<512x256xi32> to vector<256xi32>
    %broadcast_in_dim3A_76 = vector.shape_cast %reduce_min3A_75 : vector<256xi32> to vector<1x256xi32>
    %concatenate3A = tpu.concatenate %broadcast_in_dim3A_44, %broadcast_in_dim3A_60, %broadcast_in_dim3A_76 in 0 : vector<1x256xi32>, vector<1x256xi32>, vector<1x256xi32> -> vector<3x256xi32>
    %swap3A = arith.constant 0 : index
    %swap3A_77 = arith.constant 0 : index
    %swap3A_78 = arith.constant 0 : index
    %swap3A_79 = vector.load %arg4[%swap3A, %swap3A_77, %swap3A_78] : memref<1x3x256xi32, #tpu.memory_space<vmem>>, vector<1x3x256xi32>
    %swap3A_80 = vector.shape_cast %swap3A_79 : vector<1x3x256xi32> to vector<3x256xi32>
    %swap3A_81 = vector.shape_cast %concatenate3A : vector<3x256xi32> to vector<1x3x256xi32>
    tpu.vector_store %arg4[%swap3A, %swap3A_77, %swap3A_78], %swap3A_81 {strides = array<i32>} : memref<1x3x256xi32, #tpu.memory_space<vmem>>, vector<1x3x256xi32>,
    %concatenate3A_82 = tpu.concatenate %broadcast_in_dim3A, %broadcast_in_dim3A_52, %broadcast_in_dim3A_68 in 0 : vector<1x256xf32>, vector<1x256xf32>, vector<1x256xf32> -> vector<3x256xf32>
    %swap3A_83 = arith.constant 0 : index
    %swap3A_84 = arith.constant 0 : index
    %swap3A_85 = arith.constant 0 : index
    %swap3A_86 = vector.load %arg5[%swap3A_83, %swap3A_84, %swap3A_85] : memref<1x3x256xf32, #tpu.memory_space<vmem>>, vector<1x3x256xf32>
    %swap3A_87 = vector.shape_cast %swap3A_86 : vector<1x3x256xf32> to vector<3x256xf32>
    %swap3A_88 = vector.shape_cast %concatenate3A_82 : vector<3x256xf32> to vector<1x3x256xf32>
    tpu.vector_store %arg5[%swap3A_83, %swap3A_84, %swap3A_85], %swap3A_88 {strides = array<i32>} : memref<1x3x256xf32, #tpu.memory_space<vmem>>, vector<1x3x256xf32>,
    return
  }
  func.func @transform_0(%arg0: i32, %arg1: i32) -> (i32, i32, i32) {
    %c0_i32 = arith.constant 0 : i32
    %c0_i32_0 = arith.constant 0 : i32
    %c0_i32_1 = arith.constant 0 : i32
    return %arg0, %c0_i32, %c0_i32_0 : i32, i32, i32
  }
  func.func @transform_1(%arg0: i32, %arg1: i32) -> (i32, i32, i32) {
    %c0_i32 = arith.constant 0 : i32
    %c0_i32_0 = arith.constant 0 : i32
    return %arg0, %c0_i32, %arg1 : i32, i32, i32
  }
  func.func @transform_2(%arg0: i32, %arg1: i32) -> (i32, i32, i32) {
    %c0_i32 = arith.constant 0 : i32
    %c0_i32_0 = arith.constant 0 : i32
    return %arg0, %c0_i32, %arg1 : i32, i32, i32
  }
  func.func @transform_3(%arg0: i32, %arg1: i32) -> (i32, i32, i32) {
    %c0_i32 = arith.constant 0 : i32
    %c0_i32_0 = arith.constant 0 : i32
    return %arg0, %c0_i32, %arg1 : i32, i32, i32
  }
}

</mosaic_0001>

<sc_bundles>
// kernel: gather_offload_async_start.1
scs
__scs_entry_jumppad:
0x0: {  	(pc) =	sbr.rel $0x88, $3  }
0x1: {  	(tag) =	ssettag $0x0;
	lr =	simm.s32 $0x1  }
0x2: {  	[smem:$0x3F49] =	sst lr;
	_ =	strace $0xD0000000  }
0x3: {  	_ = 	snop  }
0x4: {  	_ = 	snop  }
0x5: {  	_ = 	snop  }
0x6: {  	_ = 	snop  }
0x7: {  	_ = 	snop  }
__scs_overlays_trampoline_lowered:
0x8: {  	[smem:$0x3F58] =	sst s0  }
0x9: {  	[smem:$0x3F59] =	sst s1  }
0xa: {  	[smem:$0x3F5A] =	sst s2  }
0xb: {  	[smem:$0x3F5B] =	sst s3  }
0xc: {  	[smem:$0x3F5C] =	sst s4  }
0xd: {  	[smem:$0x3F5D] =	sst s5  }
0xe: {  	[smem:$0x3F5E] =	sst s6  }
0xf: {  	[smem:$0x3F5F] =	sst s7  }
0x10: {  	[smem:$0x3F60] =	sst s8  }
0x11: {  	[smem:$0x3F61] =	sst s9;
	s0 =	simm.s32 @!p0 $0x0  }
0x12: {  	s1 =	sld [smem:$0x3F47];
	s0 =	simm.s32 @p0 $0x1  }
0x13: {  	[smem:$0x3F62] =	sst s0;
	s0 =	simm.s32 @!p1 $0x0  }
0x14: {  	s2 =	sld [smem:$0x3F46];
	s0 =	simm.s32 @p1 $0x1  }
0x15: {  	[smem:$0x3F63] =	sst s0;
	s0 =	simm.s32 @!p2 $0x0  }
0x16: {  	s3 =	sld [smem:$0x3FDB];
	s0 =	simm.s32 @p2 $0x1  }
0x17: {  	s4 =	simm.s32 $0x1BF5;
	[smem:$0x3F65] =	sst s0  }
0x18: {  	s0 =	sld [smem:$0x3F48];
	_ =	swait.ge [sflag:s4], $0x0  }
0x19: {  	s7 =	sld [smem:$0x3F49]  }
0x1a: {  	s8 =	sadd.s32 $0xFFFFE003, lr  }
0x1b: {  	s9 =	sadd.s32 $0xFFFFFEF7, lr;
	s5 =	simm.s32 $0xFFFFFFFF;
	p2 =	slt.u32 s8, $0xFFFFF086  }
0x1c: {  	p1 =	slt.u32 s9, $0xF7A;
	s5 =	simm.s32 @!p2 $0x0  }
0x1d: {  	s5 =	simm.s32 @p1 $0x1;
	p0 =	seq.s32 s7, s2  }
0x1e: {  	s7 =	smul.u32 @!p0 $0xF7A, s2;
	p2 =	seq.s32 @!p0 s5, $0x0  }
0x1f: {  	s9 =	smul.u32 $0xF7A, s1;
	s8 =	simm.s32 @!p0 $0x1BF5;
	p2 =	por !p2, p0  }
0x20: {  	[sflag:s8] =	ssyncset.s32 @!p0 $0xFFFFF086;
	s6 =	sadd.s32 @!p0 s3, s7;
	s7 =	simm.s32 @!p0 $0x108  }
0x21: {  	s3 =	sadd.s32 s3, s9;
	s6 =	sadd.s32 @!p0 $0x88, s6;
	s7 =	simm.s32 @p2 $0x1082  }
0x22: {  	[simem:s7], [sflag:s8] =	dma.local @!p0 [hbm:s6], $0xF7A  }
0x23: {  	s9 =	sor.u32 $0xD0000000, s2;
	s6 =	simm.s32 $0x108;
	_ =	swait.ge @!p0 [sflag:s8], $0x0  }
0x24: {  	s3 =	sadd.s32 $0x88, s3;
	s6 =	simm.s32 @!p1 $0x1082;
	[sflag:s4] =	ssyncset.s32 $0xFFFFF086  }
0x25: {  	[simem:s6], [sflag:s4] =	dma.local [hbm:s3], $0xF7A  }
0x26: {  	[smem:$0x3F49] =	sst s1;
	(tag) =	ssettag s2;
	_ =	strace s9  }
0x27: {  	s1 =	sld [smem:$0x3F59]  }
0x28: {  	s2 =	sld [smem:$0x3F5A]  }
0x29: {  	s4 =	sld [smem:$0x3F5C]  }
0x2a: {  	p0 =	seq.s32 s5, $0x0;
	s5 =	sld [smem:$0x3F5D]  }
0x2b: {  	s6 =	sld [smem:$0x3F5E]  }
0x2c: {  	s7 =	sld [smem:$0x3F5F]  }
0x2d: {  	s3 =	simm.s32 $0x108;
	s8 =	sld [smem:$0x3F60]  }
0x2e: {  	s3 =	simm.s32 @!p0 $0x1082;
	s9 =	sld [smem:$0x3F61]  }
0x2f: {  	lr =	sadd.s32 s0, s3;
	s0 =	sld [smem:$0x3F58]  }
0x30: {  	s3 =	sld [smem:$0x3F5B]  }
0x31: {  	[smem:$0x3F64] =	sst s10  }
0x32: {  	s10 =	sld [smem:$0x3F62];
	_ =	sdelay $0x3  }
0x33: {  	p0 =	seq.s32 s10, $0x1;
	s10 =	sld [smem:$0x3F64];
	_ =	sdelay $0x3  }
0x34: {  	[smem:$0x3F64] =	sst s10  }
0x35: {  	s10 =	sld [smem:$0x3F63];
	_ =	sdelay $0x3  }
0x36: {  	p1 =	seq.s32 s10, $0x1;
	s10 =	sld [smem:$0x3F64];
	_ =	sdelay $0x3  }
0x37: {  	[smem:$0x3F64] =	sst s10  }
0x38: {  	s10 =	sld [smem:$0x3F65]  }
0x39: {  	_ = 	snop;
	(pc) =	sbr.ind lr, $3  }
0x3a: {  	_ = 	snop  }
0x3b: {  	_ = 	snop  }
0x3c: {  	p2 =	seq.s32 s10, $0x1;
	s10 =	sld [smem:$0x3F64]  }
0x3d: {  	_ =	shalt  }
0x3e: {  	_ =	shalt  }
0x3f: {  	_ =	shalt  }
0x40: {  	_ =	shalt  }
0x41: {  	_ =	shalt  }
0x42: {  	_ =	shalt  }
0x43: {  	_ =	shalt  }
0x44: {  	_ =	shalt  }
0x45: {  	_ =	shalt  }
0x46: {  	_ =	shalt  }
0x47: {  	_ =	shalt  }
0x48: {  	_ =	shalt  }
0x49: {  	_ =	shalt  }
0x4a: {  	_ =	shalt  }
0x4b: {  	_ =	shalt  }
0x4c: {  	_ =	shalt  }
0x4d: {  	_ =	shalt  }
0x4e: {  	_ =	shalt  }
0x4f: {  	_ =	shalt  }
0x50: {  	_ =	shalt  }
0x51: {  	_ =	shalt  }
0x52: {  	_ =	shalt  }
0x53: {  	_ =	shalt  }
0x54: {  	_ =	shalt  }
0x55: {  	_ =	shalt  }
0x56: {  	_ =	shalt  }
0x57: {  	_ =	shalt  }
0x58: {  	_ =	shalt  }
0x59: {  	_ =	shalt  }
0x5a: {  	_ =	shalt  }
0x5b: {  	_ =	shalt  }
0x5c: {  	_ =	shalt  }
0x5d: {  	_ =	shalt  }
0x5e: {  	_ =	shalt  }
0x5f: {  	_ =	shalt  }
0x60: {  	_ =	shalt  }
0x61: {  	_ =	shalt  }
0x62: {  	_ =	shalt  }
0x63: {  	_ =	shalt  }
0x64: {  	_ =	shalt  }
0x65: {  	_ =	shalt  }
0x66: {  	_ =	shalt  }
0x67: {  	_ =	shalt  }
0x68: {  	_ =	shalt  }
0x69: {  	_ =	shalt  }
0x6a: {  	_ =	shalt  }
0x6b: {  	_ =	shalt  }
0x6c: {  	_ =	shalt  }
0x6d: {  	_ =	shalt  }
0x6e: {  	_ =	shalt  }
0x6f: {  	_ =	shalt  }
0x70: {  	_ =	shalt  }
0x71: {  	_ =	shalt  }
0x72: {  	_ =	shalt  }
0x73: {  	_ =	shalt  }
0x74: {  	_ =	shalt  }
0x75: {  	_ =	shalt  }
0x76: {  	_ =	shalt  }
0x77: {  	_ =	shalt  }
0x78: {  	_ =	shalt  }
0x79: {  	_ =	shalt  }
0x7a: {  	_ =	shalt  }
0x7b: {  	_ =	shalt  }
0x7c: {  	_ =	shalt  }
0x7d: {  	_ =	shalt  }
0x7e: {  	_ =	shalt  }
0x7f: {  	_ =	shalt  }
0x80: {  	_ =	shalt  }
0x81: {  	_ =	shalt  }
0x82: {  	_ =	shalt  }
0x83: {  	_ =	shalt  }
0x84: {  	_ =	shalt  }
0x85: {  	_ =	shalt  }
0x86: {  	_ =	shalt  }
0x87: {  	_ =	shalt  }
.Lfunc_end0:
.L_simem_size_0:
called_computation.2_lowered:
.L_overlay_start_0:
0x88: {  	s2 =	sld [smem:$0x3FD9]  }
0x89: {  	s3 =	sld [smem:$0x3FFE];
	_ =	sdelay $0x1  }
0x8a: {  	s1 =	srdreg.scid  }
0x8b: {  	s0 =	sand.u32 $0x1, s1  }
0x8c: {  	s17 =	sshll.u32 s0, $0xA;
	s2 =	sadd.s32 s3, s2  }
0x8d: {  	s2 =	sadd.s32 s2, s17  }
0x8e: {  	[smem:$0x3F70] =	sst s2  }
0x8f: {  	_ = 	snop  }
0x90: {  	(tm) =	ssettm $0x1  }
0x91: {  	s18 =	sld [smem:$0x3FFB];
	_ =	sdelay $0x3  }
0x92: {  	_ =	strace s18  }
0x93: {  	s2 =	sld [smem:$0x3FFC];
	_ =	sdelay $0x3  }
0x94: {  	_ =	strace s2  }
0x95: {  	s2 =	sld [smem:$0x3FFD];
	_ =	sdelay $0x3  }
0x96: {  	_ =	strace s2  }
0x97: {  	_ =	strace $0x8FFFFFFF  }
0x98: {  	s19 =	sld [smem:$0x3FDB];
	_ =	sdelay $0x1  }
0x99: {  	s20 =	simm.s32 $_scs_section_size  }
0x9a: {  	s4 =	simm.s32 $_size__tile_overlayer_lowered;
	s5 =	simm.s32 $_tile_overlayer_lowered  }
0x9b: {  	s6 =	simm.s32 $0x1BFF;
	s21 =	sshll.u32 s5, $0x1;
	s3 =	sadd.s32 s20, s19  }
0x9c: {  	s22 =	simm.s32 $0x0;
	s4 =	sshll.u32 s4, $0x1;
	s5 =	sadd.s32 s21, s3  }
0x9d: {  	[timem:s22], [sflag:s6] =	dma.local [hbm:s5], s4  }
0x9e: {  	_ =	swait.ge [sflag:s6], s4  }
0x9f: {  	s4 =	ssub.s32 $0x0, s4;
	[sflag:s6] =	ssyncset.done $0x0  }
0xa0: {  	[sflag:s6] =	ssyncadd.s32 s4;
	_ =	sdelay $0x1  }
0xa1: {  	s23 =	simm.s32 $0x1B8B  }
0xa2: {  	_ =	swait.ge [sflag:s23], $0x1  }
0xa3: {  	[sflag:s23] =	ssyncset.done $0x0  }
0xa4: {  	[sflag:s23] =	ssyncadd.s32 $0xFFFFFFFF  }
0xa5: {  	s4 =	sld [smem:$0x0]  }
0xa6: {  	s5 =	sand.u32 $0xFFFFFFFE, s1  }
0xa7: {  	p0 =	sne.s32 s1, s5  }
0xa8: {  	s5 =	sshll.u32 @p0 s5, $0xE  }
0xa9: {  	s5 =	sadd.s32 @p0 $0x11B8D, s5;
	s6 =	sshll.u32 @p0 s4, $0x11  }
0xaa: {  	s5 =	sor.u32 @p0 s6, s5  }
0xab: {  	[sflag:s5] =	ssyncadd.remote.s32 @p0 $0x1;
	_ =	sdelay $0x1  }
0xac: {  	s5 =	simm.s32 @p0 $0x1B8D  }
0xad: {  	_ =	swait.eq @p0 [sflag:s5], $0x1  }
0xae: {  	[sflag:s5] =	ssyncadd.s32 @p0 $0xFFFFFFFF  }
0xaf: {  	s6 =	sshll.u32 @!p0 s1, $0xE  }
0xb0: {  	s6 =	sor.u32 @!p0 $0x4000, s6;
	s5 =	simm.s32 @!p0 $0x1B8D  }
0xb1: {  	s4 =	sshll.u32 @!p0 s4, $0x11;
	s6 =	sadd.s32 @!p0 $0x11B8D, s6;
	_ =	swait.eq @!p0 [sflag:s5], $0x1  }
0xb2: {  	s4 =	sor.u32 @!p0 s4, s6;
	[sflag:s5] =	ssyncadd.s32 @!p0 $0xFFFFFFFF  }
0xb3: {  	s25 =	simm.s32 $0x1B8E;
	s24 =	sld [smem:$0x3FFE];
	[sflag:s4] =	ssyncadd.remote.s32 @!p0 $0x1  }
0xb4: {  	s26 =	simm.s32 $execute0_lowered;
	[smem:$0x3FD2] =	sst s25  }
0xb5: {  	s5 =	sshll.u32 s26, $0x1;
	_ =	strace $0x80000049;
	[dreg:$0x1] =	wrdreg $0xFFFFFFFF  }
0xb6: {  	s28 =	simm.s32 $_size_execute0_lowered;
	s3 =	sadd.s32 s3, s5;
	[dreg:$0x0] =	wrdreg $0x0  }
0xb7: {  	s5 =	sshll.u32 s28, $0x1;
	[dreg:$0x2] =	wrdreg s3  }
0xb8: {  	[dreg:$0x3] =	wrdreg s5  }
0xb9: {  	[dreg:$0x4] =	wrdreg $0xC0  }
0xba: {  	_ =	task [dreg:s22], $0x5FFFF  }
0xbb: {  	[dreg:$0x1] =	wrdreg $0xFFFFFFFF  }
0xbc: {  	[dreg:$0x0] =	wrdreg $0x60  }
0xbd: {  	[dreg:$0x2] =	wrdreg s24  }
0xbe: {  	[dreg:$0x3] =	wrdreg $0x9  }
0xbf: {  	_ =	task.clear_ibuf [dreg:s22], $0x4FFFF;
	_ =	strace $0x90000049  }
0xc0: {  	s29 =	simm.s32 $0x9;
	_ =	strace $0x8000004B  }
0xc1: {  	_ =	swait.ge [sflag:s29], $0x1  }
0xc2: {  	[sflag:s29] =	ssyncadd.s32 $0xFFFFFFFF  }
0xc3: {  	_ =	strace $0x9000004B  }
0xc4: {  	_ =	sfence  }
0xc5: {  	s30 =	sld [smem:$0x0];
	_ =	sdelay $0x2  }
0xc6: {  	s31 =	sshll.u32 s1, $0xD;
	s1 =	sshrl.u32 s1, $0x2  }
0xc7: {  	s4 =	sand.u32 $0x4000, s31;
	s1 =	sadd.s32 s1, s30  }
0xc8: {  	s0 =	sor.u32 s4, s0;
	s1 =	sshll.u32 s1, $0x11  }
0xc9: {  	s0 =	sor.u32 s1, s0  }
0xca: {  	s0 =	sadd.s32 $0x8F2B, s0  }
0xcb: {  	[sflag:s0] =	ssyncadd.remote.s32 $0x1  }
0xcc: {  	_ =	sfence.sel $0xFFFF  }
0xcd: {  	[dreg:$0x0] =	wrdreg $0xFFFFFFFF;
	(pc) =	sbr.abs _section_cstart, $3  }
0xce: {  	[dreg:$0x1] =	wrdreg $0xFFFFFFFF  }
0xcf: {  	_ =	task.clear_ibuf [dreg:s22], $0x2FFFF;
	_ =	strace $0x9FFFFFFF  }
0xd0: {  	(tm) =	ssettm $0x7FFFFFFF  }
0xd1: {  	_ =	shalt  }
tec
execute0_lowered:
.L_overlay_start_1:
0x0: {  	(tag) =	ssettag $0x1  }
0x1: {  	s7 =	rddreg [dreg:$0x0]  }
0x2: {  	s0 =	rddreg [dreg:$0x1];
	_ =	strace $0x8000004A  }
0x3: {  	s1 =	srdreg.scid;
	s4 =	simm.s32 $0x1;
	s9 =	simm.s32 $0x3  }
0x4: {  	s12 =	simm.s32 $0x0;
	s10 =	simm.s32 $0x0;
	s5 =	sshll.u32 s1, $0x4  }
.Ltmp0:
0x5: {  	s1 =	stileid.u32;
	s5 =	sand.u32 $0x10, s5;
	(pc) =	sbr.rel .LBB2_1-.Ltmp0, $4  }
0x6: {  	s2 =	sadd.s32 $0x9600, s7;
	s3 =	sadd.s32 $0x76800, s7;
	s6 =	sor.u32 s1, s5  }
0x7: {  	[sflag:s4] =	ssyncpa.u1 $0x0;
	s5 =	simm.s32 $0x2;
	s6 =	sshll.u32 s6, $0x6  }
0x8: {  	s7 =	sadd.s32 $0x76A00, s7;
	[sflag:s5] =	ssyncpa.u1 $0x0;
	s8 =	sadd.s32 $0x40, s6  }
0x9: {  	vm0 =	vmmov $0xff;
	vm1 =	vcmask $0x3F20;
	[sflag:s9] =	ssyncpa.u1 $0x0;
	s9 =	simm.s32 $0x40;
	s11 =	smov.u32 s6  }
.LBB2_9:
0xa: {  	p0 =	seq.s32 s10, $0x2  }
.Ltmp1:
0xb: {  	_ = 	snop;
	(pc) =	sbr.rel @p0 .LBB2_11-.Ltmp1, $1  }
0xc: {  	_ =	sdelay $0x3  }
.LBB2_10:
0xd: {  	s12 =	sadd.s32 $0x40, s11  }
0xe: {  	s13 =	smov.u32 s6;
	p0 =	slt.s32 s12, s8  }
0xf: {  	s13 =	smov.u32 @p0 s12  }
0x10: {  	s10 =	sadd.s32 $0x1, s10;
	s12 =	smov.u32 s11;
	s11 =	smov.u32 s13  }
.LBB2_1:
0x11: {  	p0 =	sne.s32 s10, $0x0  }
.Ltmp2:
0x12: {  	_ = 	snop;
	(pc) =	sbr.rel @!p0 .LBB2_2-.Ltmp2, $1  }
0x13: {  	_ =	sdelay $0x3  }
0x14: {  	s13 =	sand.u32 $0x1, s10  }
0x15: {  	p0 =	seq.s32 s13, $0x0  }
.Ltmp3:
0x16: {  	_ = 	snop;
	(pc) =	sbr.rel @p0 .LBB2_9-.Ltmp3, $1  }
0x17: {  	_ =	sdelay $0x3  }
0x18: {  	_ =	swait.ge [sflag:s5], $0x40  }
0x19: {  	[sflag:s5] =	ssyncset.done $0x0  }
0x1a: {  	s13 =	simm.s32 $0x0;
	[sflag:s5] =	ssyncadd.s32 $0xFFFFFFC0  }
0x1b: {  	v0 =	vld.msk [tilespmem:s13+$0x40 ss:$0x1], $0xffff;
	_ =	sdelay $0x4  }
0x1c: {  	v1 =	vshll.u32 v0, $0x5  }
0x1d: {  	vm2 =	veq.s32 v0, $0x80000000;
	v0 =	vshll.u32 v0, $0x12;
	v1 =	vand.u32 $0x3FF80, v1  }
0x1e: {  	v0 =	vand.u32 $0xC0000, v0;
	v1 =	vsel vm2, $0xFFFFFF80, v1  }
0x1f: {  	v0 =	vsel vm2, $0xFFFC0000, v0;
	v2 =	vand.u32 $0xFFFFFC00, v1  }
0x20: {  	v1 =	vand.u32 $0x380, v1;
	v0 =	vadd.s32 v0, v2  }
0x21: {  	v0 =	vor.u32 v1, v0  }
0x22: {  	v0 =	vshrl.u32 v0, $0x3;
	_ =	sdelay $0x3  }
0x23: {  	s13 =	simm.s32 $0x2080  }
0x24: {  	[tilespmem:s13], [sflag:$0x1] =	stream.indirect_vreg.gather [hbm:s2], $0x80, v0, vm0, $0x38;
	[tilespmem:$0x4080] =	vst v63  }
0x25: {  	s14 =	simm.s32 $0x2480;
	s31 =	simm.s32 $0x10  }
0x26: {  	[tilespmem:s14], [sflag:$0x1] =	stream.indirect_vreg.gather [hbm:s2], $0x80, v0, vm1, $0x38;
	[tilespmem:$0x4080] =	vst v63  }
0x27: {  	s14 =	simm.s32 $0x80;
	v0 =	vld.msk [tilespmem:s31+$0x40 ss:$0x1], $0xffff  }
.LBB2_5:
0x28: {  	p0 =	sne.s32 s14, $0xC0;
	_ =	sdelay $0x4  }
0x29: {  	v1 =	vshll.u32 v0, $0x5  }
0x2a: {  	vm2 =	veq.s32 v0, $0x80000000;
	v0 =	vshll.u32 v0, $0x12;
	v1 =	vand.u32 $0x3FF80, v1  }
0x2b: {  	v0 =	vand.u32 $0xC0000, v0;
	v1 =	vsel vm2, $0xFFFFFF80, v1  }
0x2c: {  	v0 =	vsel vm2, $0xFFFC0000, v0;
	v2 =	vand.u32 $0xFFFFFC00, v1  }
0x2d: {  	v1 =	vand.u32 $0x380, v1;
	v0 =	vadd.s32 v0, v2  }
0x2e: {  	v0 =	vor.u32 v1, v0  }
0x2f: {  	v0 =	vshrl.u32 v0, $0x3;
	_ =	sdelay $0x3  }
.Ltmp4:
0x30: {  	s13 =	sadd.s32 $0x800, s13;
	(pc) =	sbr.rel @p0 .LBB2_5-.Ltmp4, $4  }
0x31: {  	[tilespmem:s13], [sflag:$0x1] =	stream.indirect_vreg.gather [hbm:s2], $0x80, v0, vm0, $0x38;
	[tilespmem:$0x4080] =	vst v63  }
0x32: {  	s15 =	sshra.s32 s14, $0x2;
	s16 =	sadd.s32 $0x400, s13  }
0x33: {  	[tilespmem:s16], [sflag:$0x1] =	stream.indirect_vreg.gather [hbm:s2], $0x80, v0, vm1, $0x38;
	[tilespmem:$0x4080] =	vst v63  }
0x34: {  	s14 =	sadd.s32 $0x40, s14;
	v0 =	vld.msk [tilespmem:s15+$0x40 ss:$0x1], $0xffff  }
0x35: {  	_ =	sdelay $0x3  }
0x36: {  	v1 =	vshll.u32 v0, $0x5  }
0x37: {  	vm2 =	veq.s32 v0, $0x80000000;
	v63 =	vshll.u32 v0, $0x12;
	v1 =	vand.u32 $0x3FF80, v1  }
0x38: {  	v0 =	vand.u32 $0xC0000, v63;
	v1 =	vsel vm2, $0xFFFFFF80, v1  }
0x39: {  	v0 =	vsel vm2, $0xFFFC0000, v0;
	v2 =	vand.u32 $0xFFFFFC00, v1  }
0x3a: {  	v1 =	vand.u32 $0x380, v1;
	v0 =	vadd.s32 v0, v2  }
0x3b: {  	v0 =	vor.u32 v1, v0  }
0x3c: {  	v0 =	vshrl.u32 v0, $0x3;
	_ =	sdelay $0x3  }
0x3d: {  	s13 =	sadd.s32 $0x800, s13  }
0x3e: {  	[tilespmem:s13], [sflag:$0x1] =	stream.indirect_vreg.gather [hbm:s2], $0x80, v0, vm0, $0x38;
	[tilespmem:$0x4080] =	vst v63  }
0x3f: {  	s13 =	sadd.s32 $0x400, s13  }
0x40: {  	[tilespmem:s13], [sflag:$0x1] =	stream.indirect_vreg.gather [hbm:s2], $0x80, v0, vm1, $0x38;
	[tilespmem:$0x4080] =	vst v63  }
0x41: {  	s12 =	sshll.u32 s12, $0x4;
	s14 =	simm.s32 $0x80;
	_ =	swait.ge [sflag:s4], $0x2000  }
0x42: {  	s15 =	simm.s32 $0x2480;
	s12 =	sadd.s32 s12, s7;
	[sflag:s4] =	ssyncset.done $0x0  }
0x43: {  	s16 =	sadd.s32 $0x0, s12;
	s13 =	simm.s32 $0x2080;
	[sflag:s4] =	ssyncadd.s32 $0xFFFFE000  }
.LBB2_7:
0x44: {  	[hbm:s16] =	stream.linear.scatter [tilespmem:s13], [sflag:$0x3], $0x400, $0x38;
	[tilespmem:$0x4080] =	vst v63  }
0x45: {  	s16 =	smov.u32 s14;
	s13 =	smov.u32 s15;
	p0 =	sne.s32 s14, $0x380  }
.Ltmp5:
0x46: {  	s14 =	sadd.s32 $0x80, s14;
	(pc) =	sbr.rel @p0 .LBB2_7-.Ltmp5, $2  }
0x47: {  	_ =	sdelay $0x2  }
0x48: {  	s15 =	sadd.s32 $0x400, s15;
	s16 =	sadd.s32 s16, s12  }
.Ltmp6:
0x49: {  	(pc) =	sbr.rel .LBB2_9-.Ltmp6, $2  }
0x4a: {  	_ =	sdelay $0x2  }
0x4b: {  	[hbm:s16] =	stream.linear.scatter [tilespmem:s13], [sflag:$0x3], $0x400, $0x38;
	[tilespmem:$0x4080] =	vst v63  }
.LBB2_2:
.Ltmp7:
0x4c: {  	(pc) =	sbr.rel .LBB2_10-.Ltmp7, $4  }
0x4d: {  	_ = 	snop  }
0x4e: {  	s12 =	sshrl.u32 s11, $0x3  }
0x4f: {  	s13 =	sand.u32 $0x7, s11;
	s12 =	sadd.s32 s3, s12  }
0x50: {  	[tilespmem:s9], [sflag:$0x2] =	stream.linear.gather [hbm4b:s12+s13], $0x40, $0x38;
	[tilespmem:$0x4080] =	vst v63  }
.LBB2_11:
0x51: {  	s2 =	simm.s32 $0x3  }
0x52: {  	_ =	swait.ge [sflag:s2], $0x2000  }
0x53: {  	[sflag:s2] =	ssyncset.done $0x0  }
0x54: {  	[sflag:s2] =	ssyncadd.s32 $0xFFFFE000  }
0x55: {  	_ =	sfence.sel $0x180000  }
0x56: {  	s3 =	simm.s32 $0x2;
	[bflag:$0x0] =	sbarrier.arrive $0xFFFF  }
0x57: {  	[sflag:s3] =	ssyncpa.u1 $0x1  }
0x58: {  	s31 =	simm.s32 $0x1;
	[sflag:s2] =	ssyncpa.u1 $0x1  }
0x59: {  	[sflag:s31] =	ssyncpa.u1 $0x1  }
0x5a: {  	p0 =	sne.s32 s1, $0x0;
	_ =	strace $0x9000004A  }
0x5b: {  	s0 =	sadd.s32 @!p0 $0x100000, s0;
	[bflag:$0x2] =	sbarrier.arrive $0xFFFF  }
0x5c: {  	[sflag:s0] =	ssyncadd.tile.s32 @!p0 $0x1;
	_ =	shalt  }
.Lfunc_end2:
_tile_overlayer_lowered:
.L_overlay_start_2:
0x5d: {  	(tag) =	ssettag $0x2  }
0x5e: {  	s0 =	rddreg [dreg:$0x0];
	s2 =	stileid.u32  }
0x5f: {  	s1 =	rddreg [dreg:$0x1];
	p0 =	sne.s32 s2, $0x0  }
0x60: {  	s3 =	rddreg [dreg:$0x2];
	[bflag:$0x3] =	sbarrier.arrive $0xFFFF;
	s2 =	simm.s32 @!p0 $0x1C01  }
0x61: {  	[timem:s3], [sflag:s2] =	dma.local @!p0 [hbm:s0], s1  }
0x62: {  	s0 =	simm.s32 @!p0 $0x1  }
0x63: {  	_ =	swait.ge @!p0 [sflag:s0], s1  }
0x64: {  	s1 =	ssub.s32 @!p0 $0x0, s1;
	[sflag:s0] =	ssyncset.done @!p0 $0x0  }
0x65: {  	[sflag:s0] =	ssyncadd.s32 @!p0 s1  }
0x66: {  	[bflag:$0x3] =	sbarrier.arrive $0xFFFF  }
0x67: {  	_ =	shalt  }

// kernel: gather_offload_async_start.2
scs
__scs_entry_jumppad:
0x0: {  	(pc) =	sbr.rel $0x88, $3  }
0x1: {  	(tag) =	ssettag $0x0;
	lr =	simm.s32 $0x1  }
0x2: {  	[smem:$0x3F49] =	sst lr;
	_ =	strace $0xD0000000  }
0x3: {  	_ = 	snop  }
0x4: {  	_ = 	snop  }
0x5: {  	_ = 	snop  }
0x6: {  	_ = 	snop  }
0x7: {  	_ = 	snop  }
__scs_overlays_trampoline_lowered:
0x8: {  	[smem:$0x3F58] =	sst s0  }
0x9: {  	[smem:$0x3F59] =	sst s1  }
0xa: {  	[smem:$0x3F5A] =	sst s2  }
0xb: {  	[smem:$0x3F5B] =	sst s3  }
0xc: {  	[smem:$0x3F5C] =	sst s4  }
0xd: {  	[smem:$0x3F5D] =	sst s5  }
0xe: {  	[smem:$0x3F5E] =	sst s6  }
0xf: {  	[smem:$0x3F5F] =	sst s7  }
0x10: {  	[smem:$0x3F60] =	sst s8  }
0x11: {  	[smem:$0x3F61] =	sst s9;
	s0 =	simm.s32 @!p0 $0x0  }
0x12: {  	s1 =	sld [smem:$0x3F47];
	s0 =	simm.s32 @p0 $0x1  }
0x13: {  	[smem:$0x3F62] =	sst s0;
	s0 =	simm.s32 @!p1 $0x0  }
0x14: {  	s2 =	sld [smem:$0x3F46];
	s0 =	simm.s32 @p1 $0x1  }
0x15: {  	[smem:$0x3F63] =	sst s0;
	s0 =	simm.s32 @!p2 $0x0  }
0x16: {  	s3 =	sld [smem:$0x3FDB];
	s0 =	simm.s32 @p2 $0x1  }
0x17: {  	s4 =	simm.s32 $0x1BF5;
	[smem:$0x3F65] =	sst s0  }
0x18: {  	s0 =	sld [smem:$0x3F48];
	_ =	swait.ge [sflag:s4], $0x0  }
0x19: {  	s7 =	sld [smem:$0x3F49]  }
0x1a: {  	s8 =	sadd.s32 $0xFFFFE003, lr  }
0x1b: {  	s9 =	sadd.s32 $0xFFFFFEF7, lr;
	s5 =	simm.s32 $0xFFFFFFFF;
	p2 =	slt.u32 s8, $0xFFFFF086  }
0x1c: {  	p1 =	slt.u32 s9, $0xF7A;
	s5 =	simm.s32 @!p2 $0x0  }
0x1d: {  	s5 =	simm.s32 @p1 $0x1;
	p0 =	seq.s32 s7, s2  }
0x1e: {  	s7 =	smul.u32 @!p0 $0xF7A, s2;
	p2 =	seq.s32 @!p0 s5, $0x0  }
0x1f: {  	s9 =	smul.u32 $0xF7A, s1;
	s8 =	simm.s32 @!p0 $0x1BF5;
	p2 =	por !p2, p0  }
0x20: {  	[sflag:s8] =	ssyncset.s32 @!p0 $0xFFFFF086;
	s6 =	sadd.s32 @!p0 s3, s7;
	s7 =	simm.s32 @!p0 $0x108  }
0x21: {  	s3 =	sadd.s32 s3, s9;
	s6 =	sadd.s32 @!p0 $0x88, s6;
	s7 =	simm.s32 @p2 $0x1082  }
0x22: {  	[simem:s7], [sflag:s8] =	dma.local @!p0 [hbm:s6], $0xF7A  }
0x23: {  	s9 =	sor.u32 $0xD0000000, s2;
	s6 =	simm.s32 $0x108;
	_ =	swait.ge @!p0 [sflag:s8], $0x0  }
0x24: {  	s3 =	sadd.s32 $0x88, s3;
	s6 =	simm.s32 @!p1 $0x1082;
	[sflag:s4] =	ssyncset.s32 $0xFFFFF086  }
0x25: {  	[simem:s6], [sflag:s4] =	dma.local [hbm:s3], $0xF7A  }
0x26: {  	[smem:$0x3F49] =	sst s1;
	(tag) =	ssettag s2;
	_ =	strace s9  }
0x27: {  	s1 =	sld [smem:$0x3F59]  }
0x28: {  	s2 =	sld [smem:$0x3F5A]  }
0x29: {  	s4 =	sld [smem:$0x3F5C]  }
0x2a: {  	p0 =	seq.s32 s5, $0x0;
	s5 =	sld [smem:$0x3F5D]  }
0x2b: {  	s6 =	sld [smem:$0x3F5E]  }
0x2c: {  	s7 =	sld [smem:$0x3F5F]  }
0x2d: {  	s3 =	simm.s32 $0x108;
	s8 =	sld [smem:$0x3F60]  }
0x2e: {  	s3 =	simm.s32 @!p0 $0x1082;
	s9 =	sld [smem:$0x3F61]  }
0x2f: {  	lr =	sadd.s32 s0, s3;
	s0 =	sld [smem:$0x3F58]  }
0x30: {  	s3 =	sld [smem:$0x3F5B]  }
0x31: {  	[smem:$0x3F64] =	sst s10  }
0x32: {  	s10 =	sld [smem:$0x3F62];
	_ =	sdelay $0x3  }
0x33: {  	p0 =	seq.s32 s10, $0x1;
	s10 =	sld [smem:$0x3F64];
	_ =	sdelay $0x3  }
0x34: {  	[smem:$0x3F64] =	sst s10  }
0x35: {  	s10 =	sld [smem:$0x3F63];
	_ =	sdelay $0x3  }
0x36: {  	p1 =	seq.s32 s10, $0x1;
	s10 =	sld [smem:$0x3F64];
	_ =	sdelay $0x3  }
0x37: {  	[smem:$0x3F64] =	sst s10  }
0x38: {  	s10 =	sld [smem:$0x3F65]  }
0x39: {  	_ = 	snop;
	(pc) =	sbr.ind lr, $3  }
0x3a: {  	_ = 	snop  }
0x3b: {  	_ = 	snop  }
0x3c: {  	p2 =	seq.s32 s10, $0x1;
	s10 =	sld [smem:$0x3F64]  }
0x3d: {  	_ =	shalt  }
0x3e: {  	_ =	shalt  }
0x3f: {  	_ =	shalt  }
0x40: {  	_ =	shalt  }
0x41: {  	_ =	shalt  }
0x42: {  	_ =	shalt  }
0x43: {  	_ =	shalt  }
0x44: {  	_ =	shalt  }
0x45: {  	_ =	shalt  }
0x46: {  	_ =	shalt  }
0x47: {  	_ =	shalt  }
0x48: {  	_ =	shalt  }
0x49: {  	_ =	shalt  }
0x4a: {  	_ =	shalt  }
0x4b: {  	_ =	shalt  }
0x4c: {  	_ =	shalt  }
0x4d: {  	_ =	shalt  }
0x4e: {  	_ =	shalt  }
0x4f: {  	_ =	shalt  }
0x50: {  	_ =	shalt  }
0x51: {  	_ =	shalt  }
0x52: {  	_ =	shalt  }
0x53: {  	_ =	shalt  }
0x54: {  	_ =	shalt  }
0x55: {  	_ =	shalt  }
0x56: {  	_ =	shalt  }
0x57: {  	_ =	shalt  }
0x58: {  	_ =	shalt  }
0x59: {  	_ =	shalt  }
0x5a: {  	_ =	shalt  }
0x5b: {  	_ =	shalt  }
0x5c: {  	_ =	shalt  }
0x5d: {  	_ =	shalt  }
0x5e: {  	_ =	shalt  }
0x5f: {  	_ =	shalt  }
0x60: {  	_ =	shalt  }
0x61: {  	_ =	shalt  }
0x62: {  	_ =	shalt  }
0x63: {  	_ =	shalt  }
0x64: {  	_ =	shalt  }
0x65: {  	_ =	shalt  }
0x66: {  	_ =	shalt  }
0x67: {  	_ =	shalt  }
0x68: {  	_ =	shalt  }
0x69: {  	_ =	shalt  }
0x6a: {  	_ =	shalt  }
0x6b: {  	_ =	shalt  }
0x6c: {  	_ =	shalt  }
0x6d: {  	_ =	shalt  }
0x6e: {  	_ =	shalt  }
0x6f: {  	_ =	shalt  }
0x70: {  	_ =	shalt  }
0x71: {  	_ =	shalt  }
0x72: {  	_ =	shalt  }
0x73: {  	_ =	shalt  }
0x74: {  	_ =	shalt  }
0x75: {  	_ =	shalt  }
0x76: {  	_ =	shalt  }
0x77: {  	_ =	shalt  }
0x78: {  	_ =	shalt  }
0x79: {  	_ =	shalt  }
0x7a: {  	_ =	shalt  }
0x7b: {  	_ =	shalt  }
0x7c: {  	_ =	shalt  }
0x7d: {  	_ =	shalt  }
0x7e: {  	_ =	shalt  }
0x7f: {  	_ =	shalt  }
0x80: {  	_ =	shalt  }
0x81: {  	_ =	shalt  }
0x82: {  	_ =	shalt  }
0x83: {  	_ =	shalt  }
0x84: {  	_ =	shalt  }
0x85: {  	_ =	shalt  }
0x86: {  	_ =	shalt  }
0x87: {  	_ =	shalt  }
.Lfunc_end0:
.L_simem_size_0:
called_computation.3_lowered:
.L_overlay_start_0:
0x88: {  	s2 =	sld [smem:$0x3FD9]  }
0x89: {  	s3 =	sld [smem:$0x3FFE];
	_ =	sdelay $0x1  }
0x8a: {  	s1 =	srdreg.scid  }
0x8b: {  	s0 =	sand.u32 $0x1, s1  }
0x8c: {  	s14 =	sshll.u32 s0, $0xA;
	s2 =	sadd.s32 s3, s2  }
0x8d: {  	s2 =	sadd.s32 s2, s14  }
0x8e: {  	[smem:$0x3F70] =	sst s2  }
0x8f: {  	_ = 	snop  }
0x90: {  	s2 =	sld [smem:$0x3FD0];
	_ =	sdelay $0x2  }
0x91: {  	s15 =	simm.s32 $0xB;
	s4 =	simm.s32 $0x10  }
0x92: {  	[smem:s4], [sflag:s15] =	dma.local [hbm:s2], $0x1  }
0x93: {  	_ =	swait.eq [sflag:s15], $0x1  }
0x94: {  	[sflag:s15] =	ssyncset.done $0x0  }
0x95: {  	[sflag:s15] =	ssyncadd.s32 $0xFFFFFFFF  }
0x96: {  	s16 =	sld [smem:$0x10];
	(tm) =	ssettm $0x1  }
0x97: {  	s17 =	sld [smem:$0x3FFB];
	_ =	sdelay $0x3  }
0x98: {  	_ =	strace s17  }
0x99: {  	s3 =	sld [smem:$0x3FFC];
	_ =	sdelay $0x3  }
0x9a: {  	_ =	strace s3  }
0x9b: {  	s3 =	sld [smem:$0x3FFD];
	_ =	sdelay $0x3  }
0x9c: {  	_ =	strace s3  }
0x9d: {  	_ =	strace $0x8FFFFFFF  }
0x9e: {  	s18 =	sld [smem:$0x3FDB];
	_ =	sdelay $0x1  }
0x9f: {  	s19 =	simm.s32 $_scs_section_size  }
0xa0: {  	s5 =	simm.s32 $_size__tile_overlayer_lowered;
	s6 =	simm.s32 $_tile_overlayer_lowered  }
0xa1: {  	s22 =	simm.s32 $0x1BFF;
	s21 =	sshll.u32 s6, $0x1;
	s3 =	sadd.s32 s19, s18  }
0xa2: {  	s7 =	simm.s32 $0x0;
	s20 =	sshll.u32 s5, $0x1;
	s5 =	sadd.s32 s21, s3  }
0xa3: {  	[timem:s7], [sflag:s22] =	dma.local [hbm:s5], s20  }
0xa4: {  	_ =	swait.ge [sflag:s22], s20  }
0xa5: {  	s4 =	ssub.s32 $0x0, s20;
	[sflag:s22] =	ssyncset.done $0x0  }
0xa6: {  	[sflag:s22] =	ssyncadd.s32 s4;
	_ =	sdelay $0x1  }
0xa7: {  	s23 =	simm.s32 $0x1B8B  }
0xa8: {  	_ =	swait.ge [sflag:s23], $0x1  }
0xa9: {  	[sflag:s23] =	ssyncset.done $0x0  }
0xaa: {  	s25 =	simm.s32 $0x1B8E;
	s24 =	sld [smem:$0x3FFE];
	[sflag:s23] =	ssyncadd.s32 $0xFFFFFFFF  }
0xab: {  	s26 =	simm.s32 $execute0_lowered;
	[smem:$0x3FD2] =	sst s25  }
0xac: {  	s5 =	sshll.u32 s26, $0x1;
	_ =	strace $0x80000046;
	[dreg:$0x1] =	wrdreg $0xFFFFFFFF  }
0xad: {  	s28 =	simm.s32 $_size_execute0_lowered;
	s3 =	sadd.s32 s3, s5;
	[dreg:$0x0] =	wrdreg $0x0  }
0xae: {  	s5 =	sshll.u32 s28, $0x1;
	[dreg:$0x2] =	wrdreg s3  }
0xaf: {  	[dreg:$0x3] =	wrdreg s5  }
0xb0: {  	[dreg:$0x4] =	wrdreg $0xC0  }
0xb1: {  	_ =	task [dreg:s7], $0x5FFFF  }
0xb2: {  	[dreg:$0x1] =	wrdreg $0xFFFFFFFF  }
0xb3: {  	[dreg:$0x0] =	wrdreg $0x60  }
0xb4: {  	[dreg:$0x2] =	wrdreg s16  }
0xb5: {  	[dreg:$0x3] =	wrdreg s24  }
0xb6: {  	[dreg:$0x4] =	wrdreg $0xA  }
0xb7: {  	_ =	task.clear_ibuf [dreg:s7], $0x5FFFF;
	_ =	strace $0x90000046  }
0xb8: {  	s29 =	simm.s32 $0xA;
	_ =	strace $0x80000048  }
0xb9: {  	_ =	swait.ge [sflag:s29], $0x1  }
0xba: {  	[sflag:s29] =	ssyncadd.s32 $0xFFFFFFFF  }
0xbb: {  	_ =	strace $0x90000048  }
0xbc: {  	_ =	sfence  }
0xbd: {  	s30 =	sld [smem:$0x0];
	_ =	sdelay $0x2  }
0xbe: {  	s31 =	sshll.u32 s1, $0xD;
	s1 =	sshrl.u32 s1, $0x2  }
0xbf: {  	s3 =	sand.u32 $0x4000, s31;
	s1 =	sadd.s32 s1, s30  }
0xc0: {  	s0 =	sor.u32 s3, s0;
	s1 =	sshll.u32 s1, $0x11  }
0xc1: {  	s0 =	sor.u32 s1, s0  }
0xc2: {  	s0 =	sadd.s32 $0x8F2B, s0  }
0xc3: {  	[sflag:s0] =	ssyncadd.remote.s32 $0x1  }
0xc4: {  	_ =	sfence.sel $0xFFFF  }
0xc5: {  	[dreg:$0x0] =	wrdreg $0xFFFFFFFF;
	(pc) =	sbr.abs _section_cstart, $3  }
0xc6: {  	[dreg:$0x1] =	wrdreg $0xFFFFFFFF  }
0xc7: {  	_ =	task.clear_ibuf [dreg:s7], $0x2FFFF;
	_ =	strace $0x9FFFFFFF  }
0xc8: {  	(tm) =	ssettm $0x7FFFFFFF  }
0xc9: {  	_ =	shalt  }
tec
execute0_lowered:
.L_overlay_start_1:
0x0: {  	(tag) =	ssettag $0x1  }
0x1: {  	s2 =	rddreg [dreg:$0x0]  }
0x2: {  	s7 =	rddreg [dreg:$0x1]  }
0x3: {  	s0 =	rddreg [dreg:$0x2]  }
0x4: {  	s1 =	srdreg.scid;
	_ =	strace $0x80000047;
	s4 =	simm.s32 $0x1  }
0x5: {  	s9 =	simm.s32 $0x3;
	s12 =	simm.s32 $0x0;
	s5 =	sshll.u32 s1, $0x4  }
.Ltmp0:
0x6: {  	s1 =	stileid.u32;
	s5 =	sand.u32 $0x10, s5;
	(pc) =	sbr.rel .LBB2_1-.Ltmp0, $4  }
0x7: {  	s10 =	simm.s32 $0x0;
	s3 =	sadd.s32 $0x69600, s7;
	s6 =	sor.u32 s1, s5  }
0x8: {  	[sflag:s4] =	ssyncpa.u1 $0x0;
	s5 =	simm.s32 $0x2;
	s6 =	sshll.u32 s6, $0x6  }
0x9: {  	s7 =	sadd.s32 $0x6E800, s7;
	[sflag:s5] =	ssyncpa.u1 $0x0;
	s8 =	sadd.s32 $0x40, s6  }
0xa: {  	vm0 =	vmmov $0xff;
	vm1 =	vcmask $0x3F20;
	[sflag:s9] =	ssyncpa.u1 $0x0;
	s9 =	simm.s32 $0x40;
	s11 =	smov.u32 s6  }
.LBB2_9:
0xb: {  	p0 =	seq.s32 s10, $0x2  }
.Ltmp1:
0xc: {  	_ = 	snop;
	(pc) =	sbr.rel @p0 .LBB2_11-.Ltmp1, $1  }
0xd: {  	_ =	sdelay $0x3  }
.LBB2_10:
0xe: {  	s12 =	sadd.s32 $0x40, s11  }
0xf: {  	s13 =	smov.u32 s6;
	p0 =	slt.s32 s12, s8  }
0x10: {  	s13 =	smov.u32 @p0 s12  }
0x11: {  	s10 =	sadd.s32 $0x1, s10;
	s12 =	smov.u32 s11;
	s11 =	smov.u32 s13  }
.LBB2_1:
0x12: {  	p0 =	sne.s32 s10, $0x0  }
.Ltmp2:
0x13: {  	_ = 	snop;
	(pc) =	sbr.rel @!p0 .LBB2_2-.Ltmp2, $1  }
0x14: {  	_ =	sdelay $0x3  }
0x15: {  	s13 =	sand.u32 $0x1, s10  }
0x16: {  	p0 =	seq.s32 s13, $0x0  }
.Ltmp3:
0x17: {  	_ = 	snop;
	(pc) =	sbr.rel @p0 .LBB2_9-.Ltmp3, $1  }
0x18: {  	_ =	sdelay $0x3  }
0x19: {  	_ =	swait.ge [sflag:s5], $0x40  }
0x1a: {  	[sflag:s5] =	ssyncset.done $0x0  }
0x1b: {  	s13 =	simm.s32 $0x0;
	[sflag:s5] =	ssyncadd.s32 $0xFFFFFFC0  }
0x1c: {  	v0 =	vld.msk [tilespmem:s13+$0x40 ss:$0x1], $0xffff;
	_ =	sdelay $0x4  }
0x1d: {  	v1 =	vshll.u32 v0, $0x5  }
0x1e: {  	vm2 =	veq.s32 v0, $0x80000000;
	v0 =	vshll.u32 v0, $0x12;
	v1 =	vand.u32 $0x3FF80, v1  }
0x1f: {  	v0 =	vand.u32 $0xC0000, v0;
	v1 =	vsel vm2, $0xFFFFFF80, v1  }
0x20: {  	v0 =	vsel vm2, $0xFFFC0000, v0;
	v2 =	vand.u32 $0xFFFFFC00, v1  }
0x21: {  	v1 =	vand.u32 $0x380, v1;
	v0 =	vadd.s32 v0, v2  }
0x22: {  	v0 =	vor.u32 v1, v0  }
0x23: {  	v0 =	vshrl.u32 v0, $0x3;
	_ =	sdelay $0x3  }
0x24: {  	s13 =	simm.s32 $0x2080  }
0x25: {  	[tilespmem:s13], [sflag:$0x1] =	stream.indirect_vreg.gather [hbm:s2], $0x80, v0, vm0, $0x38;
	[tilespmem:$0x4080] =	vst v63  }
0x26: {  	s14 =	simm.s32 $0x2480;
	s31 =	simm.s32 $0x10  }
0x27: {  	[tilespmem:s14], [sflag:$0x1] =	stream.indirect_vreg.gather [hbm:s2], $0x80, v0, vm1, $0x38;
	[tilespmem:$0x4080] =	vst v63  }
0x28: {  	s14 =	simm.s32 $0x80;
	v0 =	vld.msk [tilespmem:s31+$0x40 ss:$0x1], $0xffff  }
.LBB2_5:
0x29: {  	p0 =	sne.s32 s14, $0xC0;
	_ =	sdelay $0x4  }
0x2a: {  	v1 =	vshll.u32 v0, $0x5  }
0x2b: {  	vm2 =	veq.s32 v0, $0x80000000;
	v0 =	vshll.u32 v0, $0x12;
	v1 =	vand.u32 $0x3FF80, v1  }
0x2c: {  	v0 =	vand.u32 $0xC0000, v0;
	v1 =	vsel vm2, $0xFFFFFF80, v1  }
0x2d: {  	v0 =	vsel vm2, $0xFFFC0000, v0;
	v2 =	vand.u32 $0xFFFFFC00, v1  }
0x2e: {  	v1 =	vand.u32 $0x380, v1;
	v0 =	vadd.s32 v0, v2  }
0x2f: {  	v0 =	vor.u32 v1, v0  }
0x30: {  	v0 =	vshrl.u32 v0, $0x3;
	_ =	sdelay $0x3  }
.Ltmp4:
0x31: {  	s13 =	sadd.s32 $0x800, s13;
	(pc) =	sbr.rel @p0 .LBB2_5-.Ltmp4, $4  }
0x32: {  	[tilespmem:s13], [sflag:$0x1] =	stream.indirect_vreg.gather [hbm:s2], $0x80, v0, vm0, $0x38;
	[tilespmem:$0x4080] =	vst v63  }
0x33: {  	s15 =	sshra.s32 s14, $0x2;
	s16 =	sadd.s32 $0x400, s13  }
0x34: {  	[tilespmem:s16], [sflag:$0x1] =	stream.indirect_vreg.gather [hbm:s2], $0x80, v0, vm1, $0x38;
	[tilespmem:$0x4080] =	vst v63  }
0x35: {  	s14 =	sadd.s32 $0x40, s14;
	v0 =	vld.msk [tilespmem:s15+$0x40 ss:$0x1], $0xffff  }
0x36: {  	_ =	sdelay $0x3  }
0x37: {  	v1 =	vshll.u32 v0, $0x5  }
0x38: {  	vm2 =	veq.s32 v0, $0x80000000;
	v63 =	vshll.u32 v0, $0x12;
	v1 =	vand.u32 $0x3FF80, v1  }
0x39: {  	v0 =	vand.u32 $0xC0000, v63;
	v1 =	vsel vm2, $0xFFFFFF80, v1  }
0x3a: {  	v0 =	vsel vm2, $0xFFFC0000, v0;
	v2 =	vand.u32 $0xFFFFFC00, v1  }
0x3b: {  	v1 =	vand.u32 $0x380, v1;
	v0 =	vadd.s32 v0, v2  }
0x3c: {  	v0 =	vor.u32 v1, v0  }
0x3d: {  	v0 =	vshrl.u32 v0, $0x3;
	_ =	sdelay $0x3  }
0x3e: {  	s13 =	sadd.s32 $0x800, s13  }
0x3f: {  	[tilespmem:s13], [sflag:$0x1] =	stream.indirect_vreg.gather [hbm:s2], $0x80, v0, vm0, $0x38;
	[tilespmem:$0x4080] =	vst v63  }
0x40: {  	s13 =	sadd.s32 $0x400, s13  }
0x41: {  	[tilespmem:s13], [sflag:$0x1] =	stream.indirect_vreg.gather [hbm:s2], $0x80, v0, vm1, $0x38;
	[tilespmem:$0x4080] =	vst v63  }
0x42: {  	s12 =	sshll.u32 s12, $0x4;
	s14 =	simm.s32 $0x80;
	_ =	swait.ge [sflag:s4], $0x2000  }
0x43: {  	s15 =	simm.s32 $0x2480;
	s12 =	sadd.s32 s12, s7;
	[sflag:s4] =	ssyncset.done $0x0  }
0x44: {  	s16 =	sadd.s32 $0x0, s12;
	s13 =	simm.s32 $0x2080;
	[sflag:s4] =	ssyncadd.s32 $0xFFFFE000  }
.LBB2_7:
0x45: {  	[hbm:s16] =	stream.linear.scatter [tilespmem:s13], [sflag:$0x3], $0x400, $0x38;
	[tilespmem:$0x4080] =	vst v63  }
0x46: {  	s16 =	smov.u32 s14;
	s13 =	smov.u32 s15;
	p0 =	sne.s32 s14, $0x380  }
.Ltmp5:
0x47: {  	s14 =	sadd.s32 $0x80, s14;
	(pc) =	sbr.rel @p0 .LBB2_7-.Ltmp5, $2  }
0x48: {  	_ =	sdelay $0x2  }
0x49: {  	s15 =	sadd.s32 $0x400, s15;
	s16 =	sadd.s32 s16, s12  }
.Ltmp6:
0x4a: {  	(pc) =	sbr.rel .LBB2_9-.Ltmp6, $2  }
0x4b: {  	_ =	sdelay $0x2  }
0x4c: {  	[hbm:s16] =	stream.linear.scatter [tilespmem:s13], [sflag:$0x3], $0x400, $0x38;
	[tilespmem:$0x4080] =	vst v63  }
.LBB2_2:
.Ltmp7:
0x4d: {  	(pc) =	sbr.rel .LBB2_10-.Ltmp7, $4  }
0x4e: {  	_ = 	snop  }
0x4f: {  	s12 =	sshrl.u32 s11, $0x3  }
0x50: {  	s13 =	sand.u32 $0x7, s11;
	s12 =	sadd.s32 s3, s12  }
0x51: {  	[tilespmem:s9], [sflag:$0x2] =	stream.linear.gather [hbm4b:s12+s13], $0x40, $0x38;
	[tilespmem:$0x4080] =	vst v63  }
.LBB2_11:
0x52: {  	s2 =	simm.s32 $0x3  }
0x53: {  	_ =	swait.ge [sflag:s2], $0x2000  }
0x54: {  	[sflag:s2] =	ssyncset.done $0x0  }
0x55: {  	[sflag:s2] =	ssyncadd.s32 $0xFFFFE000  }
0x56: {  	_ =	sfence.sel $0x180000  }
0x57: {  	s3 =	simm.s32 $0x2;
	[bflag:$0x0] =	sbarrier.arrive $0xFFFF  }
0x58: {  	[sflag:s3] =	ssyncpa.u1 $0x1  }
0x59: {  	s31 =	simm.s32 $0x1;
	[sflag:s2] =	ssyncpa.u1 $0x1  }
0x5a: {  	[sflag:s31] =	ssyncpa.u1 $0x1  }
0x5b: {  	p0 =	sne.s32 s1, $0x0;
	_ =	strace $0x90000047  }
0x5c: {  	s0 =	sadd.s32 @!p0 $0x100000, s0;
	[bflag:$0x2] =	sbarrier.arrive $0xFFFF  }
0x5d: {  	[sflag:s0] =	ssyncadd.tile.s32 @!p0 $0x1;
	_ =	shalt  }
.Lfunc_end2:
_tile_overlayer_lowered:
.L_overlay_start_2:
0x5e: {  	(tag) =	ssettag $0x2  }
0x5f: {  	s0 =	rddreg [dreg:$0x0];
	s2 =	stileid.u32  }
0x60: {  	s1 =	rddreg [dreg:$0x1];
	p0 =	sne.s32 s2, $0x0  }
0x61: {  	s3 =	rddreg [dreg:$0x2];
	[bflag:$0x3] =	sbarrier.arrive $0xFFFF;
	s2 =	simm.s32 @!p0 $0x1C01  }
0x62: {  	[timem:s3], [sflag:s2] =	dma.local @!p0 [hbm:s0], s1  }
0x63: {  	s0 =	simm.s32 @!p0 $0x1  }
0x64: {  	_ =	swait.ge @!p0 [sflag:s0], s1  }
0x65: {  	s1 =	ssub.s32 @!p0 $0x0, s1;
	[sflag:s0] =	ssyncset.done @!p0 $0x0  }
0x66: {  	[sflag:s0] =	ssyncadd.s32 @!p0 s1  }
0x67: {  	[bflag:$0x3] =	sbarrier.arrive $0xFFFF  }
0x68: {  	_ =	shalt  }

// kernel: gather_offload_async_start.3
scs
__scs_entry_jumppad:
0x0: {  	(pc) =	sbr.rel $0x88, $3  }
0x1: {  	(tag) =	ssettag $0x0;
	lr =	simm.s32 $0x1  }
0x2: {  	[smem:$0x3F49] =	sst lr;
	_ =	strace $0xD0000000  }
0x3: {  	_ = 	snop  }
0x4: {  	_ = 	snop  }
0x5: {  	_ = 	snop  }
0x6: {  	_ = 	snop  }
0x7: {  	_ = 	snop  }
__scs_overlays_trampoline_lowered:
0x8: {  	[smem:$0x3F58] =	sst s0  }
0x9: {  	[smem:$0x3F59] =	sst s1  }
0xa: {  	[smem:$0x3F5A] =	sst s2  }
0xb: {  	[smem:$0x3F5B] =	sst s3  }
0xc: {  	[smem:$0x3F5C] =	sst s4  }
0xd: {  	[smem:$0x3F5D] =	sst s5  }
0xe: {  	[smem:$0x3F5E] =	sst s6  }
0xf: {  	[smem:$0x3F5F] =	sst s7  }
0x10: {  	[smem:$0x3F60] =	sst s8  }
0x11: {  	[smem:$0x3F61] =	sst s9;
	s0 =	simm.s32 @!p0 $0x0  }
0x12: {  	s1 =	sld [smem:$0x3F47];
	s0 =	simm.s32 @p0 $0x1  }
0x13: {  	[smem:$0x3F62] =	sst s0;
	s0 =	simm.s32 @!p1 $0x0  }
0x14: {  	s2 =	sld [smem:$0x3F46];
	s0 =	simm.s32 @p1 $0x1  }
0x15: {  	[smem:$0x3F63] =	sst s0;
	s0 =	simm.s32 @!p2 $0x0  }
0x16: {  	s3 =	sld [smem:$0x3FDB];
	s0 =	simm.s32 @p2 $0x1  }
0x17: {  	s4 =	simm.s32 $0x1BF5;
	[smem:$0x3F65] =	sst s0  }
0x18: {  	s0 =	sld [smem:$0x3F48];
	_ =	swait.ge [sflag:s4], $0x0  }
0x19: {  	s7 =	sld [smem:$0x3F49]  }
0x1a: {  	s8 =	sadd.s32 $0xFFFFE003, lr  }
0x1b: {  	s9 =	sadd.s32 $0xFFFFFEF7, lr;
	s5 =	simm.s32 $0xFFFFFFFF;
	p2 =	slt.u32 s8, $0xFFFFF086  }
0x1c: {  	p1 =	slt.u32 s9, $0xF7A;
	s5 =	simm.s32 @!p2 $0x0  }
0x1d: {  	s5 =	simm.s32 @p1 $0x1;
	p0 =	seq.s32 s7, s2  }
0x1e: {  	s7 =	smul.u32 @!p0 $0xF7A, s2;
	p2 =	seq.s32 @!p0 s5, $0x0  }
0x1f: {  	s9 =	smul.u32 $0xF7A, s1;
	s8 =	simm.s32 @!p0 $0x1BF5;
	p2 =	por !p2, p0  }
0x20: {  	[sflag:s8] =	ssyncset.s32 @!p0 $0xFFFFF086;
	s6 =	sadd.s32 @!p0 s3, s7;
	s7 =	simm.s32 @!p0 $0x108  }
0x21: {  	s3 =	sadd.s32 s3, s9;
	s6 =	sadd.s32 @!p0 $0x88, s6;
	s7 =	simm.s32 @p2 $0x1082  }
0x22: {  	[simem:s7], [sflag:s8] =	dma.local @!p0 [hbm:s6], $0xF7A  }
0x23: {  	s9 =	sor.u32 $0xD0000000, s2;
	s6 =	simm.s32 $0x108;
	_ =	swait.ge @!p0 [sflag:s8], $0x0  }
0x24: {  	s3 =	sadd.s32 $0x88, s3;
	s6 =	simm.s32 @!p1 $0x1082;
	[sflag:s4] =	ssyncset.s32 $0xFFFFF086  }
0x25: {  	[simem:s6], [sflag:s4] =	dma.local [hbm:s3], $0xF7A  }
0x26: {  	[smem:$0x3F49] =	sst s1;
	(tag) =	ssettag s2;
	_ =	strace s9  }
0x27: {  	s1 =	sld [smem:$0x3F59]  }
0x28: {  	s2 =	sld [smem:$0x3F5A]  }
0x29: {  	s4 =	sld [smem:$0x3F5C]  }
0x2a: {  	p0 =	seq.s32 s5, $0x0;
	s5 =	sld [smem:$0x3F5D]  }
0x2b: {  	s6 =	sld [smem:$0x3F5E]  }
0x2c: {  	s7 =	sld [smem:$0x3F5F]  }
0x2d: {  	s3 =	simm.s32 $0x108;
	s8 =	sld [smem:$0x3F60]  }
0x2e: {  	s3 =	simm.s32 @!p0 $0x1082;
	s9 =	sld [smem:$0x3F61]  }
0x2f: {  	lr =	sadd.s32 s0, s3;
	s0 =	sld [smem:$0x3F58]  }
0x30: {  	s3 =	sld [smem:$0x3F5B]  }
0x31: {  	[smem:$0x3F64] =	sst s10  }
0x32: {  	s10 =	sld [smem:$0x3F62];
	_ =	sdelay $0x3  }
0x33: {  	p0 =	seq.s32 s10, $0x1;
	s10 =	sld [smem:$0x3F64];
	_ =	sdelay $0x3  }
0x34: {  	[smem:$0x3F64] =	sst s10  }
0x35: {  	s10 =	sld [smem:$0x3F63];
	_ =	sdelay $0x3  }
0x36: {  	p1 =	seq.s32 s10, $0x1;
	s10 =	sld [smem:$0x3F64];
	_ =	sdelay $0x3  }
0x37: {  	[smem:$0x3F64] =	sst s10  }
0x38: {  	s10 =	sld [smem:$0x3F65]  }
0x39: {  	_ = 	snop;
	(pc) =	sbr.ind lr, $3  }
0x3a: {  	_ = 	snop  }
0x3b: {  	_ = 	snop  }
0x3c: {  	p2 =	seq.s32 s10, $0x1;
	s10 =	sld [smem:$0x3F64]  }
0x3d: {  	_ =	shalt  }
0x3e: {  	_ =	shalt  }
0x3f: {  	_ =	shalt  }
0x40: {  	_ =	shalt  }
0x41: {  	_ =	shalt  }
0x42: {  	_ =	shalt  }
0x43: {  	_ =	shalt  }
0x44: {  	_ =	shalt  }
0x45: {  	_ =	shalt  }
0x46: {  	_ =	shalt  }
0x47: {  	_ =	shalt  }
0x48: {  	_ =	shalt  }
0x49: {  	_ =	shalt  }
0x4a: {  	_ =	shalt  }
0x4b: {  	_ =	shalt  }
0x4c: {  	_ =	shalt  }
0x4d: {  	_ =	shalt  }
0x4e: {  	_ =	shalt  }
0x4f: {  	_ =	shalt  }
0x50: {  	_ =	shalt  }
0x51: {  	_ =	shalt  }
0x52: {  	_ =	shalt  }
0x53: {  	_ =	shalt  }
0x54: {  	_ =	shalt  }
0x55: {  	_ =	shalt  }
0x56: {  	_ =	shalt  }
0x57: {  	_ =	shalt  }
0x58: {  	_ =	shalt  }
0x59: {  	_ =	shalt  }
0x5a: {  	_ =	shalt  }
0x5b: {  	_ =	shalt  }
0x5c: {  	_ =	shalt  }
0x5d: {  	_ =	shalt  }
0x5e: {  	_ =	shalt  }
0x5f: {  	_ =	shalt  }
0x60: {  	_ =	shalt  }
0x61: {  	_ =	shalt  }
0x62: {  	_ =	shalt  }
0x63: {  	_ =	shalt  }
0x64: {  	_ =	shalt  }
0x65: {  	_ =	shalt  }
0x66: {  	_ =	shalt  }
0x67: {  	_ =	shalt  }
0x68: {  	_ =	shalt  }
0x69: {  	_ =	shalt  }
0x6a: {  	_ =	shalt  }
0x6b: {  	_ =	shalt  }
0x6c: {  	_ =	shalt  }
0x6d: {  	_ =	shalt  }
0x6e: {  	_ =	shalt  }
0x6f: {  	_ =	shalt  }
0x70: {  	_ =	shalt  }
0x71: {  	_ =	shalt  }
0x72: {  	_ =	shalt  }
0x73: {  	_ =	shalt  }
0x74: {  	_ =	shalt  }
0x75: {  	_ =	shalt  }
0x76: {  	_ =	shalt  }
0x77: {  	_ =	shalt  }
0x78: {  	_ =	shalt  }
0x79: {  	_ =	shalt  }
0x7a: {  	_ =	shalt  }
0x7b: {  	_ =	shalt  }
0x7c: {  	_ =	shalt  }
0x7d: {  	_ =	shalt  }
0x7e: {  	_ =	shalt  }
0x7f: {  	_ =	shalt  }
0x80: {  	_ =	shalt  }
0x81: {  	_ =	shalt  }
0x82: {  	_ =	shalt  }
0x83: {  	_ =	shalt  }
0x84: {  	_ =	shalt  }
0x85: {  	_ =	shalt  }
0x86: {  	_ =	shalt  }
0x87: {  	_ =	shalt  }
.Lfunc_end0:
.L_simem_size_0:
called_computation.4_lowered:
.L_overlay_start_0:
0x88: {  	s2 =	sld [smem:$0x3FD9]  }
0x89: {  	s3 =	sld [smem:$0x3FFE];
	_ =	sdelay $0x1  }
0x8a: {  	s1 =	srdreg.scid  }
0x8b: {  	s0 =	sand.u32 $0x1, s1  }
0x8c: {  	s16 =	sshll.u32 s0, $0xA;
	s2 =	sadd.s32 s3, s2  }
0x8d: {  	s2 =	sadd.s32 s2, s16  }
0x8e: {  	[smem:$0x3F70] =	sst s2  }
0x8f: {  	_ = 	snop  }
0x90: {  	(tm) =	ssettm $0x1  }
0x91: {  	s17 =	sld [smem:$0x3FFB];
	_ =	sdelay $0x3  }
0x92: {  	_ =	strace s17  }
0x93: {  	s2 =	sld [smem:$0x3FFC];
	_ =	sdelay $0x3  }
0x94: {  	_ =	strace s2  }
0x95: {  	s2 =	sld [smem:$0x3FFD];
	_ =	sdelay $0x3  }
0x96: {  	_ =	strace s2  }
0x97: {  	_ =	strace $0x8FFFFFFF  }
0x98: {  	s18 =	sld [smem:$0x3FDB];
	_ =	sdelay $0x1  }
0x99: {  	s19 =	simm.s32 $_scs_section_size  }
0x9a: {  	s4 =	simm.s32 $_size__tile_overlayer_lowered;
	s5 =	simm.s32 $_tile_overlayer_lowered  }
0x9b: {  	s22 =	simm.s32 $0x1BFF;
	s21 =	sshll.u32 s5, $0x1;
	s2 =	sadd.s32 s19, s18  }
0x9c: {  	s6 =	simm.s32 $0x0;
	s20 =	sshll.u32 s4, $0x1;
	s4 =	sadd.s32 s21, s2  }
0x9d: {  	[timem:s6], [sflag:s22] =	dma.local [hbm:s4], s20  }
0x9e: {  	_ =	swait.ge [sflag:s22], s20  }
0x9f: {  	s3 =	ssub.s32 $0x0, s20;
	[sflag:s22] =	ssyncset.done $0x0  }
0xa0: {  	[sflag:s22] =	ssyncadd.s32 s3;
	_ =	sdelay $0x1  }
0xa1: {  	s23 =	simm.s32 $0x1B8B  }
0xa2: {  	_ =	swait.ge [sflag:s23], $0x1  }
0xa3: {  	[sflag:s23] =	ssyncset.done $0x0  }
0xa4: {  	s25 =	simm.s32 $0x1B8E;
	s24 =	sld [smem:$0x3FFE];
	[sflag:s23] =	ssyncadd.s32 $0xFFFFFFFF  }
0xa5: {  	s26 =	simm.s32 $execute0_lowered;
	[smem:$0x3FD2] =	sst s25  }
0xa6: {  	s4 =	sshll.u32 s26, $0x1;
	_ =	strace $0x8000004C;
	[dreg:$0x1] =	wrdreg $0xFFFFFFFF  }
0xa7: {  	s28 =	simm.s32 $_size_execute0_lowered;
	s2 =	sadd.s32 s2, s4;
	[dreg:$0x0] =	wrdreg $0x0  }
0xa8: {  	s4 =	sshll.u32 s28, $0x1;
	[dreg:$0x2] =	wrdreg s2  }
0xa9: {  	[dreg:$0x3] =	wrdreg s4  }
0xaa: {  	[dreg:$0x4] =	wrdreg $0xC0  }
0xab: {  	_ =	task [dreg:s6], $0x5FFFF  }
0xac: {  	[dreg:$0x1] =	wrdreg $0xFFFFFFFF  }
0xad: {  	[dreg:$0x0] =	wrdreg $0x60  }
0xae: {  	[dreg:$0x2] =	wrdreg s24  }
0xaf: {  	[dreg:$0x3] =	wrdreg $0x9  }
0xb0: {  	_ =	task.clear_ibuf [dreg:s6], $0x4FFFF;
	_ =	strace $0x9000004C  }
0xb1: {  	s29 =	simm.s32 $0x9;
	_ =	strace $0x8000004E  }
0xb2: {  	_ =	swait.ge [sflag:s29], $0x1  }
0xb3: {  	[sflag:s29] =	ssyncadd.s32 $0xFFFFFFFF  }
0xb4: {  	_ =	strace $0x9000004E  }
0xb5: {  	_ =	sfence  }
0xb6: {  	s30 =	sld [smem:$0x0];
	_ =	sdelay $0x2  }
0xb7: {  	s31 =	sshll.u32 s1, $0xD;
	s1 =	sshrl.u32 s1, $0x2  }
0xb8: {  	s3 =	sand.u32 $0x4000, s31;
	s1 =	sadd.s32 s1, s30  }
0xb9: {  	s0 =	sor.u32 s3, s0;
	s1 =	sshll.u32 s1, $0x11  }
0xba: {  	s0 =	sor.u32 s1, s0  }
0xbb: {  	s0 =	sadd.s32 $0x8F2B, s0  }
0xbc: {  	[sflag:s0] =	ssyncadd.remote.s32 $0x1  }
0xbd: {  	_ =	sfence.sel $0xFFFF  }
0xbe: {  	[dreg:$0x0] =	wrdreg $0xFFFFFFFF;
	(pc) =	sbr.abs _section_cstart, $3  }
0xbf: {  	[dreg:$0x1] =	wrdreg $0xFFFFFFFF  }
0xc0: {  	_ =	task.clear_ibuf [dreg:s6], $0x2FFFF;
	_ =	strace $0x9FFFFFFF  }
0xc1: {  	(tm) =	ssettm $0x7FFFFFFF  }
tec
execute0_lowered:
.L_overlay_start_1:
0x0: {  	(tag) =	ssettag $0x1  }
0x1: {  	s7 =	rddreg [dreg:$0x0]  }
0x2: {  	s0 =	rddreg [dreg:$0x1];
	_ =	strace $0x8000004D  }
0x3: {  	s1 =	srdreg.scid;
	s4 =	simm.s32 $0x1;
	s9 =	simm.s32 $0x3  }
0x4: {  	s12 =	simm.s32 $0x0;
	s10 =	simm.s32 $0x0;
	s5 =	sshll.u32 s1, $0x4  }
.Ltmp0:
0x5: {  	s1 =	stileid.u32;
	s5 =	sand.u32 $0x10, s5;
	(pc) =	sbr.rel .LBB2_1-.Ltmp0, $4  }
0x6: {  	s2 =	sadd.s32 $0x49600, s7;
	s3 =	sadd.s32 $0x69600, s7;
	s6 =	sor.u32 s1, s5  }
0x7: {  	[sflag:s4] =	ssyncpa.u1 $0x0;
	s5 =	simm.s32 $0x2;
	s6 =	sshll.u32 s6, $0x6  }
0x8: {  	s7 =	sadd.s32 $0x76A00, s7;
	[sflag:s5] =	ssyncpa.u1 $0x0;
	s8 =	sadd.s32 $0x40, s6  }
0x9: {  	vm0 =	vmmov $0xff;
	vm1 =	vcmask $0x3F20;
	[sflag:s9] =	ssyncpa.u1 $0x0;
	s9 =	simm.s32 $0x40;
	s11 =	smov.u32 s6  }
.LBB2_9:
0xa: {  	p0 =	seq.s32 s10, $0x2  }
.Ltmp1:
0xb: {  	_ = 	snop;
	(pc) =	sbr.rel @p0 .LBB2_11-.Ltmp1, $1  }
0xc: {  	_ =	sdelay $0x3  }
.LBB2_10:
0xd: {  	s12 =	sadd.s32 $0x40, s11  }
0xe: {  	s13 =	smov.u32 s6;
	p0 =	slt.s32 s12, s8  }
0xf: {  	s13 =	smov.u32 @p0 s12  }
0x10: {  	s10 =	sadd.s32 $0x1, s10;
	s12 =	smov.u32 s11;
	s11 =	smov.u32 s13  }
.LBB2_1:
0x11: {  	p0 =	sne.s32 s10, $0x0  }
.Ltmp2:
0x12: {  	_ = 	snop;
	(pc) =	sbr.rel @!p0 .LBB2_2-.Ltmp2, $1  }
0x13: {  	_ =	sdelay $0x3  }
0x14: {  	s13 =	sand.u32 $0x1, s10  }
0x15: {  	p0 =	seq.s32 s13, $0x0  }
.Ltmp3:
0x16: {  	_ = 	snop;
	(pc) =	sbr.rel @p0 .LBB2_9-.Ltmp3, $1  }
0x17: {  	_ =	sdelay $0x3  }
0x18: {  	_ =	swait.ge [sflag:s5], $0x40  }
0x19: {  	[sflag:s5] =	ssyncset.done $0x0  }
0x1a: {  	s13 =	simm.s32 $0x0;
	[sflag:s5] =	ssyncadd.s32 $0xFFFFFFC0  }
0x1b: {  	v0 =	vld.msk [tilespmem:s13+$0x40 ss:$0x1], $0xffff;
	_ =	sdelay $0x4  }
0x1c: {  	v1 =	vshll.u32 v0, $0x5  }
0x1d: {  	vm2 =	veq.s32 v0, $0x80000000;
	v0 =	vshll.u32 v0, $0x12;
	v1 =	vand.u32 $0x3FF80, v1  }
0x1e: {  	v0 =	vand.u32 $0xC0000, v0;
	v1 =	vsel vm2, $0xFFFFFF80, v1  }
0x1f: {  	v0 =	vsel vm2, $0xFFFC0000, v0;
	v2 =	vand.u32 $0xFFFFFC00, v1  }
0x20: {  	v1 =	vand.u32 $0x380, v1;
	v0 =	vadd.s32 v0, v2  }
0x21: {  	v0 =	vor.u32 v1, v0  }
0x22: {  	v0 =	vshrl.u32 v0, $0x3;
	_ =	sdelay $0x3  }
0x23: {  	s13 =	simm.s32 $0x2080  }
0x24: {  	[tilespmem:s13], [sflag:$0x1] =	stream.indirect_vreg.gather [hbm:s2], $0x80, v0, vm0, $0x38;
	[tilespmem:$0x4080] =	vst v63  }
0x25: {  	s14 =	simm.s32 $0x2480;
	s31 =	simm.s32 $0x10  }
0x26: {  	[tilespmem:s14], [sflag:$0x1] =	stream.indirect_vreg.gather [hbm:s2], $0x80, v0, vm1, $0x38;
	[tilespmem:$0x4080] =	vst v63  }
0x27: {  	s14 =	simm.s32 $0x80;
	v0 =	vld.msk [tilespmem:s31+$0x40 ss:$0x1], $0xffff  }
.LBB2_5:
0x28: {  	p0 =	sne.s32 s14, $0xC0;
	_ =	sdelay $0x4  }
0x29: {  	v1 =	vshll.u32 v0, $0x5  }
0x2a: {  	vm2 =	veq.s32 v0, $0x80000000;
	v0 =	vshll.u32 v0, $0x12;
	v1 =	vand.u32 $0x3FF80, v1  }
0x2b: {  	v0 =	vand.u32 $0xC0000, v0;
	v1 =	vsel vm2, $0xFFFFFF80, v1  }
0x2c: {  	v0 =	vsel vm2, $0xFFFC0000, v0;
	v2 =	vand.u32 $0xFFFFFC00, v1  }
0x2d: {  	v1 =	vand.u32 $0x380, v1;
	v0 =	vadd.s32 v0, v2  }
0x2e: {  	v0 =	vor.u32 v1, v0  }
0x2f: {  	v0 =	vshrl.u32 v0, $0x3;
	_ =	sdelay $0x3  }
.Ltmp4:
0x30: {  	s13 =	sadd.s32 $0x800, s13;
	(pc) =	sbr.rel @p0 .LBB2_5-.Ltmp4, $4  }
0x31: {  	[tilespmem:s13], [sflag:$0x1] =	stream.indirect_vreg.gather [hbm:s2], $0x80, v0, vm0, $0x38;
	[tilespmem:$0x4080] =	vst v63  }
0x32: {  	s15 =	sshra.s32 s14, $0x2;
	s16 =	sadd.s32 $0x400, s13  }
0x33: {  	[tilespmem:s16], [sflag:$0x1] =	stream.indirect_vreg.gather [hbm:s2], $0x80, v0, vm1, $0x38;
	[tilespmem:$0x4080] =	vst v63  }
0x34: {  	s14 =	sadd.s32 $0x40, s14;
	v0 =	vld.msk [tilespmem:s15+$0x40 ss:$0x1], $0xffff  }
0x35: {  	_ =	sdelay $0x3  }
0x36: {  	v1 =	vshll.u32 v0, $0x5  }
0x37: {  	vm2 =	veq.s32 v0, $0x80000000;
	v63 =	vshll.u32 v0, $0x12;
	v1 =	vand.u32 $0x3FF80, v1  }
0x38: {  	v0 =	vand.u32 $0xC0000, v63;
	v1 =	vsel vm2, $0xFFFFFF80, v1  }
0x39: {  	v0 =	vsel vm2, $0xFFFC0000, v0;
	v2 =	vand.u32 $0xFFFFFC00, v1  }
0x3a: {  	v1 =	vand.u32 $0x380, v1;
	v0 =	vadd.s32 v0, v2  }
0x3b: {  	v0 =	vor.u32 v1, v0  }
0x3c: {  	v0 =	vshrl.u32 v0, $0x3;
	_ =	sdelay $0x3  }
0x3d: {  	s13 =	sadd.s32 $0x800, s13  }
0x3e: {  	[tilespmem:s13], [sflag:$0x1] =	stream.indirect_vreg.gather [hbm:s2], $0x80, v0, vm0, $0x38;
	[tilespmem:$0x4080] =	vst v63  }
0x3f: {  	s13 =	sadd.s32 $0x400, s13  }
0x40: {  	[tilespmem:s13], [sflag:$0x1] =	stream.indirect_vreg.gather [hbm:s2], $0x80, v0, vm1, $0x38;
	[tilespmem:$0x4080] =	vst v63  }
0x41: {  	s12 =	sshll.u32 s12, $0x4;
	s14 =	simm.s32 $0x80;
	_ =	swait.ge [sflag:s4], $0x2000  }
0x42: {  	s15 =	simm.s32 $0x2480;
	s12 =	sadd.s32 s12, s7;
	[sflag:s4] =	ssyncset.done $0x0  }
0x43: {  	s16 =	sadd.s32 $0x0, s12;
	s13 =	simm.s32 $0x2080;
	[sflag:s4] =	ssyncadd.s32 $0xFFFFE000  }
.LBB2_7:
0x44: {  	[hbm:s16] =	stream.linear.scatter [tilespmem:s13], [sflag:$0x3], $0x400, $0x38;
	[tilespmem:$0x4080] =	vst v63  }
0x45: {  	s16 =	smov.u32 s14;
	s13 =	smov.u32 s15;
	p0 =	sne.s32 s14, $0x380  }
.Ltmp5:
0x46: {  	s14 =	sadd.s32 $0x80, s14;
	(pc) =	sbr.rel @p0 .LBB2_7-.Ltmp5, $2  }
0x47: {  	_ =	sdelay $0x2  }
0x48: {  	s15 =	sadd.s32 $0x400, s15;
	s16 =	sadd.s32 s16, s12  }
.Ltmp6:
0x49: {  	(pc) =	sbr.rel .LBB2_9-.Ltmp6, $2  }
0x4a: {  	_ =	sdelay $0x2  }
0x4b: {  	[hbm:s16] =	stream.linear.scatter [tilespmem:s13], [sflag:$0x3], $0x400, $0x38;
	[tilespmem:$0x4080] =	vst v63  }
.LBB2_2:
.Ltmp7:
0x4c: {  	(pc) =	sbr.rel .LBB2_10-.Ltmp7, $4  }
0x4d: {  	_ = 	snop  }
0x4e: {  	s12 =	sshrl.u32 s11, $0x3  }
0x4f: {  	s13 =	sand.u32 $0x7, s11;
	s12 =	sadd.s32 s3, s12  }
0x50: {  	[tilespmem:s9], [sflag:$0x2] =	stream.linear.gather [hbm4b:s12+s13], $0x40, $0x38;
	[tilespmem:$0x4080] =	vst v63  }
.LBB2_11:
0x51: {  	s2 =	simm.s32 $0x3  }
0x52: {  	_ =	swait.ge [sflag:s2], $0x2000  }
0x53: {  	[sflag:s2] =	ssyncset.done $0x0  }
0x54: {  	[sflag:s2] =	ssyncadd.s32 $0xFFFFE000  }
0x55: {  	_ =	sfence.sel $0x180000  }
0x56: {  	s3 =	simm.s32 $0x2;
	[bflag:$0x0] =	sbarrier.arrive $0xFFFF  }
0x57: {  	[sflag:s3] =	ssyncpa.u1 $0x1  }
0x58: {  	s31 =	simm.s32 $0x1;
	[sflag:s2] =	ssyncpa.u1 $0x1  }
0x59: {  	[sflag:s31] =	ssyncpa.u1 $0x1  }
0x5a: {  	p0 =	sne.s32 s1, $0x0;
	_ =	strace $0x9000004D  }
0x5b: {  	s0 =	sadd.s32 @!p0 $0x100000, s0;
	[bflag:$0x2] =	sbarrier.arrive $0xFFFF  }
0x5c: {  	[sflag:s0] =	ssyncadd.tile.s32 @!p0 $0x1;
	_ =	shalt  }
.Lfunc_end2:
_tile_overlayer_lowered:
.L_overlay_start_2:
0x5d: {  	(tag) =	ssettag $0x2  }
0x5e: {  	s0 =	rddreg [dreg:$0x0];
	s2 =	stileid.u32  }
0x5f: {  	s1 =	rddreg [dreg:$0x1];
	p0 =	sne.s32 s2, $0x0  }
0x60: {  	s3 =	rddreg [dreg:$0x2];
	[bflag:$0x3] =	sbarrier.arrive $0xFFFF;
	s2 =	simm.s32 @!p0 $0x1C01  }
0x61: {  	[timem:s3], [sflag:s2] =	dma.local @!p0 [hbm:s0], s1  }
0x62: {  	s0 =	simm.s32 @!p0 $0x1  }
0x63: {  	_ =	swait.ge @!p0 [sflag:s0], s1  }
0x64: {  	s1 =	ssub.s32 @!p0 $0x0, s1;
	[sflag:s0] =	ssyncset.done @!p0 $0x0  }
0x65: {  	[sflag:s0] =	ssyncadd.s32 @!p0 s1  }
0x66: {  	[bflag:$0x3] =	sbarrier.arrive $0xFFFF  }
0x67: {  	_ =	shalt  }

// kernel: gather_offload_async_start
scs
__scs_entry_jumppad:
0x0: {  	(pc) =	sbr.rel $0x88, $3  }
0x1: {  	(tag) =	ssettag $0x0;
	lr =	simm.s32 $0x1  }
0x2: {  	[smem:$0x3F49] =	sst lr;
	_ =	strace $0xD0000000  }
0x3: {  	_ = 	snop  }
0x4: {  	_ = 	snop  }
0x5: {  	_ = 	snop  }
0x6: {  	_ = 	snop  }
0x7: {  	_ = 	snop  }
__scs_overlays_trampoline_lowered:
0x8: {  	[smem:$0x3F58] =	sst s0  }
0x9: {  	[smem:$0x3F59] =	sst s1  }
0xa: {  	[smem:$0x3F5A] =	sst s2  }
0xb: {  	[smem:$0x3F5B] =	sst s3  }
0xc: {  	[smem:$0x3F5C] =	sst s4  }
0xd: {  	[smem:$0x3F5D] =	sst s5  }
0xe: {  	[smem:$0x3F5E] =	sst s6  }
0xf: {  	[smem:$0x3F5F] =	sst s7  }
0x10: {  	[smem:$0x3F60] =	sst s8  }
0x11: {  	[smem:$0x3F61] =	sst s9;
	s0 =	simm.s32 @!p0 $0x0  }
0x12: {  	s1 =	sld [smem:$0x3F47];
	s0 =	simm.s32 @p0 $0x1  }
0x13: {  	[smem:$0x3F62] =	sst s0;
	s0 =	simm.s32 @!p1 $0x0  }
0x14: {  	s2 =	sld [smem:$0x3F46];
	s0 =	simm.s32 @p1 $0x1  }
0x15: {  	[smem:$0x3F63] =	sst s0;
	s0 =	simm.s32 @!p2 $0x0  }
0x16: {  	s3 =	sld [smem:$0x3FDB];
	s0 =	simm.s32 @p2 $0x1  }
0x17: {  	s4 =	simm.s32 $0x1BF5;
	[smem:$0x3F65] =	sst s0  }
0x18: {  	s0 =	sld [smem:$0x3F48];
	_ =	swait.ge [sflag:s4], $0x0  }
0x19: {  	s7 =	sld [smem:$0x3F49]  }
0x1a: {  	s8 =	sadd.s32 $0xFFFFE003, lr  }
0x1b: {  	s9 =	sadd.s32 $0xFFFFFEF7, lr;
	s5 =	simm.s32 $0xFFFFFFFF;
	p2 =	slt.u32 s8, $0xFFFFF086  }
0x1c: {  	p1 =	slt.u32 s9, $0xF7A;
	s5 =	simm.s32 @!p2 $0x0  }
0x1d: {  	s5 =	simm.s32 @p1 $0x1;
	p0 =	seq.s32 s7, s2  }
0x1e: {  	s7 =	smul.u32 @!p0 $0xF7A, s2;
	p2 =	seq.s32 @!p0 s5, $0x0  }
0x1f: {  	s9 =	smul.u32 $0xF7A, s1;
	s8 =	simm.s32 @!p0 $0x1BF5;
	p2 =	por !p2, p0  }
0x20: {  	[sflag:s8] =	ssyncset.s32 @!p0 $0xFFFFF086;
	s6 =	sadd.s32 @!p0 s3, s7;
	s7 =	simm.s32 @!p0 $0x108  }
0x21: {  	s3 =	sadd.s32 s3, s9;
	s6 =	sadd.s32 @!p0 $0x88, s6;
	s7 =	simm.s32 @p2 $0x1082  }
0x22: {  	[simem:s7], [sflag:s8] =	dma.local @!p0 [hbm:s6], $0xF7A  }
0x23: {  	s9 =	sor.u32 $0xD0000000, s2;
	s6 =	simm.s32 $0x108;
	_ =	swait.ge @!p0 [sflag:s8], $0x0  }
0x24: {  	s3 =	sadd.s32 $0x88, s3;
	s6 =	simm.s32 @!p1 $0x1082;
	[sflag:s4] =	ssyncset.s32 $0xFFFFF086  }
0x25: {  	[simem:s6], [sflag:s4] =	dma.local [hbm:s3], $0xF7A  }
0x26: {  	[smem:$0x3F49] =	sst s1;
	(tag) =	ssettag s2;
	_ =	strace s9  }
0x27: {  	s1 =	sld [smem:$0x3F59]  }
0x28: {  	s2 =	sld [smem:$0x3F5A]  }
0x29: {  	s4 =	sld [smem:$0x3F5C]  }
0x2a: {  	p0 =	seq.s32 s5, $0x0;
	s5 =	sld [smem:$0x3F5D]  }
0x2b: {  	s6 =	sld [smem:$0x3F5E]  }
0x2c: {  	s7 =	sld [smem:$0x3F5F]  }
0x2d: {  	s3 =	simm.s32 $0x108;
	s8 =	sld [smem:$0x3F60]  }
0x2e: {  	s3 =	simm.s32 @!p0 $0x1082;
	s9 =	sld [smem:$0x3F61]  }
0x2f: {  	lr =	sadd.s32 s0, s3;
	s0 =	sld [smem:$0x3F58]  }
0x30: {  	s3 =	sld [smem:$0x3F5B]  }
0x31: {  	[smem:$0x3F64] =	sst s10  }
0x32: {  	s10 =	sld [smem:$0x3F62];
	_ =	sdelay $0x3  }
0x33: {  	p0 =	seq.s32 s10, $0x1;
	s10 =	sld [smem:$0x3F64];
	_ =	sdelay $0x3  }
0x34: {  	[smem:$0x3F64] =	sst s10  }
0x35: {  	s10 =	sld [smem:$0x3F63];
	_ =	sdelay $0x3  }
0x36: {  	p1 =	seq.s32 s10, $0x1;
	s10 =	sld [smem:$0x3F64];
	_ =	sdelay $0x3  }
0x37: {  	[smem:$0x3F64] =	sst s10  }
0x38: {  	s10 =	sld [smem:$0x3F65]  }
0x39: {  	_ = 	snop;
	(pc) =	sbr.ind lr, $3  }
0x3a: {  	_ = 	snop  }
0x3b: {  	_ = 	snop  }
0x3c: {  	p2 =	seq.s32 s10, $0x1;
	s10 =	sld [smem:$0x3F64]  }
0x3d: {  	_ =	shalt  }
0x3e: {  	_ =	shalt  }
0x3f: {  	_ =	shalt  }
0x40: {  	_ =	shalt  }
0x41: {  	_ =	shalt  }
0x42: {  	_ =	shalt  }
0x43: {  	_ =	shalt  }
0x44: {  	_ =	shalt  }
0x45: {  	_ =	shalt  }
0x46: {  	_ =	shalt  }
0x47: {  	_ =	shalt  }
0x48: {  	_ =	shalt  }
0x49: {  	_ =	shalt  }
0x4a: {  	_ =	shalt  }
0x4b: {  	_ =	shalt  }
0x4c: {  	_ =	shalt  }
0x4d: {  	_ =	shalt  }
0x4e: {  	_ =	shalt  }
0x4f: {  	_ =	shalt  }
0x50: {  	_ =	shalt  }
0x51: {  	_ =	shalt  }
0x52: {  	_ =	shalt  }
0x53: {  	_ =	shalt  }
0x54: {  	_ =	shalt  }
0x55: {  	_ =	shalt  }
0x56: {  	_ =	shalt  }
0x57: {  	_ =	shalt  }
0x58: {  	_ =	shalt  }
0x59: {  	_ =	shalt  }
0x5a: {  	_ =	shalt  }
0x5b: {  	_ =	shalt  }
0x5c: {  	_ =	shalt  }
0x5d: {  	_ =	shalt  }
0x5e: {  	_ =	shalt  }
0x5f: {  	_ =	shalt  }
0x60: {  	_ =	shalt  }
0x61: {  	_ =	shalt  }
0x62: {  	_ =	shalt  }
0x63: {  	_ =	shalt  }
0x64: {  	_ =	shalt  }
0x65: {  	_ =	shalt  }
0x66: {  	_ =	shalt  }
0x67: {  	_ =	shalt  }
0x68: {  	_ =	shalt  }
0x69: {  	_ =	shalt  }
0x6a: {  	_ =	shalt  }
0x6b: {  	_ =	shalt  }
0x6c: {  	_ =	shalt  }
0x6d: {  	_ =	shalt  }
0x6e: {  	_ =	shalt  }
0x6f: {  	_ =	shalt  }
0x70: {  	_ =	shalt  }
0x71: {  	_ =	shalt  }
0x72: {  	_ =	shalt  }
0x73: {  	_ =	shalt  }
0x74: {  	_ =	shalt  }
0x75: {  	_ =	shalt  }
0x76: {  	_ =	shalt  }
0x77: {  	_ =	shalt  }
0x78: {  	_ =	shalt  }
0x79: {  	_ =	shalt  }
0x7a: {  	_ =	shalt  }
0x7b: {  	_ =	shalt  }
0x7c: {  	_ =	shalt  }
0x7d: {  	_ =	shalt  }
0x7e: {  	_ =	shalt  }
0x7f: {  	_ =	shalt  }
0x80: {  	_ =	shalt  }
0x81: {  	_ =	shalt  }
0x82: {  	_ =	shalt  }
0x83: {  	_ =	shalt  }
0x84: {  	_ =	shalt  }
0x85: {  	_ =	shalt  }
0x86: {  	_ =	shalt  }
0x87: {  	_ =	shalt  }
.Lfunc_end0:
.L_simem_size_0:
called_computation.1_lowered:
.L_overlay_start_0:
0x88: {  	s2 =	sld [smem:$0x3FD9]  }
0x89: {  	s3 =	sld [smem:$0x3FFE];
	_ =	sdelay $0x1  }
0x8a: {  	s1 =	srdreg.scid  }
0x8b: {  	s0 =	sand.u32 $0x1, s1  }
0x8c: {  	s16 =	sshll.u32 s0, $0xA;
	s2 =	sadd.s32 s3, s2  }
0x8d: {  	s2 =	sadd.s32 s2, s16  }
0x8e: {  	[smem:$0x3F70] =	sst s2  }
0x8f: {  	_ = 	snop  }
0x90: {  	(tm) =	ssettm $0x1  }
0x91: {  	s17 =	sld [smem:$0x3FFB];
	_ =	sdelay $0x3  }
0x92: {  	_ =	strace s17  }
0x93: {  	s2 =	sld [smem:$0x3FFC];
	_ =	sdelay $0x3  }
0x94: {  	_ =	strace s2  }
0x95: {  	s2 =	sld [smem:$0x3FFD];
	_ =	sdelay $0x3  }
0x96: {  	_ =	strace s2  }
0x97: {  	_ =	strace $0x8FFFFFFF  }
0x98: {  	s18 =	sld [smem:$0x3FDB];
	_ =	sdelay $0x1  }
0x99: {  	s19 =	simm.s32 $_scs_section_size  }
0x9a: {  	s4 =	simm.s32 $_size__tile_overlayer_lowered;
	s5 =	simm.s32 $_tile_overlayer_lowered  }
0x9b: {  	s22 =	simm.s32 $0x1BFF;
	s21 =	sshll.u32 s5, $0x1;
	s2 =	sadd.s32 s19, s18  }
0x9c: {  	s6 =	simm.s32 $0x0;
	s20 =	sshll.u32 s4, $0x1;
	s4 =	sadd.s32 s21, s2  }
0x9d: {  	[timem:s6], [sflag:s22] =	dma.local [hbm:s4], s20  }
0x9e: {  	_ =	swait.ge [sflag:s22], s20  }
0x9f: {  	s3 =	ssub.s32 $0x0, s20;
	[sflag:s22] =	ssyncset.done $0x0  }
0xa0: {  	[sflag:s22] =	ssyncadd.s32 s3;
	_ =	sdelay $0x1  }
0xa1: {  	s23 =	simm.s32 $0x1B8B  }
0xa2: {  	_ =	swait.ge [sflag:s23], $0x1  }
0xa3: {  	[sflag:s23] =	ssyncset.done $0x0  }
0xa4: {  	s25 =	simm.s32 $0x1B8E;
	s24 =	sld [smem:$0x3FFE];
	[sflag:s23] =	ssyncadd.s32 $0xFFFFFFFF  }
0xa5: {  	s26 =	simm.s32 $execute0_lowered;
	[smem:$0x3FD2] =	sst s25  }
0xa6: {  	s4 =	sshll.u32 s26, $0x1;
	_ =	strace $0x8000004F;
	[dreg:$0x1] =	wrdreg $0xFFFFFFFF  }
0xa7: {  	s28 =	simm.s32 $_size_execute0_lowered;
	s2 =	sadd.s32 s2, s4;
	[dreg:$0x0] =	wrdreg $0x0  }
0xa8: {  	s4 =	sshll.u32 s28, $0x1;
	[dreg:$0x2] =	wrdreg s2  }
0xa9: {  	[dreg:$0x3] =	wrdreg s4  }
0xaa: {  	[dreg:$0x4] =	wrdreg $0xC0  }
0xab: {  	_ =	task [dreg:s6], $0x5FFFF  }
0xac: {  	[dreg:$0x1] =	wrdreg $0xFFFFFFFF  }
0xad: {  	[dreg:$0x0] =	wrdreg $0x60  }
0xae: {  	[dreg:$0x2] =	wrdreg s24  }
0xaf: {  	[dreg:$0x3] =	wrdreg $0x9  }
0xb0: {  	_ =	task.clear_ibuf [dreg:s6], $0x4FFFF;
	_ =	strace $0x9000004F  }
0xb1: {  	s29 =	simm.s32 $0x9;
	_ =	strace $0x80000051  }
0xb2: {  	_ =	swait.ge [sflag:s29], $0x1  }
0xb3: {  	[sflag:s29] =	ssyncadd.s32 $0xFFFFFFFF  }
0xb4: {  	_ =	strace $0x90000051  }
0xb5: {  	_ =	sfence  }
0xb6: {  	s30 =	sld [smem:$0x0];
	_ =	sdelay $0x2  }
0xb7: {  	s31 =	sshll.u32 s1, $0xD;
	s1 =	sshrl.u32 s1, $0x2  }
0xb8: {  	s3 =	sand.u32 $0x4000, s31;
	s1 =	sadd.s32 s1, s30  }
0xb9: {  	s0 =	sor.u32 s3, s0;
	s1 =	sshll.u32 s1, $0x11  }
0xba: {  	s0 =	sor.u32 s1, s0  }
0xbb: {  	s0 =	sadd.s32 $0x8F2B, s0  }
0xbc: {  	[sflag:s0] =	ssyncadd.remote.s32 $0x1  }
0xbd: {  	_ =	sfence.sel $0xFFFF  }
0xbe: {  	[dreg:$0x0] =	wrdreg $0xFFFFFFFF;
	(pc) =	sbr.abs _section_cstart, $3  }
0xbf: {  	[dreg:$0x1] =	wrdreg $0xFFFFFFFF  }
0xc0: {  	_ =	task.clear_ibuf [dreg:s6], $0x2FFFF;
	_ =	strace $0x9FFFFFFF  }
0xc1: {  	(tm) =	ssettm $0x7FFFFFFF  }
tec
execute0_lowered:
.L_overlay_start_1:
0x0: {  	(tag) =	ssettag $0x1  }
0x1: {  	s7 =	rddreg [dreg:$0x0]  }
0x2: {  	s0 =	rddreg [dreg:$0x1];
	_ =	strace $0x80000050  }
0x3: {  	s1 =	srdreg.scid;
	s4 =	simm.s32 $0x1;
	s9 =	simm.s32 $0x3  }
0x4: {  	s12 =	simm.s32 $0x0;
	s10 =	simm.s32 $0x0;
	s5 =	sshll.u32 s1, $0x4  }
.Ltmp0:
0x5: {  	s1 =	stileid.u32;
	s5 =	sand.u32 $0x10, s5;
	(pc) =	sbr.rel .LBB2_1-.Ltmp0, $4  }
0x6: {  	s2 =	sadd.s32 $0x29600, s7;
	s3 =	sadd.s32 $0x76800, s7;
	s6 =	sor.u32 s1, s5  }
0x7: {  	[sflag:s4] =	ssyncpa.u1 $0x0;
	s5 =	simm.s32 $0x2;
	s6 =	sshll.u32 s6, $0x6  }
0x8: {  	s7 =	sadd.s32 $0x76A00, s7;
	[sflag:s5] =	ssyncpa.u1 $0x0;
	s8 =	sadd.s32 $0x40, s6  }
0x9: {  	vm0 =	vmmov $0xff;
	vm1 =	vcmask $0x3F20;
	[sflag:s9] =	ssyncpa.u1 $0x0;
	s9 =	simm.s32 $0x40;
	s11 =	smov.u32 s6  }
.LBB2_9:
0xa: {  	p0 =	seq.s32 s10, $0x2  }
.Ltmp1:
0xb: {  	_ = 	snop;
	(pc) =	sbr.rel @p0 .LBB2_11-.Ltmp1, $1  }
0xc: {  	_ =	sdelay $0x3  }
.LBB2_10:
0xd: {  	s12 =	sadd.s32 $0x40, s11  }
0xe: {  	s13 =	smov.u32 s6;
	p0 =	slt.s32 s12, s8  }
0xf: {  	s13 =	smov.u32 @p0 s12  }
0x10: {  	s10 =	sadd.s32 $0x1, s10;
	s12 =	smov.u32 s11;
	s11 =	smov.u32 s13  }
.LBB2_1:
0x11: {  	p0 =	sne.s32 s10, $0x0  }
.Ltmp2:
0x12: {  	_ = 	snop;
	(pc) =	sbr.rel @!p0 .LBB2_2-.Ltmp2, $1  }
0x13: {  	_ =	sdelay $0x3  }
0x14: {  	s13 =	sand.u32 $0x1, s10  }
0x15: {  	p0 =	seq.s32 s13, $0x0  }
.Ltmp3:
0x16: {  	_ = 	snop;
	(pc) =	sbr.rel @p0 .LBB2_9-.Ltmp3, $1  }
0x17: {  	_ =	sdelay $0x3  }
0x18: {  	_ =	swait.ge [sflag:s5], $0x40  }
0x19: {  	[sflag:s5] =	ssyncset.done $0x0  }
0x1a: {  	s13 =	simm.s32 $0x0;
	[sflag:s5] =	ssyncadd.s32 $0xFFFFFFC0  }
0x1b: {  	v0 =	vld.msk [tilespmem:s13+$0x40 ss:$0x1], $0xffff;
	_ =	sdelay $0x4  }
0x1c: {  	v1 =	vshll.u32 v0, $0x5  }
0x1d: {  	vm2 =	veq.s32 v0, $0x80000000;
	v0 =	vshll.u32 v0, $0x12;
	v1 =	vand.u32 $0x3FF80, v1  }
0x1e: {  	v0 =	vand.u32 $0xC0000, v0;
	v1 =	vsel vm2, $0xFFFFFF80, v1  }
0x1f: {  	v0 =	vsel vm2, $0xFFFC0000, v0;
	v2 =	vand.u32 $0xFFFFFC00, v1  }
0x20: {  	v1 =	vand.u32 $0x380, v1;
	v0 =	vadd.s32 v0, v2  }
0x21: {  	v0 =	vor.u32 v1, v0  }
0x22: {  	v0 =	vshrl.u32 v0, $0x3;
	_ =	sdelay $0x3  }
0x23: {  	s13 =	simm.s32 $0x2080  }
0x24: {  	[tilespmem:s13], [sflag:$0x1] =	stream.indirect_vreg.gather [hbm:s2], $0x80, v0, vm0, $0x38;
	[tilespmem:$0x4080] =	vst v63  }
0x25: {  	s14 =	simm.s32 $0x2480;
	s31 =	simm.s32 $0x10  }
0x26: {  	[tilespmem:s14], [sflag:$0x1] =	stream.indirect_vreg.gather [hbm:s2], $0x80, v0, vm1, $0x38;
	[tilespmem:$0x4080] =	vst v63  }
0x27: {  	s14 =	simm.s32 $0x80;
	v0 =	vld.msk [tilespmem:s31+$0x40 ss:$0x1], $0xffff  }
.LBB2_5:
0x28: {  	p0 =	sne.s32 s14, $0xC0;
	_ =	sdelay $0x4  }
0x29: {  	v1 =	vshll.u32 v0, $0x5  }
0x2a: {  	vm2 =	veq.s32 v0, $0x80000000;
	v0 =	vshll.u32 v0, $0x12;
	v1 =	vand.u32 $0x3FF80, v1  }
0x2b: {  	v0 =	vand.u32 $0xC0000, v0;
	v1 =	vsel vm2, $0xFFFFFF80, v1  }
0x2c: {  	v0 =	vsel vm2, $0xFFFC0000, v0;
	v2 =	vand.u32 $0xFFFFFC00, v1  }
0x2d: {  	v1 =	vand.u32 $0x380, v1;
	v0 =	vadd.s32 v0, v2  }
0x2e: {  	v0 =	vor.u32 v1, v0  }
0x2f: {  	v0 =	vshrl.u32 v0, $0x3;
	_ =	sdelay $0x3  }
.Ltmp4:
0x30: {  	s13 =	sadd.s32 $0x800, s13;
	(pc) =	sbr.rel @p0 .LBB2_5-.Ltmp4, $4  }
0x31: {  	[tilespmem:s13], [sflag:$0x1] =	stream.indirect_vreg.gather [hbm:s2], $0x80, v0, vm0, $0x38;
	[tilespmem:$0x4080] =	vst v63  }
0x32: {  	s15 =	sshra.s32 s14, $0x2;
	s16 =	sadd.s32 $0x400, s13  }
0x33: {  	[tilespmem:s16], [sflag:$0x1] =	stream.indirect_vreg.gather [hbm:s2], $0x80, v0, vm1, $0x38;
	[tilespmem:$0x4080] =	vst v63  }
0x34: {  	s14 =	sadd.s32 $0x40, s14;
	v0 =	vld.msk [tilespmem:s15+$0x40 ss:$0x1], $0xffff  }
0x35: {  	_ =	sdelay $0x3  }
0x36: {  	v1 =	vshll.u32 v0, $0x5  }
0x37: {  	vm2 =	veq.s32 v0, $0x80000000;
	v63 =	vshll.u32 v0, $0x12;
	v1 =	vand.u32 $0x3FF80, v1  }
0x38: {  	v0 =	vand.u32 $0xC0000, v63;
	v1 =	vsel vm2, $0xFFFFFF80, v1  }
0x39: {  	v0 =	vsel vm2, $0xFFFC0000, v0;
	v2 =	vand.u32 $0xFFFFFC00, v1  }
0x3a: {  	v1 =	vand.u32 $0x380, v1;
	v0 =	vadd.s32 v0, v2  }
0x3b: {  	v0 =	vor.u32 v1, v0  }
0x3c: {  	v0 =	vshrl.u32 v0, $0x3;
	_ =	sdelay $0x3  }
0x3d: {  	s13 =	sadd.s32 $0x800, s13  }
0x3e: {  	[tilespmem:s13], [sflag:$0x1] =	stream.indirect_vreg.gather [hbm:s2], $0x80, v0, vm0, $0x38;
	[tilespmem:$0x4080] =	vst v63  }
0x3f: {  	s13 =	sadd.s32 $0x400, s13  }
0x40: {  	[tilespmem:s13], [sflag:$0x1] =	stream.indirect_vreg.gather [hbm:s2], $0x80, v0, vm1, $0x38;
	[tilespmem:$0x4080] =	vst v63  }
0x41: {  	s12 =	sshll.u32 s12, $0x4;
	s14 =	simm.s32 $0x80;
	_ =	swait.ge [sflag:s4], $0x2000  }
0x42: {  	s15 =	simm.s32 $0x2480;
	s12 =	sadd.s32 s12, s7;
	[sflag:s4] =	ssyncset.done $0x0  }
0x43: {  	s16 =	sadd.s32 $0x0, s12;
	s13 =	simm.s32 $0x2080;
	[sflag:s4] =	ssyncadd.s32 $0xFFFFE000  }
.LBB2_7:
0x44: {  	[hbm:s16] =	stream.linear.scatter [tilespmem:s13], [sflag:$0x3], $0x400, $0x38;
	[tilespmem:$0x4080] =	vst v63  }
0x45: {  	s16 =	smov.u32 s14;
	s13 =	smov.u32 s15;
	p0 =	sne.s32 s14, $0x380  }
.Ltmp5:
0x46: {  	s14 =	sadd.s32 $0x80, s14;
	(pc) =	sbr.rel @p0 .LBB2_7-.Ltmp5, $2  }
0x47: {  	_ =	sdelay $0x2  }
0x48: {  	s15 =	sadd.s32 $0x400, s15;
	s16 =	sadd.s32 s16, s12  }
.Ltmp6:
0x49: {  	(pc) =	sbr.rel .LBB2_9-.Ltmp6, $2  }
0x4a: {  	_ =	sdelay $0x2  }
0x4b: {  	[hbm:s16] =	stream.linear.scatter [tilespmem:s13], [sflag:$0x3], $0x400, $0x38;
	[tilespmem:$0x4080] =	vst v63  }
.LBB2_2:
.Ltmp7:
0x4c: {  	(pc) =	sbr.rel .LBB2_10-.Ltmp7, $4  }
0x4d: {  	_ = 	snop  }
0x4e: {  	s12 =	sshrl.u32 s11, $0x3  }
0x4f: {  	s13 =	sand.u32 $0x7, s11;
	s12 =	sadd.s32 s3, s12  }
0x50: {  	[tilespmem:s9], [sflag:$0x2] =	stream.linear.gather [hbm4b:s12+s13], $0x40, $0x38;
	[tilespmem:$0x4080] =	vst v63  }
.LBB2_11:
0x51: {  	s2 =	simm.s32 $0x3  }
0x52: {  	_ =	swait.ge [sflag:s2], $0x2000  }
0x53: {  	[sflag:s2] =	ssyncset.done $0x0  }
0x54: {  	[sflag:s2] =	ssyncadd.s32 $0xFFFFE000  }
0x55: {  	_ =	sfence.sel $0x180000  }
0x56: {  	s3 =	simm.s32 $0x2;
	[bflag:$0x0] =	sbarrier.arrive $0xFFFF  }
0x57: {  	[sflag:s3] =	ssyncpa.u1 $0x1  }
0x58: {  	s31 =	simm.s32 $0x1;
	[sflag:s2] =	ssyncpa.u1 $0x1  }
0x59: {  	[sflag:s31] =	ssyncpa.u1 $0x1  }
0x5a: {  	p0 =	sne.s32 s1, $0x0;
	_ =	strace $0x90000050  }
0x5b: {  	s0 =	sadd.s32 @!p0 $0x100000, s0;
	[bflag:$0x2] =	sbarrier.arrive $0xFFFF  }
0x5c: {  	[sflag:s0] =	ssyncadd.tile.s32 @!p0 $0x1;
	_ =	shalt  }
.Lfunc_end2:
_tile_overlayer_lowered:
.L_overlay_start_2:
0x5d: {  	(tag) =	ssettag $0x2  }
0x5e: {  	s0 =	rddreg [dreg:$0x0];
	s2 =	stileid.u32  }
0x5f: {  	s1 =	rddreg [dreg:$0x1];
	p0 =	sne.s32 s2, $0x0  }
0x60: {  	s3 =	rddreg [dreg:$0x2];
	[bflag:$0x3] =	sbarrier.arrive $0xFFFF;
	s2 =	simm.s32 @!p0 $0x1C01  }
0x61: {  	[timem:s3], [sflag:s2] =	dma.local @!p0 [hbm:s0], s1  }
0x62: {  	s0 =	simm.s32 @!p0 $0x1  }
0x63: {  	_ =	swait.ge @!p0 [sflag:s0], s1  }
0x64: {  	s1 =	ssub.s32 @!p0 $0x0, s1;
	[sflag:s0] =	ssyncset.done @!p0 $0x0  }
0x65: {  	[sflag:s0] =	ssyncadd.s32 @!p0 s1  }
0x66: {  	[bflag:$0x3] =	sbarrier.arrive $0xFFFF  }
0x67: {  	_ =	shalt  }

// kernel: sparse-core-data-format-call.cloned.1.call-start
scs
called_computation_lowered:
.L_overlay_start_0:
0x0: {  	s1 =	sld [smem:$0x3FD9]  }
0x1: {  	s2 =	sld [smem:$0x3FFE];
	_ =	sdelay $0x1  }
0x2: {  	s3 =	srdreg.scid  }
0x3: {  	s0 =	sand.u32 $0x1, s3  }
0x4: {  	s17 =	sshll.u32 s0, $0xA;
	s1 =	sadd.s32 s2, s1  }
0x5: {  	s1 =	sadd.s32 s1, s17  }
0x6: {  	[smem:$0x3F70] =	sst s1  }
0x7: {  	_ = 	snop  }
0x8: {  	(tm) =	ssettm $0x1  }
0x9: {  	s18 =	sld [smem:$0x3FFB];
	_ =	sdelay $0x3  }
0xa: {  	_ =	strace s18  }
0xb: {  	s1 =	sld [smem:$0x3FFC];
	_ =	sdelay $0x3  }
0xc: {  	_ =	strace s1  }
0xd: {  	s1 =	sld [smem:$0x3FFD];
	_ =	sdelay $0x3  }
0xe: {  	_ =	strace s1  }
0xf: {  	_ =	strace $0x8FFFFFFF  }
0x10: {  	s19 =	sld [smem:$0x3FDB];
	_ =	sdelay $0x1  }
0x11: {  	s20 =	simm.s32 $_scs_section_size  }
0x12: {  	s4 =	simm.s32 $_size__tile_overlayer_lowered;
	s5 =	simm.s32 $_tile_overlayer_lowered  }
0x13: {  	s23 =	simm.s32 $0x1BFF;
	s22 =	sshll.u32 s5, $0x1;
	s1 =	sadd.s32 s20, s19  }
0x14: {  	s6 =	simm.s32 $0x0;
	s21 =	sshll.u32 s4, $0x1;
	s4 =	sadd.s32 s22, s1  }
0x15: {  	[timem:s6], [sflag:s23] =	dma.local [hbm:s4], s21  }
0x16: {  	_ =	swait.ge [sflag:s23], s21  }
0x17: {  	s2 =	ssub.s32 $0x0, s21;
	[sflag:s23] =	ssyncset.done $0x0  }
0x18: {  	[sflag:s23] =	ssyncadd.s32 s2;
	_ =	sdelay $0x1  }
0x19: {  	s24 =	simm.s32 $0x1B8B  }
0x1a: {  	_ =	swait.ge [sflag:s24], $0x1  }
0x1b: {  	[sflag:s24] =	ssyncset.done $0x0  }
0x1c: {  	s26 =	simm.s32 $0x1B8E;
	s25 =	sld [smem:$0x3FFE];
	[sflag:s24] =	ssyncadd.s32 $0xFFFFFFFF  }
0x1d: {  	s27 =	simm.s32 $execute0_lowered;
	[smem:$0x3FD2] =	sst s26  }
0x1e: {  	s4 =	sshll.u32 s27, $0x1;
	_ =	strace $0x80000052;
	[dreg:$0x1] =	wrdreg $0xFFFFFFFF  }
0x1f: {  	s28 =	simm.s32 $_size_execute0_lowered;
	s1 =	sadd.s32 s1, s4;
	[dreg:$0x0] =	wrdreg $0x0  }
0x20: {  	s4 =	sshll.u32 s28, $0x1;
	[dreg:$0x2] =	wrdreg s1  }
0x21: {  	[dreg:$0x3] =	wrdreg s4  }
0x22: {  	[dreg:$0x4] =	wrdreg $0xC0  }
0x23: {  	_ =	task [dreg:s6], $0x5FFFF  }
0x24: {  	[dreg:$0x1] =	wrdreg $0xFFFFFFFF  }
0x25: {  	[dreg:$0x0] =	wrdreg $0x60  }
0x26: {  	[dreg:$0x2] =	wrdreg s25  }
0x27: {  	[dreg:$0x3] =	wrdreg $0x9  }
0x28: {  	_ =	task.clear_ibuf [dreg:s6], $0x4FFFF;
	_ =	strace $0x90000052  }
0x29: {  	s29 =	simm.s32 $0x9;
	_ =	strace $0x80000054  }
0x2a: {  	_ =	swait.ge [sflag:s29], $0x1  }
0x2b: {  	[sflag:s29] =	ssyncadd.s32 $0xFFFFFFFF  }
0x2c: {  	_ =	strace $0x90000054  }
0x2d: {  	_ =	sfence  }
0x2e: {  	s30 =	sld [smem:$0x0];
	_ =	sdelay $0x2  }
0x2f: {  	s31 =	sshll.u32 s3, $0xD;
	s3 =	sshrl.u32 s3, $0x2  }
0x30: {  	s2 =	sand.u32 $0x4000, s31;
	s1 =	sadd.s32 s3, s30  }
0x31: {  	s0 =	sor.u32 s2, s0;
	s1 =	sshll.u32 s1, $0x11  }
0x32: {  	s0 =	sor.u32 s1, s0  }
0x33: {  	s0 =	sadd.s32 $0x8F2B, s0  }
0x34: {  	[sflag:s0] =	ssyncadd.remote.s32 $0x1  }
0x35: {  	_ =	sfence.sel $0xFFFF  }
0x36: {  	[dreg:$0x0] =	wrdreg $0xFFFFFFFF;
	(pc) =	sbr.abs _section_cstart, $3  }
0x37: {  	[dreg:$0x1] =	wrdreg $0xFFFFFFFF  }
0x38: {  	_ =	task.clear_ibuf [dreg:s6], $0x2FFFF;
	_ =	strace $0x9FFFFFFF  }
0x39: {  	(tm) =	ssettm $0x7FFFFFFF  }
tec
execute0_lowered:
.L_overlay_start_1:
0x0: {  	(tag) =	ssettag $0x1  }
0x1: {  	s0 =	stileid.u32  }
0x2: {  	s1 =	srdreg.scid;
	s4 =	rddreg [dreg:$0x0]  }
0x3: {  	_ =	strace $0x80000053;
	s7 =	simm.s32 $0x1;
	s31 =	simm.s32 $0x2  }
0x4: {  	s19 =	simm.s32 $0x0;
	s21 =	simm.s32 $0x0;
	s20 =	simm.s32 $0x0  }
0x5: {  	s22 =	simm.s32 $0x0;
	s2 =	sshll.u32 s0, $0x5;
	s1 =	sshll.u32 s1, $0x9  }
0x6: {  	s10 =	simm.s32 $0x0;
	s12 =	simm.s32 $0x0;
	s1 =	sor.u32 s2, s1  }
0x7: {  	s13 =	simm.s32 $0x0;
	s14 =	simm.s32 $0x0;
	s2 =	sand.u32 $0x380, s1  }
0x8: {  	s15 =	simm.s32 $0x0;
	s3 =	sadd.s32 $0x14E800, s4;
	s5 =	ssub.s32 $0x800, s2  }
0x9: {  	s18 =	simm.s32 $0x0;
	s4 =	sadd.s32 $0x54E800, s4;
	s6 =	sand.u32 $0x380, s5  }
.Ltmp0:
0xa: {  	s1 =	simm.s32 $0x0;
	p0 =	sne.s32 s6, $0x0;
	(pc) =	sbr.rel .LBB1_1-.Ltmp0, $4  }
0xb: {  	s16 =	smov.u32 s2;
	s8 =	sshrl.u32 s5, $0xA;
	s7 =	simm.s32 @!p0 $0x0  }
0xc: {  	s5 =	sand.u32 $0x3, s0;
	s6 =	simm.s32 $0x1;
	s7 =	sadd.s32 s7, s8  }
0xd: {  	s17 =	smov.u32 s5;
	[sflag:s6] =	ssyncpa.u1 $0x0;
	s7 =	sshll.u32 s7, $0x5  }
0xe: {  	p0 =	por $0x0, $0x0;
	[sflag:s31] =	ssyncpa.u1 $0x0;
	s8 =	sor.u32 $0x1, s7  }
.LBB1_4:
0xf: {  	v5 =	vld [tilespmem:s24+$0xFFFFFFD0]  }
0x10: {  	v58 =	vld [tilespmem:s24+$0xFFFFFFE0]  }
0x11: {  	v59 =	vld [tilespmem:s24+$0xFFFFFFF0]  }
0x12: {  	s27 =	sshra.s32 s27, $0x2;
	v60 =	vld [tilespmem:s24+$0x0]  }
0x13: {  	s9 =	sshll.u32 s10, $0xB;
	p1 =	sgt.s32 s13, $0x3;
	s28 =	smov.u32 s13;
	v61 =	vld [tilespmem:s24+$0x10]  }
0x14: {  	s29 =	sshra.s32 s13, $0x1F;
	s30 =	sshll.u32 s12, $0x3;
	s11 =	sand.u32 $0x78, s12;
	v62 =	vld [tilespmem:s24+$0x20]  }
0x15: {  	v63 =	vld [tilespmem:s24+$0xFFFFFFC0];
	s24 =	smul.u32 $0x88000, s13;
	s26 =	sadd.s32 s27, s26;
	s28 =	simm.s32 @!p1 $0x3  }
0x16: {  	s29 =	sand.u32 s29, s13;
	s27 =	sand.u32 $0xFFFFC000, s9;
	s31 =	sand.u32 $0xFFFFFC00, s30  }
0x17: {  	s30 =	sand.u32 $0x400, s30;
	s9 =	sshra.s32 s12, $0x1F;
	s28 =	ssub.s32 s28, s29  }
0x18: {  	s27 =	sadd.s32 s31, s27;
	s29 =	sor.u32 s11, s30;
	s30 =	smov.u32 s12  }
0x19: {  	s11 =	smov.u32 s1;
	s31 =	sand.u32 s9, s12;
	s0 =	sadd.s32 $0xFFFFFFFD, s28  }
0x1a: {  	s9 =	sshra.s32 s10, $0x1F;
	s28 =	ssub.s32 $0x4, s28;
	p1 =	sgt.s32 s0, $0x0  }
0x1b: {  	s27 =	sshrl.u32 s27, $0xB;
	s28 =	simm.s32 @p1 $0x0;
	p1 =	sgt.s32 s12, $0x780  }
0x1c: {  	s0 =	sshra.s32 s1, $0x1F;
	s30 =	simm.s32 @!p1 $0x780;
	p1 =	sgt.s32 s1, $0xF  }
0x1d: {  	s9 =	sand.u32 s9, s10;
	s0 =	sand.u32 s0, s1;
	s11 =	simm.s32 @!p1 $0xF  }
0x1e: {  	s30 =	ssub.s32 s30, s31;
	p1 =	sgt.s32 s10, $0x8;
	s0 =	ssub.s32 s11, s0  }
0x1f: {  	[tilespmem:s25+$0x2040 ss:$0x81] =	vst.msk $0xffff, v4;
	s11 =	smov.u32 s10;
	s31 =	sadd.s32 $0xFFFFF880, s30;
	s30 =	ssub.s32 $0x800, s30  }
0x20: {  	[tilespmem:s25+$0x2850 ss:$0x81] =	vst.msk $0xffff, v3;
	s11 =	simm.s32 @!p1 $0x8;
	p1 =	sgt.s32 s31, $0x7F;
	s31 =	sadd.s32 $0xFFFFFFF1, s0  }
0x21: {  	[tilespmem:s25+$0x3060 ss:$0x81] =	vst.msk $0xffff, v2;
	s30 =	simm.s32 @p1 $0x0;
	p1 =	sgt.s32 s31, $0x0;
	s31 =	smulhi.u32 $0x1E1E1E2, s27  }
0x22: {  	[tilespmem:s25+$0x0 ss:$0x81] =	vst.msk $0xffff, v1;
	s0 =	ssub.s32 $0x10, s0;
	s9 =	ssub.s32 s11, s9;
	s11 =	smul.u32 s28, s30  }
0x23: {  	[tilespmem:s26+$0x3870 ss:$0x81] =	vst.msk $0xffff, v0;
	s30 =	sshll.u32 s10, $0x7;
	s0 =	simm.s32 @p1 $0x0;
	s28 =	smul.u32 $0x88, s31  }
0x24: {  	[tilespmem:s26+$0x810 ss:$0x81] =	vst.msk $0xffff, v5;
	s25 =	sand.u32 $0x380, s30;
	s31 =	sadd.s32 $0xFFFFFFF8, s9;
	s9 =	ssub.s32 $0x88, s9  }
0x25: {  	[tilespmem:s26+$0x1020 ss:$0x81] =	vst.msk $0xffff, v58;
	s0 =	smul.u32 s0, s11;
	p1 =	sgt.s32 s31, $0x7F;
	s30 =	sor.u32 s25, s29  }
0x26: {  	[tilespmem:s26+$0x1830 ss:$0x81] =	vst.msk $0xffff, v59;
	s31 =	smul.u32 $0x8800, s1;
	s11 =	sadd.s32 s4, s24;
	s9 =	simm.s32 @p1 $0x0  }
0x27: {  	[tilespmem:s26+$0x2040 ss:$0x81] =	vst.msk $0xffff, v60;
	s27 =	ssub.s32 s27, s28;
	s24 =	sshrl.u32 s30, $0x3;
	s28 =	sand.u32 $0x7, s12  }
0x28: {  	[tilespmem:s26+$0x2850 ss:$0x81] =	vst.msk $0xffff, v61;
	s0 =	smul.u32 s9, s0;
	s9 =	sadd.s32 s31, s11;
	s29 =	sshll.u32 s27, $0x8  }
0x29: {  	[tilespmem:s26+$0x3060 ss:$0x81] =	vst.msk $0xffff, v62;
	s30 =	sshll.u32 s28, $0x12;
	s31 =	simm.s32 $0x4000;
	s9 =	sadd.s32 s24, s9  }
0x2a: {  	[tilespmem:s26+$0x0 ss:$0x81] =	vst.msk $0xffff, v63;
	s11 =	sor.u32 $0x400, s30;
	s0 =	sand.u32 $0x3FFFFFFF, s0;
	s9 =	sadd.s32 s29, s9  }
0x2b: {  	[hbm4b:s9+s11] =	stream.strided.scatter [tilespmem:s23], [sflag:$0x2], s0, s31, s11, $0x20;
	[tilespmem:$0x10100] =	vst v63  }
.LBB1_5:
0x2c: {  	p1 =	slt.u32 s18, $0x2;
	s0 =	smov.u32 s22  }
0x2d: {  	s23 =	sadd.s32 $0x80, s14;
	s24 =	smov.u32 s16;
	s25 =	smov.u32 s17  }
0x2e: {  	p0 =	por !p0, !p0;
	p2 =	sgt.s32 @!p1 s22, $0x3;
	s9 =	sshra.s32 @!p1 s22, $0x1F  }
0x2f: {  	s11 =	sshra.s32 @!p1 s21, $0x1F;
	p3 =	sgt.s32 @!p1 s20, $0x780;
	p2 =	por !p2, p1  }
0x30: {  	s9 =	sand.u32 @!p1 s9, s22;
	s11 =	sand.u32 @!p1 s11, s21;
	s0 =	simm.s32 @p2 $0x3  }
0x31: {  	p3 =	por !p3, p1;
	p2 =	sgt.s32 @!p1 s21, $0xF;
	s0 =	ssub.s32 @!p1 s0, s9  }
0x32: {  	p2 =	por !p2, p1;
	s9 =	smov.u32 s21;
	s21 =	sadd.s32 @!p1 $0xFFFFFFFD, s0  }
0x33: {  	s9 =	simm.s32 @p2 $0xF;
	s0 =	ssub.s32 @!p1 $0x4, s0;
	p2 =	sgt.s32 @!p1 s21, $0x0  }
0x34: {  	s9 =	ssub.s32 @!p1 s9, s11;
	s21 =	sshra.s32 @!p1 s20, $0x1F;
	p2 =	por !p2, p1  }
0x35: {  	s11 =	sadd.s32 @!p1 $0xFFFFFFF1, s9;
	s9 =	ssub.s32 @!p1 $0x10, s9;
	s0 =	simm.s32 @!p2 $0x0  }
0x36: {  	p2 =	sgt.s32 @!p1 s11, $0x0;
	s11 =	smov.u32 s20;
	s20 =	sand.u32 @!p1 s21, s20  }
0x37: {  	s21 =	sshra.s32 @!p1 s19, $0x1F;
	s11 =	simm.s32 @p3 $0x780;
	p3 =	sgt.s32 @!p1 s19, $0x8  }
0x38: {  	p2 =	por !p2, p1;
	s11 =	ssub.s32 @!p1 s11, s20;
	p3 =	por !p3, p1  }
0x39: {  	s20 =	smov.u32 s19;
	s19 =	sand.u32 @!p1 s21, s19;
	s21 =	sadd.s32 @!p1 $0xFFFFF880, s11  }
0x3a: {  	s9 =	simm.s32 @!p2 $0x0;
	s20 =	simm.s32 @p3 $0x8;
	p2 =	sgt.s32 @!p1 s21, $0x7F  }
0x3b: {  	s11 =	ssub.s32 @!p1 $0x800, s11;
	s19 =	ssub.s32 @!p1 s20, s19;
	p2 =	por !p2, p1  }
0x3c: {  	s22 =	smov.u32 s13;
	s20 =	sadd.s32 @!p1 $0xFFFFFFF8, s19;
	s11 =	simm.s32 @!p2 $0x0  }
0x3d: {  	p2 =	sgt.s32 s23, $0x82;
	s0 =	smul.u32 @!p1 s0, s11;
	s11 =	simm.s32 $0x1  }
0x3e: {  	s19 =	ssub.s32 @!p1 $0x88, s19;
	p3 =	sgt.s32 @!p1 s20, $0x7F;
	s11 =	simm.s32 @!p2 $0x0  }
0x3f: {  	p3 =	por !p3, p1;
	s0 =	smul.u32 @!p1 s9, s0;
	s9 =	sadd.s32 s11, s15  }
0x40: {  	s19 =	simm.s32 @!p3 $0x0;
	s11 =	sadd.s32 $0x400, s16;
	p3 =	sgt.s32 s9, $0xF  }
0x41: {  	s13 =	smov.u32 s17;
	s21 =	smov.u32 s1;
	s24 =	smov.u32 @p3 s11  }
0x42: {  	s23 =	simm.s32 @p2 $0x0;
	s11 =	sadd.s32 $0x4, s17;
	p2 =	sgt.s32 s24, $0x7FF  }
0x43: {  	s1 =	smov.u32 s15;
	s20 =	smov.u32 s12;
	s25 =	smov.u32 @p2 s11  }
0x44: {  	s12 =	smov.u32 s16;
	s24 =	smov.u32 @p2 s2;
	p2 =	sgt.s32 s25, $0x3  }
0x45: {  	s0 =	smul.u32 @!p1 s19, s0;
	s25 =	smov.u32 @p2 s5;
	p2 =	sne.s32 s18, s8  }
.Ltmp1:
0x46: {  	s9 =	simm.s32 @p3 $0x0;
	s19 =	smov.u32 s10;
	(pc) =	sbr.rel @!p2 .LBB1_6-.Ltmp1, $4  }
0x47: {  	s10 =	smov.u32 s14;
	s0 =	sand.u32 @!p1 $0x3FFFFFFF, s0;
	s11 =	simm.s32 @!p1 $0x2  }
0x48: {  	s14 =	smov.u32 s23;
	s15 =	smov.u32 s9;
	_ =	swait.ge @!p1 [sflag:s11], s0  }
0x49: {  	s0 =	ssub.s32 @!p1 $0x0, s0;
	s16 =	smov.u32 s24;
	[sflag:s11] =	ssyncset.done @!p1 $0x0  }
0x4a: {  	s18 =	sadd.s32 $0x1, s18;
	[sflag:s11] =	ssyncadd.s32 @!p1 s0;
	s17 =	smov.u32 s25  }
.LBB1_1:
0x4b: {  	p1 =	sge.u32 s18, s7;
	s31 =	sadd.s32 $0xFFFFFFFF, s18  }
0x4c: {  	s23 =	sxor.u32 @!p1 $0xFFFFFFFF, s18;
	s24 =	sand.u32 @!p1 $0x78, s14;
	s25 =	sshll.u32 @!p1 s15, $0x8  }
0x4d: {  	s26 =	sshll.u32 @!p1 s14, $0x3;
	s27 =	sshll.u32 @!p1 s15, $0x7;
	s23 =	sshll.u32 @!p1 s23, $0xE  }
0x4e: {  	s25 =	sand.u32 @!p1 $0x800, s25;
	s26 =	sand.u32 @!p1 $0xC00, s26;
	s23 =	sand.u32 @!p1 $0x4000, s23  }
0x4f: {  	s25 =	sadd.s32 @!p1 s25, s26;
	s26 =	sand.u32 @!p1 $0x300, s27;
	s27 =	sand.u32 @!p1 $0x80, s27  }
0x50: {  	s25 =	sor.u32 @!p1 s26, s25;
	s24 =	sor.u32 @!p1 s24, s27;
	s26 =	sshll.u32 @!p1 s17, $0x14  }
0x51: {  	s27 =	sshll.u32 @!p1 s16, $0x9;
	s25 =	sshrl.u32 @!p1 s25, $0x3;
	s26 =	sadd.s32 @!p1 s3, s26  }
0x52: {  	s24 =	sshrl.u32 @!p1 s24, $0x3;
	s26 =	sadd.s32 @!p1 s27, s26;
	s27 =	sand.u32 @!p1 $0x7, s14  }
0x53: {  	s25 =	sand.u32 @!p1 $0x1E0, s25;
	s24 =	sadd.s32 @!p1 s24, s26;
	s26 =	sshll.u32 @!p1 s27, $0x12  }
0x54: {  	s24 =	sadd.s32 @!p1 s25, s24;
	s25 =	sor.u32 @!p1 $0x80, s26;
	s26 =	simm.s32 @!p1 $0x1000  }
0x55: {  	[tilespmem:s23], [sflag:$0x1] =	stream.strided.gather @!p1 [hbm4b:s24+s25], $0x4000, s26, s25, $0x38;
	[tilespmem:$0x10100] =	vst v63  }
0x56: {  	p1 =	sge.u32 s31, s7  }
.Ltmp2:
0x57: {  	_ = 	snop;
	(pc) =	sbr.rel @p1 .LBB1_5-.Ltmp2, $1  }
0x58: {  	_ =	sdelay $0x3  }
0x59: {  	s23 =	simm.s32 $0x1  }
0x5a: {  	_ =	swait.ge [sflag:s6], $0x4000;
	s23 =	simm.s32 @!p0 $0x0  }
0x5b: {  	[sflag:s6] =	ssyncset.done $0x0;
	s24 =	sshll.u32 s23, $0xE  }
0x5c: {  	[sflag:s6] =	ssyncadd.s32 $0xFFFFC000;
	s24 =	sor.u32 $0x40, s24  }
0x5d: {  	s23 =	smul.u32 $0x10200, s23;
	v0 =	vld [tilespmem:s24+$0x30]  }
0x5e: {  	v1 =	vld [tilespmem:s24+$0xFFFFFFD0]  }
0x5f: {  	s23 =	sshrl.u32 s23, $0x2;
	v5 =	vld [tilespmem:s24+$0xFFFFFFE0]  }
0x60: {  	v6 =	vld [tilespmem:s24+$0xFFFFFFF0];
	s26 =	sor.u32 $0x8000, s23  }
0x61: {  	s31 =	sand.u32 $0x1, s18;
	v4 =	vld [tilespmem:s24+$0x0];
	s25 =	sadd.s32 $0x0, s26  }
0x62: {  	v3 =	vld [tilespmem:s24+$0x10];
	s23 =	smul.u32 $0x10200, s31;
	[tilespmem:s25+$0x3870 ss:$0x81] =	vst.msk $0xffff, v0  }
0x63: {  	v2 =	vld [tilespmem:s24+$0x20];
	[tilespmem:s25+$0x810 ss:$0x81] =	vst.msk $0xffff, v1  }
0x64: {  	s23 =	sshrl.u32 s23, $0x2;
	v1 =	vld [tilespmem:s24+$0xFFFFFFC0];
	[tilespmem:s25+$0x1020 ss:$0x81] =	vst.msk $0xffff, v5;
	s24 =	sadd.s32 $0x80, s24  }
0x65: {  	s27 =	simm.s32 $0x4;
	s28 =	simm.s32 $0x8;
	s23 =	sor.u32 $0x8000, s23;
	[tilespmem:s25+$0x1830 ss:$0x81] =	vst.msk $0xffff, v6;
	v0 =	vld [tilespmem:s24+$0x30]  }
.LBB1_3:
0x66: {  	p1 =	sne.s32 s28, $0x1FC;
	v5 =	vld [tilespmem:s24+$0xFFFFFFD0];
	[tilespmem:s25+$0x2040 ss:$0x81] =	vst.msk $0xffff, v4  }
0x67: {  	v6 =	vld [tilespmem:s24+$0xFFFFFFE0];
	[tilespmem:s25+$0x2850 ss:$0x81] =	vst.msk $0xffff, v3  }
0x68: {  	s29 =	sshra.s32 s27, $0x2;
	s27 =	smov.u32 s28;
	v7 =	vld [tilespmem:s24+$0xFFFFFFF0];
	[tilespmem:s25+$0x3060 ss:$0x81] =	vst.msk $0xffff, v2  }
.Ltmp3:
0x69: {  	v4 =	vld [tilespmem:s24+$0x0];
	[tilespmem:s25+$0x0 ss:$0x81] =	vst.msk $0xffff, v1;
	s25 =	sadd.s32 s29, s26;
	(pc) =	sbr.rel @p1 .LBB1_3-.Ltmp3, $4  }
0x6a: {  	v3 =	vld [tilespmem:s24+$0x10];
	[tilespmem:s25+$0x3870 ss:$0x81] =	vst.msk $0xffff, v0  }
0x6b: {  	[tilespmem:s25+$0x810 ss:$0x81] =	vst.msk $0xffff, v5;
	v2 =	vld [tilespmem:s24+$0x20]  }
0x6c: {  	v1 =	vld [tilespmem:s24+$0xFFFFFFC0];
	[tilespmem:s25+$0x1020 ss:$0x81] =	vst.msk $0xffff, v6;
	s24 =	sadd.s32 $0x80, s24  }
0x6d: {  	s28 =	sadd.s32 $0x4, s28;
	v0 =	vld [tilespmem:s24+$0x30];
	[tilespmem:s25+$0x1830 ss:$0x81] =	vst.msk $0xffff, v7  }
.Ltmp4:
0x6e: {  	_ = 	snop;
	(pc) =	sbr.rel .LBB1_4-.Ltmp4, $1  }
0x6f: {  	_ =	sdelay $0x3  }
.LBB1_6:
0x70: {  	_ =	sfence.sel $0x180000  }
0x71: {  	s0 =	simm.s32 $0x1;
	[bflag:$0x0] =	sbarrier.arrive $0xFFFF  }
0x72: {  	s30 =	simm.s32 $0x2;
	[sflag:s0] =	ssyncpa.u1 $0x1  }
0x73: {  	[sflag:s30] =	ssyncpa.u1 $0x1  }
0x74: {  	_ =	strace $0x90000053  }
0x75: {  	s31 =	stileid.u32;
	[bflag:$0x2] =	sbarrier.arrive $0xFFFF  }
0x76: {  	p0 =	sne.s32 s31, $0x0;
	s0 =	rddreg [dreg:$0x1]  }
0x77: {  	s0 =	sadd.s32 @!p0 $0x100000, s0  }
0x78: {  	[sflag:s0] =	ssyncadd.tile.s32 @!p0 $0x1;
	_ =	shalt  }
.Lfunc_end1:
_tile_overlayer_lowered:
.L_overlay_start_2:
0x79: {  	(tag) =	ssettag $0x2  }
0x7a: {  	s0 =	rddreg [dreg:$0x0];
	s2 =	stileid.u32  }
0x7b: {  	s1 =	rddreg [dreg:$0x1];
	p0 =	sne.s32 s2, $0x0  }
0x7c: {  	s3 =	rddreg [dreg:$0x2];
	[bflag:$0x3] =	sbarrier.arrive $0xFFFF;
	s2 =	simm.s32 @!p0 $0x1C01  }
0x7d: {  	[timem:s3], [sflag:s2] =	dma.local @!p0 [hbm:s0], s1  }
0x7e: {  	s0 =	simm.s32 @!p0 $0x1  }
0x7f: {  	_ =	swait.ge @!p0 [sflag:s0], s1  }
0x80: {  	s1 =	ssub.s32 @!p0 $0x0, s1;
	[sflag:s0] =	ssyncset.done @!p0 $0x0  }
0x81: {  	[sflag:s0] =	ssyncadd.s32 @!p0 s1  }
0x82: {  	[bflag:$0x3] =	sbarrier.arrive $0xFFFF  }
0x83: {  	_ =	shalt  }

</sc_bundles>
